<compile_context>
chip_gen: v7x
topology: tpu7x:2x2x1
jax: 0.10.2.dev20260603
libtpu: 0.0.44.dev20260713+nightly
codegen_flags: <defaults>
</compile_context>

<pallas_src>
import functools

import jax
import jax.numpy as jnp
from jax import lax
from jax.experimental import pallas as pl
from jax.experimental.pallas import tpu as pltpu
from jax.experimental.pallas import tpu_sc as plsc

KNN = 20
TN = 512
_NEG = -3.0e38


NCH = 64
CS = 64
RMAX = 8


def _topk_body(xtf_ref, xt_ref, idx_ref, d_s, cv_s, ci_s, *, n):
    xtf = xtf_ref[0]
    xi = xt_ref[0]
    g = lax.dot_general(xtf, xi, (((1,), (0,)), ((), ())),
                        preferred_element_type=jnp.float32)
    xxs = jnp.sum(xtf * xtf, axis=1, keepdims=True)
    d = 2.0 * g - xxs
    base = pl.program_id(1) * TN
    sub_i = lax.broadcasted_iota(jnp.int32, (n, TN), 0)
    lane_i = lax.broadcasted_iota(jnp.int32, (n, TN), 1) + base
    d = jnp.where(sub_i == lane_i, _NEG, d)
    d_s[...] = d.reshape(NCH, CS, TN)
    cv_s[...] = jnp.full((RMAX, NCH, TN), _NEG, jnp.float32)
    ci_s[...] = jnp.zeros((RMAX, NCH, TN), jnp.int32)
    ch_i = lax.broadcasted_iota(jnp.int32, (NCH, CS, TN), 1)
    qbase = lax.broadcasted_iota(jnp.int32, (NCH, TN), 0) * CS

    m0 = jnp.max(d.reshape(NCH, CS, TN), axis=1)

    def cond(c):
        r, done, _ = c
        return jnp.logical_and(r < RMAX, jnp.logical_not(done))

    def body(c):
        r, _, m = c
        d3 = d_s[...]
        eq = d3 == m[:, None, :]
        mi = jnp.where(eq, ch_i, CS)
        a = jnp.min(mi, axis=1)
        d_new = jnp.where(eq, _NEG, d3)
        d_s[...] = d_new
        cv_s[r] = m
        ci_s[r] = qbase + a
        m2 = jnp.max(d_new, axis=1)
        mm = jnp.max(m2, axis=0)
        hits = (cv_s[...] > mm[None, None, :]).astype(jnp.int32)
        cnt = jnp.sum(jnp.sum(hits, axis=0), axis=0)
        done = jnp.all(cnt >= KNN - 1)
        return (r + 1, done, m2)

    lax.while_loop(cond, body, (jnp.int32(0), jnp.bool_(False), m0))

    cv = cv_s[...]
    ci = ci_s[...]
    picked = []
    for _ in range(KNN - 1):
        mvc = jnp.max(cv, axis=0)
        mv = jnp.max(mvc, axis=0)[None, None, :]
        eq = cv == mv
        mi = jnp.where(eq, ci, n)
        agc = jnp.min(mi, axis=0)
        ag = jnp.min(agc, axis=0)[None, :]
        cv = jnp.where(eq & (ci == ag[None, :, :]), _NEG, cv)
        picked.append(ag)
    rid_row = lax.broadcasted_iota(jnp.int32, (1, TN), 1) + base
    stack = jnp.concatenate([rid_row] + picked, axis=0)
    idx_ref[0] = jnp.transpose(stack)


def _make_gather(b_sz, n):
    info = plsc.get_sparse_core_info()
    nc, ns = info.num_cores, info.num_subcores
    nw = nc * ns
    rpw = (b_sz * n) // nw
    cpb = n // rpw
    mesh = plsc.VectorSubcoreMesh(core_axis_name="c", subcore_axis_name="s")

    @functools.partial(
        pl.kernel, mesh=mesh,
        compiler_params=pltpu.CompilerParams(needs_layout_passes=False),
        out_type=jax.ShapeDtypeStruct((b_sz, 3, KNN, n), jnp.float32),
        scratch_types=[
            pltpu.VMEM((3 * n,), jnp.float32),
            pltpu.VMEM((rpw * KNN,), jnp.int32),
            pltpu.VMEM((3, KNN, rpw), jnp.float32),
        ],
    )
    def gather(x_hbm, idx_hbm, out_hbm, xv, idxv, outv):
        wid = lax.axis_index("s") * nc + lax.axis_index("c")
        b = wid // cpb
        nb = (wid % cpb) * rpw
        pltpu.sync_copy(x_hbm.at[b], xv)
        pltpu.sync_copy(idx_hbm.at[b, pl.ds(nb * KNN, rpw * KNN)], idxv)
        lane = lax.broadcasted_iota(jnp.int32, (16,), 0)

        def body(gidx, carry):
            rows = (lane + gidx * 16) * KNN
            for j in range(KNN):
                nidx = plsc.load_gather(idxv, [rows + j])
                for c in range(3):
                    vals = plsc.load_gather(xv, [nidx + c * n])
                    outv[c, j, pl.ds(gidx * 16, 16)] = vals
            return carry

        lax.fori_loop(0, rpw // 16, body, 0)
        pltpu.sync_copy(outv, out_hbm.at[b, :, :, pl.ds(nb, rpw)])

    return gather


def _y_tiles(xt_ref, ng_ref, w1_ref, b1_ref):
    xi = xt_ref[0]
    w1 = w1_ref[...]
    b1 = b1_ref[...]
    for j in range(KNN):
        nj = ng_ref[0, :, j, :]
        feat = jnp.concatenate([nj - xi, xi], axis=0)
        yield lax.dot_general(w1, feat, (((1,), (0,)), ((), ())),
                              preferred_element_type=jnp.float32) + b1


def _stats_body(xt_ref, ng_ref, w1_ref, b1_ref, sy_ref, sy2_ref):
    @pl.when((pl.program_id(0) == 0) & (pl.program_id(1) == 0))
    def _():
        sy_ref[...] = jnp.zeros_like(sy_ref)
        sy2_ref[...] = jnp.zeros_like(sy2_ref)
    acc = jnp.zeros((64, TN), jnp.float32)
    acc2 = jnp.zeros((64, TN), jnp.float32)
    for y in _y_tiles(xt_ref, ng_ref, w1_ref, b1_ref):
        acc += y
        acc2 += y * y
    sy_ref[...] += acc
    sy2_ref[...] += acc2


def _edge_body(xt_ref, ng_ref, w1_ref, b1_ref, g1_ref, be1_ref, sy_ref,
               sy2_ref, w2_ref, b2_ref, m1_ref, m2_ref, z_ref, sz_ref,
               sz2_ref, *, cnt1):
    inv = jnp.float32(1.0 / cnt1)
    mu = jnp.sum(sy_ref[...], axis=1, keepdims=True) * inv
    ex2 = jnp.sum(sy2_ref[...], axis=1, keepdims=True) * inv
    rstd = lax.rsqrt(ex2 - mu * mu + 1e-5)
    sc = g1_ref[...] * rstd
    sh = be1_ref[...] - mu * sc
    m1 = jnp.full((64, TN), _NEG, jnp.float32)
    s = jnp.zeros((64, TN), jnp.float32)
    for y in _y_tiles(xt_ref, ng_ref, w1_ref, b1_ref):
        h = jnp.maximum(sc * y + sh, 0.0)
        m1 = jnp.maximum(m1, h)
        s += h
    m2 = s / jnp.float32(KNN)
    m1_ref[0] = m1
    m2_ref[0] = m2
    cat = jnp.concatenate([m1, m2], axis=0)
    z = lax.dot_general(w2_ref[...], cat, (((1,), (0,)), ((), ())),
                        preferred_element_type=jnp.float32) + b2_ref[...]
    z_ref[0] = z

    @pl.when((pl.program_id(0) == 0) & (pl.program_id(1) == 0))
    def _():
        sz_ref[...] = jnp.zeros_like(sz_ref)
        sz2_ref[...] = jnp.zeros_like(sz2_ref)
    sz_ref[...] += z
    sz2_ref[...] += z * z


def _out_body(z_ref, sz_ref, sz2_ref, g2_ref, be2_ref, out_ref, *, cnt2):
    inv = jnp.float32(1.0 / cnt2)
    mu = jnp.sum(sz_ref[...], axis=1, keepdims=True) * inv
    ex2 = jnp.sum(sz2_ref[...], axis=1, keepdims=True) * inv
    rstd = lax.rsqrt(ex2 - mu * mu + 1e-5)
    sc = g2_ref[...] * rstd
    sh = be2_ref[...] - mu * sc
    out_ref[0] = jnp.maximum(sc * z_ref[0] + sh, 0.0)


def kernel(x, W1, b1, g1, be1, W2, b2, g2, be2):
    b_sz, c, n = x.shape
    nt = n // TN
    xT = jnp.transpose(x, (0, 2, 1))
    b1r, g1r, be1r = (v.reshape(64, 1) for v in (b1, g1, be1))
    b2r, g2r, be2r = (v.reshape(64, 1) for v in (b2, g2, be2))

    idx = pl.pallas_call(
        functools.partial(_topk_body, n=n),
        grid=(b_sz, nt),
        in_specs=[
            pl.BlockSpec((1, n, c), lambda b, t: (b, 0, 0)),
            pl.BlockSpec((1, c, TN), lambda b, t: (b, 0, t)),
        ],
        out_specs=pl.BlockSpec((1, TN, KNN), lambda b, t: (b, t, 0)),
        out_shape=jax.ShapeDtypeStruct((b_sz, n, KNN), jnp.int32),
        scratch_shapes=[
            pltpu.VMEM((NCH, CS, TN), jnp.float32),
            pltpu.VMEM((RMAX, NCH, TN), jnp.float32),
            pltpu.VMEM((RMAX, NCH, TN), jnp.int32),
        ],
    )(xT, x)

    neigh = _make_gather(b_sz, n)(
        x.reshape(b_sz, c * n), idx.reshape(b_sz, n * KNN))

    tile_specs = [
        pl.BlockSpec((1, c, TN), lambda b, t: (b, 0, t)),
        pl.BlockSpec((1, c, KNN, TN), lambda b, t: (b, 0, 0, t)),
        pl.BlockSpec((64, 2 * c), lambda b, t: (0, 0)),
        pl.BlockSpec((64, 1), lambda b, t: (0, 0)),
    ]
    acc_spec = pl.BlockSpec((64, TN), lambda b, t: (0, 0))
    acc_shape = jax.ShapeDtypeStruct((64, TN), jnp.float32)

    sy, sy2 = pl.pallas_call(
        _stats_body,
        grid=(b_sz, nt),
        in_specs=tile_specs,
        out_specs=[acc_spec, acc_spec],
        out_shape=[acc_shape, acc_shape],
    )(x, neigh, W1, b1r)

    col_spec = pl.BlockSpec((1, 64, TN), lambda b, t: (b, 0, t))
    col_shape = jax.ShapeDtypeStruct((b_sz, 64, n), jnp.float32)
    m1, m2, z, sz, sz2 = pl.pallas_call(
        functools.partial(_edge_body, cnt1=float(b_sz * n * KNN)),
        grid=(b_sz, nt),
        in_specs=tile_specs[:2] + [
            tile_specs[2],
            tile_specs[3], tile_specs[3], tile_specs[3],
            acc_spec, acc_spec,
            pl.BlockSpec((64, 128), lambda b, t: (0, 0)),
            tile_specs[3],
        ],
        out_specs=[col_spec, col_spec, col_spec, acc_spec, acc_spec],
        out_shape=[col_shape, col_shape, col_shape, acc_shape, acc_shape],
    )(x, neigh, W1, b1r, g1r, be1r, sy, sy2, W2, b2r)

    out = pl.pallas_call(
        functools.partial(_out_body, cnt2=float(b_sz * n)),
        grid=(b_sz, nt),
        in_specs=[col_spec, acc_spec, acc_spec, tile_specs[3], tile_specs[3]],
        out_specs=col_spec,
        out_shape=col_shape,
    )(z, sz, sz2, g2r, be2r)

    shp = (b_sz, 64, n, 1)
    return (out.reshape(shp), m1.reshape(shp), m2.reshape(shp))

# --- scband reference (transcript-rebuilt; emitter-appended) ---
"""Pipeline reference for scband-my-edge-conv-61194694033729 (READ-ONLY COPY).

The authoritative reference and input builder live on the scoring server;
editing this copy changes nothing except your own understanding.
"""

import jax, jax.numpy as jnp
import numpy as np

K_NEIGH = 20


def get_graph_feature(x, k):
    # x: [B, C, N] -> edge features [B, 2C, N, k] (DGCNN style)
    B, C, N = x.shape
    inner = -2.0 * jnp.einsum('bcn,bcm->bnm', x, x)
    xx = jnp.sum(x * x, axis=1, keepdims=True)          # [B, 1, N]
    pairwise = -jnp.transpose(xx, (0, 2, 1)) - inner - xx  # negative squared distance [B, N, N]
    _, idx = jax.lax.top_k(pairwise, k)                 # [B, N, k]
    x_t = jnp.transpose(x, (0, 2, 1))                   # [B, N, C]
    batch_idx = jnp.arange(B)[:, None, None]
    neigh = x_t[batch_idx, idx]                         # [B, N, k, C] gather
    xi = jnp.broadcast_to(x_t[:, :, None, :], neigh.shape)
    feat = jnp.concatenate([neigh - xi, xi], axis=-1)   # [B, N, k, 2C]
    return jnp.transpose(feat, (0, 3, 1, 2))            # [B, 2C, N, k]


def conv_bn_relu(x, W, b, gamma, beta):
    # 1x1 Conv2d + BatchNorm2d (training-mode batch stats) + ReLU
    y = jnp.einsum('bcnk,oc->bonk', x, W) + b[None, :, None, None]
    mean = jnp.mean(y, axis=(0, 2, 3), keepdims=True)
    var = jnp.var(y, axis=(0, 2, 3), keepdims=True)
    yn = (y - mean) / jnp.sqrt(var + 1e-5)
    y = gamma[None, :, None, None] * yn + beta[None, :, None, None]
    return jax.nn.relu(y)


def setup_inputs(seed: int = 0) -> dict:
    key = jax.random.key(seed)
    k0, k1, k2 = jax.random.split(key, 3)
    B, C, N = 4, 3, 4096
    dim_out = 64
    x = jax.random.normal(k0, (B, C, N), dtype=jnp.float32)
    W1 = jax.random.normal(k1, (64, 2 * C), dtype=jnp.float32) * 0.1
    b1 = jnp.zeros((64,), dtype=jnp.float32)
    g1 = jnp.ones((64,), dtype=jnp.float32)
    be1 = jnp.zeros((64,), dtype=jnp.float32)
    W2 = jax.random.normal(k2, (dim_out, 128), dtype=jnp.float32) * 0.1
    b2 = jnp.zeros((dim_out,), dtype=jnp.float32)
    g2 = jnp.ones((dim_out,), dtype=jnp.float32)
    be2 = jnp.zeros((dim_out,), dtype=jnp.float32)
    return {"x": x, "W1": W1, "b1": b1, "g1": g1, "be1": be1,
            "W2": W2, "b2": b2, "g2": g2, "be2": be2}


def reference(x, W1, b1, g1, be1, W2, b2, g2, be2):
    feat = get_graph_feature(x, K_NEIGH)            # [B, 6, N, k]
    h = conv_bn_relu(feat, W1, b1, g1, be1)         # [B, 64, N, k]
    m1 = jnp.max(h, axis=-1, keepdims=True)         # [B, 64, N, 1]
    m2 = jnp.mean(h, axis=-1, keepdims=True)        # [B, 64, N, 1]
    cat = jnp.concatenate([m1, m2], axis=1)         # [B, 128, N, 1]
    out = conv_bn_relu(cat, W2, b2, g2, be2)        # [B, 64, N, 1]
    return (out, m1, m2)

if __name__ == "__main__":
    import jax
    _d = setup_inputs()
    print(jax.jit(kernel)(*tuple(_d.values())))

</pallas_src>

<mosaic_0001>
#map = affine_map<(d0, d1) -> (0, 0)>
#map1 = affine_map<(d0, d1) -> (0, 0, 0, 0)>
module attributes {stable_mosaic.version = 14 : i64} {
  func.func @gather(%arg0: i32, %arg1: i32, %arg2: memref<4x12288xf32, #tpu.memory_space<hbm>>, %arg3: memref<4x81920xi32, #tpu.memory_space<hbm>>, %arg4: memref<4x3x20x4096xf32, #tpu.memory_space<hbm>>, %arg5: memref<12288xf32, #tpu.memory_space<vmem>>, %arg6: memref<10240xi32, #tpu.memory_space<vmem>>, %arg7: memref<3x20x512xf32, #tpu.memory_space<vmem>>) attributes {dimension_semantics = [#tpu.dimension_semantics<core_parallel>, #tpu.dimension_semantics<subcore_parallel>], iteration_bounds = array<i64: 2, 16>, scalar_prefetch = 0 : i64, scratch_operands = 3 : i64, tpu.core_type = #tpu.core_type<sc_vector_subcore>, window_params = [{transform_indices = #map}, {transform_indices = #map}, {transform_indices = #map1}]} {
    %mul3A = arith.constant 2 : i32
    %mul3A_0 = arith.muli %arg1, %mul3A : i32
    %add3A = arith.addi %mul3A_0, %arg0 : i32
    %jit3A = arith.constant 8 : i32
    %div3A = arith.divsi %add3A, %jit3A : i32
    %sign3A = arith.constant 0 : i32
    %sign3A_1 = arith.cmpi sgt, %add3A, %sign3A : i32
    %sign3A_2 = arith.extui %sign3A_1 : i1 to i32
    %sign3A_3 = arith.constant 0 : i32
    %sign3A_4 = arith.cmpi slt, %add3A, %sign3A_3 : i32
    %sign3A_5 = arith.extui %sign3A_4 : i1 to i32
    %sign3A_6 = arith.subi %sign3A_2, %sign3A_5 : i32
    %sign3A_7 = arith.constant 0 : i32
    %sign3A_8 = arith.cmpi sgt, %jit3A, %sign3A_7 : i32
    %sign3A_9 = arith.extui %sign3A_8 : i1 to i32
    %sign3A_10 = arith.constant 0 : i32
    %sign3A_11 = arith.cmpi slt, %jit3A, %sign3A_10 : i32
    %sign3A_12 = arith.extui %sign3A_11 : i1 to i32
    %sign3A_13 = arith.subi %sign3A_9, %sign3A_12 : i32
    %ne3A = arith.cmpi ne, %sign3A_6, %sign3A_13 : i32
    %rem3A = arith.remsi %add3A, %jit3A : i32
    %ne3A_14 = arith.constant 0 : i32
    %ne3A_15 = arith.cmpi ne, %rem3A, %ne3A_14 : i32
    %and3A = arith.andi %ne3A, %ne3A_15 : i1
    %sub3A = arith.constant 1 : i32
    %sub3A_16 = arith.subi %div3A, %sub3A : i32
    %select_n3A = arith.select %and3A, %sub3A_16, %div3A : i32
    %jit3A_17 = arith.constant 8 : i32
    %eq3A = arith.constant 0 : i32
    %eq3A_18 = arith.cmpi eq, %jit3A_17, %eq3A : i32
    %jit3A_19 = arith.constant 1 : i32
    %select_n3A_20 = arith.select %eq3A_18, %jit3A_19, %jit3A_17 : i32
    %rem3A_21 = arith.remsi %add3A, %select_n3A_20 : i32
    %ne3A_22 = arith.constant 0 : i32
    %ne3A_23 = arith.cmpi ne, %rem3A_21, %ne3A_22 : i32
    %lt3A = arith.constant 0 : i32
    %lt3A_24 = arith.cmpi slt, %rem3A_21, %lt3A : i32
    %lt3A_25 = arith.constant 0 : i32
    %lt3A_26 = arith.cmpi slt, %select_n3A_20, %lt3A_25 : i32
    %ne3A_27 = arith.xori %lt3A_24, %lt3A_26 : i1
    %and3A_28 = arith.andi %ne3A_27, %ne3A_23 : i1
    %add3A_29 = arith.addi %rem3A_21, %select_n3A_20 : i32
    %select_n3A_30 = arith.select %and3A_28, %add3A_29, %rem3A_21 : i32
    %mul3A_31 = arith.constant 512 : i32
    %mul3A_32 = arith.muli %select_n3A_30, %mul3A_31 : i32
    "tpu.region"() ({
      %run_scoped3A = tpu.sem_alloc : memref<!tpu.dma_semaphore, #tpu.memory_space<semaphore_mem>>
      %dma_start3A = arith.constant 0 : i32
      %dma_start3A_40 = tpu.memref_slice %arg2[%select_n3A, %dma_start3A] : memref<4x12288xf32, #tpu.memory_space<hbm>> -> memref<1x12288xf32, #tpu.memory_space<hbm>>
      %dma_start3A_41 = tpu.memref_squeeze %dma_start3A_40 : memref<1x12288xf32, #tpu.memory_space<hbm>> -> memref<12288xf32, #tpu.memory_space<hbm>>
      %dma_start3A_42 = arith.constant 0 : i32
      %dma_start3A_43 = tpu.memref_slice %arg2[%select_n3A, %dma_start3A_42] : memref<4x12288xf32, #tpu.memory_space<hbm>> -> memref<1x12288xf32, #tpu.memory_space<hbm>>
      %dma_start3A_44 = tpu.memref_squeeze %dma_start3A_43 : memref<1x12288xf32, #tpu.memory_space<hbm>> -> memref<12288xf32, #tpu.memory_space<hbm>>
      tpu.enqueue_dma source(%dma_start3A_44 : memref<12288xf32, #tpu.memory_space<hbm>>) target(%arg5 : memref<12288xf32, #tpu.memory_space<vmem>>) target_semaphore(%run_scoped3A : memref<!tpu.dma_semaphore, #tpu.memory_space<semaphore_mem>>)
      %dma_wait3A = arith.constant 0 : i32
      %dma_wait3A_45 = tpu.memref_slice %arg2[%select_n3A, %dma_wait3A] : memref<4x12288xf32, #tpu.memory_space<hbm>> -> memref<1x12288xf32, #tpu.memory_space<hbm>>
      %dma_wait3A_46 = tpu.memref_squeeze %dma_wait3A_45 : memref<1x12288xf32, #tpu.memory_space<hbm>> -> memref<12288xf32, #tpu.memory_space<hbm>>
      %dma_wait3A_47 = arith.constant 0 : i32
      %dma_wait3A_48 = tpu.memref_slice %arg2[%select_n3A, %dma_wait3A_47] : memref<4x12288xf32, #tpu.memory_space<hbm>> -> memref<1x12288xf32, #tpu.memory_space<hbm>>
      %dma_wait3A_49 = tpu.memref_squeeze %dma_wait3A_48 : memref<1x12288xf32, #tpu.memory_space<hbm>> -> memref<12288xf32, #tpu.memory_space<hbm>>
      tpu.wait_dma2 semaphore(%run_scoped3A : memref<!tpu.dma_semaphore, #tpu.memory_space<semaphore_mem>>) src(%dma_wait3A_49 : memref<12288xf32, #tpu.memory_space<hbm>>) dst(%arg5 : memref<12288xf32, #tpu.memory_space<vmem>>)
      tpu.yield
    }) : () -> ()
    %mul3A_33 = arith.constant 20 : i32
    %mul3A_34 = arith.muli %mul3A_32, %mul3A_33 : i32
    "tpu.region"() ({
      %run_scoped3A = tpu.sem_alloc : memref<!tpu.dma_semaphore, #tpu.memory_space<semaphore_mem>>
      %dma_start3A = tpu.memref_slice %arg3[%select_n3A, %mul3A_34] : memref<4x81920xi32, #tpu.memory_space<hbm>> -> memref<1x10240xi32, #tpu.memory_space<hbm>>
      %dma_start3A_40 = tpu.memref_squeeze %dma_start3A : memref<1x10240xi32, #tpu.memory_space<hbm>> -> memref<10240xi32, #tpu.memory_space<hbm>>
      %dma_start3A_41 = tpu.memref_slice %arg3[%select_n3A, %mul3A_34] : memref<4x81920xi32, #tpu.memory_space<hbm>> -> memref<1x10240xi32, #tpu.memory_space<hbm>>
      %dma_start3A_42 = tpu.memref_squeeze %dma_start3A_41 : memref<1x10240xi32, #tpu.memory_space<hbm>> -> memref<10240xi32, #tpu.memory_space<hbm>>
      tpu.enqueue_dma source(%dma_start3A_42 : memref<10240xi32, #tpu.memory_space<hbm>>) target(%arg6 : memref<10240xi32, #tpu.memory_space<vmem>>) target_semaphore(%run_scoped3A : memref<!tpu.dma_semaphore, #tpu.memory_space<semaphore_mem>>)
      %dma_wait3A = tpu.memref_slice %arg3[%select_n3A, %mul3A_34] : memref<4x81920xi32, #tpu.memory_space<hbm>> -> memref<1x10240xi32, #tpu.memory_space<hbm>>
      %dma_wait3A_43 = tpu.memref_squeeze %dma_wait3A : memref<1x10240xi32, #tpu.memory_space<hbm>> -> memref<10240xi32, #tpu.memory_space<hbm>>
      %dma_wait3A_44 = tpu.memref_slice %arg3[%select_n3A, %mul3A_34] : memref<4x81920xi32, #tpu.memory_space<hbm>> -> memref<1x10240xi32, #tpu.memory_space<hbm>>
      %dma_wait3A_45 = tpu.memref_squeeze %dma_wait3A_44 : memref<1x10240xi32, #tpu.memory_space<hbm>> -> memref<10240xi32, #tpu.memory_space<hbm>>
      tpu.wait_dma2 semaphore(%run_scoped3A : memref<!tpu.dma_semaphore, #tpu.memory_space<semaphore_mem>>) src(%dma_wait3A_45 : memref<10240xi32, #tpu.memory_space<hbm>>) dst(%arg6 : memref<10240xi32, #tpu.memory_space<vmem>>)
      tpu.yield
    }) : () -> ()
    %iota3A = tpu.iota {dimensions = array<i32: 0>} : vector<16xi32>
    %scan3A = arith.constant 0 : i32
    %scan3A_35 = arith.constant 0 : i32
    %scan3A_36 = arith.constant 32 : i32
    %scan3A_37 = arith.addi %scan3A_35, %scan3A_36 : i32
    %scan3A_38 = arith.constant 1 : i32
    scf.for %scan3A_40 = %scan3A_35 to %scan3A_37 step %scan3A_38  : i32 {
      %mul3A_41 = arith.constant 16 : i32
      %mul3A_42 = arith.muli %scan3A_40, %mul3A_41 : i32
      %add3A_43 = vector.broadcast %mul3A_42 : i32 to vector<16xi32>
      %add3A_44 = arith.addi %iota3A, %add3A_43 : vector<16xi32>
      %mul3A_45 = arith.constant 20 : i32
      %mul3A_46 = vector.broadcast %mul3A_45 : i32 to vector<16xi32>
      %mul3A_47 = arith.muli %add3A_44, %mul3A_46 : vector<16xi32>
      %add3A_48 = arith.constant 0 : i32
      %add3A_49 = vector.broadcast %add3A_48 : i32 to vector<16xi32>
      %add3A_50 = arith.addi %mul3A_47, %add3A_49 : vector<16xi32>
      %gather3A = tpu.vector_load_idx %arg6[%add3A_50] : memref<10240xi32, #tpu.memory_space<vmem>>[vector<16xi32>], vector<16xi32>,
      %add3A_51 = arith.constant 0 : i32
      %add3A_52 = vector.broadcast %add3A_51 : i32 to vector<16xi32>
      %add3A_53 = arith.addi %gather3A, %add3A_52 : vector<16xi32>
      %gather3A_54 = tpu.vector_load_idx %arg5[%add3A_53] : memref<12288xf32, #tpu.memory_space<vmem>>[vector<16xi32>], vector<16xf32>,
      %mul3A_55 = arith.constant 16 : i32
      %mul3A_56 = arith.muli %scan3A_40, %mul3A_55 : i32
      %swap3A = arith.constant 0 : i32
      %swap3A_57 = arith.constant 0 : i32
      %swap3A_58 = arith.index_cast %swap3A : i32 to index
      %swap3A_59 = arith.index_cast %swap3A_57 : i32 to index
      %swap3A_60 = arith.index_cast %mul3A_56 : i32 to index
      %swap3A_61 = tpu.vector_load %arg7[%swap3A_58, %swap3A_59, %swap3A_60] {strides = array<i32>} : memref<3x20x512xf32, #tpu.memory_space<vmem>>, vector<16xf32>,
      tpu.vector_store %arg7[%swap3A_58, %swap3A_59, %swap3A_60], %gather3A_54 {strides = array<i32>} : memref<3x20x512xf32, #tpu.memory_space<vmem>>, vector<16xf32>,
      %add3A_62 = arith.constant 4096 : i32
      %add3A_63 = vector.broadcast %add3A_62 : i32 to vector<16xi32>
      %add3A_64 = arith.addi %gather3A, %add3A_63 : vector<16xi32>
      %gather3A_65 = tpu.vector_load_idx %arg5[%add3A_64] : memref<12288xf32, #tpu.memory_space<vmem>>[vector<16xi32>], vector<16xf32>,
      %mul3A_66 = arith.constant 16 : i32
      %mul3A_67 = arith.muli %scan3A_40, %mul3A_66 : i32
      %swap3A_68 = arith.constant 1 : i32
      %swap3A_69 = arith.constant 0 : i32
      %swap3A_70 = arith.index_cast %swap3A_68 : i32 to index
      %swap3A_71 = arith.index_cast %swap3A_69 : i32 to index
      %swap3A_72 = arith.index_cast %mul3A_67 : i32 to index
      %swap3A_73 = tpu.vector_load %arg7[%swap3A_70, %swap3A_71, %swap3A_72] {strides = array<i32>} : memref<3x20x512xf32, #tpu.memory_space<vmem>>, vector<16xf32>,
      tpu.vector_store %arg7[%swap3A_70, %swap3A_71, %swap3A_72], %gather3A_65 {strides = array<i32>} : memref<3x20x512xf32, #tpu.memory_space<vmem>>, vector<16xf32>,
      %add3A_74 = arith.constant 8192 : i32
      %add3A_75 = vector.broadcast %add3A_74 : i32 to vector<16xi32>
      %add3A_76 = arith.addi %gather3A, %add3A_75 : vector<16xi32>
      %gather3A_77 = tpu.vector_load_idx %arg5[%add3A_76] : memref<12288xf32, #tpu.memory_space<vmem>>[vector<16xi32>], vector<16xf32>,
      %mul3A_78 = arith.constant 16 : i32
      %mul3A_79 = arith.muli %scan3A_40, %mul3A_78 : i32
      %swap3A_80 = arith.constant 2 : i32
      %swap3A_81 = arith.constant 0 : i32
      %swap3A_82 = arith.index_cast %swap3A_80 : i32 to index
      %swap3A_83 = arith.index_cast %swap3A_81 : i32 to index
      %swap3A_84 = arith.index_cast %mul3A_79 : i32 to index
      %swap3A_85 = tpu.vector_load %arg7[%swap3A_82, %swap3A_83, %swap3A_84] {strides = array<i32>} : memref<3x20x512xf32, #tpu.memory_space<vmem>>, vector<16xf32>,
      tpu.vector_store %arg7[%swap3A_82, %swap3A_83, %swap3A_84], %gather3A_77 {strides = array<i32>} : memref<3x20x512xf32, #tpu.memory_space<vmem>>, vector<16xf32>,
      %add3A_86 = arith.constant 1 : i32
      %add3A_87 = vector.broadcast %add3A_86 : i32 to vector<16xi32>
      %add3A_88 = arith.addi %mul3A_47, %add3A_87 : vector<16xi32>
      %gather3A_89 = tpu.vector_load_idx %arg6[%add3A_88] : memref<10240xi32, #tpu.memory_space<vmem>>[vector<16xi32>], vector<16xi32>,
      %add3A_90 = arith.constant 0 : i32
      %add3A_91 = vector.broadcast %add3A_90 : i32 to vector<16xi32>
      %add3A_92 = arith.addi %gather3A_89, %add3A_91 : vector<16xi32>
      %gather3A_93 = tpu.vector_load_idx %arg5[%add3A_92] : memref<12288xf32, #tpu.memory_space<vmem>>[vector<16xi32>], vector<16xf32>,
      %mul3A_94 = arith.constant 16 : i32
      %mul3A_95 = arith.muli %scan3A_40, %mul3A_94 : i32
      %swap3A_96 = arith.constant 0 : i32
      %swap3A_97 = arith.constant 1 : i32
      %swap3A_98 = arith.index_cast %swap3A_96 : i32 to index
      %swap3A_99 = arith.index_cast %swap3A_97 : i32 to index
      %swap3A_100 = arith.index_cast %mul3A_95 : i32 to index
      %swap3A_101 = tpu.vector_load %arg7[%swap3A_98, %swap3A_99, %swap3A_100] {strides = array<i32>} : memref<3x20x512xf32, #tpu.memory_space<vmem>>, vector<16xf32>,
      tpu.vector_store %arg7[%swap3A_98, %swap3A_99, %swap3A_100], %gather3A_93 {strides = array<i32>} : memref<3x20x512xf32, #tpu.memory_space<vmem>>, vector<16xf32>,
      %add3A_102 = arith.constant 4096 : i32
      %add3A_103 = vector.broadcast %add3A_102 : i32 to vector<16xi32>
      %add3A_104 = arith.addi %gather3A_89, %add3A_103 : vector<16xi32>
      %gather3A_105 = tpu.vector_load_idx %arg5[%add3A_104] : memref<12288xf32, #tpu.memory_space<vmem>>[vector<16xi32>], vector<16xf32>,
      %mul3A_106 = arith.constant 16 : i32
      %mul3A_107 = arith.muli %scan3A_40, %mul3A_106 : i32
      %swap3A_108 = arith.constant 1 : i32
      %swap3A_109 = arith.constant 1 : i32
      %swap3A_110 = arith.index_cast %swap3A_108 : i32 to index
      %swap3A_111 = arith.index_cast %swap3A_109 : i32 to index
      %swap3A_112 = arith.index_cast %mul3A_107 : i32 to index
      %swap3A_113 = tpu.vector_load %arg7[%swap3A_110, %swap3A_111, %swap3A_112] {strides = array<i32>} : memref<3x20x512xf32, #tpu.memory_space<vmem>>, vector<16xf32>,
      tpu.vector_store %arg7[%swap3A_110, %swap3A_111, %swap3A_112], %gather3A_105 {strides = array<i32>} : memref<3x20x512xf32, #tpu.memory_space<vmem>>, vector<16xf32>,
      %add3A_114 = arith.constant 8192 : i32
      %add3A_115 = vector.broadcast %add3A_114 : i32 to vector<16xi32>
      %add3A_116 = arith.addi %gather3A_89, %add3A_115 : vector<16xi32>
      %gather3A_117 = tpu.vector_load_idx %arg5[%add3A_116] : memref<12288xf32, #tpu.memory_space<vmem>>[vector<16xi32>], vector<16xf32>,
      %mul3A_118 = arith.constant 16 : i32
      %mul3A_119 = arith.muli %scan3A_40, %mul3A_118 : i32
      %swap3A_120 = arith.constant 2 : i32
      %swap3A_121 = arith.constant 1 : i32
      %swap3A_122 = arith.index_cast %swap3A_120 : i32 to index
      %swap3A_123 = arith.index_cast %swap3A_121 : i32 to index
      %swap3A_124 = arith.index_cast %mul3A_119 : i32 to index
      %swap3A_125 = tpu.vector_load %arg7[%swap3A_122, %swap3A_123, %swap3A_124] {strides = array<i32>} : memref<3x20x512xf32, #tpu.memory_space<vmem>>, vector<16xf32>,
      tpu.vector_store %arg7[%swap3A_122, %swap3A_123, %swap3A_124], %gather3A_117 {strides = array<i32>} : memref<3x20x512xf32, #tpu.memory_space<vmem>>, vector<16xf32>,
      %add3A_126 = arith.constant 2 : i32
      %add3A_127 = vector.broadcast %add3A_126 : i32 to vector<16xi32>
      %add3A_128 = arith.addi %mul3A_47, %add3A_127 : vector<16xi32>
      %gather3A_129 = tpu.vector_load_idx %arg6[%add3A_128] : memref<10240xi32, #tpu.memory_space<vmem>>[vector<16xi32>], vector<16xi32>,
      %add3A_130 = arith.constant 0 : i32
      %add3A_131 = vector.broadcast %add3A_130 : i32 to vector<16xi32>
      %add3A_132 = arith.addi %gather3A_129, %add3A_131 : vector<16xi32>
      %gather3A_133 = tpu.vector_load_idx %arg5[%add3A_132] : memref<12288xf32, #tpu.memory_space<vmem>>[vector<16xi32>], vector<16xf32>,
      %mul3A_134 = arith.constant 16 : i32
      %mul3A_135 = arith.muli %scan3A_40, %mul3A_134 : i32
      %swap3A_136 = arith.constant 0 : i32
      %swap3A_137 = arith.constant 2 : i32
      %swap3A_138 = arith.index_cast %swap3A_136 : i32 to index
      %swap3A_139 = arith.index_cast %swap3A_137 : i32 to index
      %swap3A_140 = arith.index_cast %mul3A_135 : i32 to index
      %swap3A_141 = tpu.vector_load %arg7[%swap3A_138, %swap3A_139, %swap3A_140] {strides = array<i32>} : memref<3x20x512xf32, #tpu.memory_space<vmem>>, vector<16xf32>,
      tpu.vector_store %arg7[%swap3A_138, %swap3A_139, %swap3A_140], %gather3A_133 {strides = array<i32>} : memref<3x20x512xf32, #tpu.memory_space<vmem>>, vector<16xf32>,
      %add3A_142 = arith.constant 4096 : i32
      %add3A_143 = vector.broadcast %add3A_142 : i32 to vector<16xi32>
      %add3A_144 = arith.addi %gather3A_129, %add3A_143 : vector<16xi32>
      %gather3A_145 = tpu.vector_load_idx %arg5[%add3A_144] : memref<12288xf32, #tpu.memory_space<vmem>>[vector<16xi32>], vector<16xf32>,
      %mul3A_146 = arith.constant 16 : i32
      %mul3A_147 = arith.muli %scan3A_40, %mul3A_146 : i32
      %swap3A_148 = arith.constant 1 : i32
      %swap3A_149 = arith.constant 2 : i32
      %swap3A_150 = arith.index_cast %swap3A_148 : i32 to index
      %swap3A_151 = arith.index_cast %swap3A_149 : i32 to index
      %swap3A_152 = arith.index_cast %mul3A_147 : i32 to index
      %swap3A_153 = tpu.vector_load %arg7[%swap3A_150, %swap3A_151, %swap3A_152] {strides = array<i32>} : memref<3x20x512xf32, #tpu.memory_space<vmem>>, vector<16xf32>,
      tpu.vector_store %arg7[%swap3A_150, %swap3A_151, %swap3A_152], %gather3A_145 {strides = array<i32>} : memref<3x20x512xf32, #tpu.memory_space<vmem>>, vector<16xf32>,
      %add3A_154 = arith.constant 8192 : i32
      %add3A_155 = vector.broadcast %add3A_154 : i32 to vector<16xi32>
      %add3A_156 = arith.addi %gather3A_129, %add3A_155 : vector<16xi32>
      %gather3A_157 = tpu.vector_load_idx %arg5[%add3A_156] : memref<12288xf32, #tpu.memory_space<vmem>>[vector<16xi32>], vector<16xf32>,
      %mul3A_158 = arith.constant 16 : i32
      %mul3A_159 = arith.muli %scan3A_40, %mul3A_158 : i32
      %swap3A_160 = arith.constant 2 : i32
      %swap3A_161 = arith.constant 2 : i32
      %swap3A_162 = arith.index_cast %swap3A_160 : i32 to index
      %swap3A_163 = arith.index_cast %swap3A_161 : i32 to index
      %swap3A_164 = arith.index_cast %mul3A_159 : i32 to index
      %swap3A_165 = tpu.vector_load %arg7[%swap3A_162, %swap3A_163, %swap3A_164] {strides = array<i32>} : memref<3x20x512xf32, #tpu.memory_space<vmem>>, vector<16xf32>,
      tpu.vector_store %arg7[%swap3A_162, %swap3A_163, %swap3A_164], %gather3A_157 {strides = array<i32>} : memref<3x20x512xf32, #tpu.memory_space<vmem>>, vector<16xf32>,
      %add3A_166 = arith.constant 3 : i32
      %add3A_167 = vector.broadcast %add3A_166 : i32 to vector<16xi32>
      %add3A_168 = arith.addi %mul3A_47, %add3A_167 : vector<16xi32>
      %gather3A_169 = tpu.vector_load_idx %arg6[%add3A_168] : memref<10240xi32, #tpu.memory_space<vmem>>[vector<16xi32>], vector<16xi32>,
      %add3A_170 = arith.constant 0 : i32
      %add3A_171 = vector.broadcast %add3A_170 : i32 to vector<16xi32>
      %add3A_172 = arith.addi %gather3A_169, %add3A_171 : vector<16xi32>
      %gather3A_173 = tpu.vector_load_idx %arg5[%add3A_172] : memref<12288xf32, #tpu.memory_space<vmem>>[vector<16xi32>], vector<16xf32>,
      %mul3A_174 = arith.constant 16 : i32
      %mul3A_175 = arith.muli %scan3A_40, %mul3A_174 : i32
      %swap3A_176 = arith.constant 0 : i32
      %swap3A_177 = arith.constant 3 : i32
      %swap3A_178 = arith.index_cast %swap3A_176 : i32 to index
      %swap3A_179 = arith.index_cast %swap3A_177 : i32 to index
      %swap3A_180 = arith.index_cast %mul3A_175 : i32 to index
      %swap3A_181 = tpu.vector_load %arg7[%swap3A_178, %swap3A_179, %swap3A_180] {strides = array<i32>} : memref<3x20x512xf32, #tpu.memory_space<vmem>>, vector<16xf32>,
      tpu.vector_store %arg7[%swap3A_178, %swap3A_179, %swap3A_180], %gather3A_173 {strides = array<i32>} : memref<3x20x512xf32, #tpu.memory_space<vmem>>, vector<16xf32>,
      %add3A_182 = arith.constant 4096 : i32
      %add3A_183 = vector.broadcast %add3A_182 : i32 to vector<16xi32>
      %add3A_184 = arith.addi %gather3A_169, %add3A_183 : vector<16xi32>
      %gather3A_185 = tpu.vector_load_idx %arg5[%add3A_184] : memref<12288xf32, #tpu.memory_space<vmem>>[vector<16xi32>], vector<16xf32>,
      %mul3A_186 = arith.constant 16 : i32
      %mul3A_187 = arith.muli %scan3A_40, %mul3A_186 : i32
      %swap3A_188 = arith.constant 1 : i32
      %swap3A_189 = arith.constant 3 : i32
      %swap3A_190 = arith.index_cast %swap3A_188 : i32 to index
      %swap3A_191 = arith.index_cast %swap3A_189 : i32 to index
      %swap3A_192 = arith.index_cast %mul3A_187 : i32 to index
      %swap3A_193 = tpu.vector_load %arg7[%swap3A_190, %swap3A_191, %swap3A_192] {strides = array<i32>} : memref<3x20x512xf32, #tpu.memory_space<vmem>>, vector<16xf32>,
      tpu.vector_store %arg7[%swap3A_190, %swap3A_191, %swap3A_192], %gather3A_185 {strides = array<i32>} : memref<3x20x512xf32, #tpu.memory_space<vmem>>, vector<16xf32>,
      %add3A_194 = arith.constant 8192 : i32
      %add3A_195 = vector.broadcast %add3A_194 : i32 to vector<16xi32>
      %add3A_196 = arith.addi %gather3A_169, %add3A_195 : vector<16xi32>
      %gather3A_197 = tpu.vector_load_idx %arg5[%add3A_196] : memref<12288xf32, #tpu.memory_space<vmem>>[vector<16xi32>], vector<16xf32>,
      %mul3A_198 = arith.constant 16 : i32
      %mul3A_199 = arith.muli %scan3A_40, %mul3A_198 : i32
      %swap3A_200 = arith.constant 2 : i32
      %swap3A_201 = arith.constant 3 : i32
      %swap3A_202 = arith.index_cast %swap3A_200 : i32 to index
      %swap3A_203 = arith.index_cast %swap3A_201 : i32 to index
      %swap3A_204 = arith.index_cast %mul3A_199 : i32 to index
      %swap3A_205 = tpu.vector_load %arg7[%swap3A_202, %swap3A_203, %swap3A_204] {strides = array<i32>} : memref<3x20x512xf32, #tpu.memory_space<vmem>>, vector<16xf32>,
      tpu.vector_store %arg7[%swap3A_202, %swap3A_203, %swap3A_204], %gather3A_197 {strides = array<i32>} : memref<3x20x512xf32, #tpu.memory_space<vmem>>, vector<16xf32>,
      %add3A_206 = arith.constant 4 : i32
      %add3A_207 = vector.broadcast %add3A_206 : i32 to vector<16xi32>
      %add3A_208 = arith.addi %mul3A_47, %add3A_207 : vector<16xi32>
      %gather3A_209 = tpu.vector_load_idx %arg6[%add3A_208] : memref<10240xi32, #tpu.memory_space<vmem>>[vector<16xi32>], vector<16xi32>,
      %add3A_210 = arith.constant 0 : i32
      %add3A_211 = vector.broadcast %add3A_210 : i32 to vector<16xi32>
      %add3A_212 = arith.addi %gather3A_209, %add3A_211 : vector<16xi32>
      %gather3A_213 = tpu.vector_load_idx %arg5[%add3A_212] : memref<12288xf32, #tpu.memory_space<vmem>>[vector<16xi32>], vector<16xf32>,
      %mul3A_214 = arith.constant 16 : i32
      %mul3A_215 = arith.muli %scan3A_40, %mul3A_214 : i32
      %swap3A_216 = arith.constant 0 : i32
      %swap3A_217 = arith.constant 4 : i32
      %swap3A_218 = arith.index_cast %swap3A_216 : i32 to index
      %swap3A_219 = arith.index_cast %swap3A_217 : i32 to index
      %swap3A_220 = arith.index_cast %mul3A_215 : i32 to index
      %swap3A_221 = tpu.vector_load %arg7[%swap3A_218, %swap3A_219, %swap3A_220] {strides = array<i32>} : memref<3x20x512xf32, #tpu.memory_space<vmem>>, vector<16xf32>,
      tpu.vector_store %arg7[%swap3A_218, %swap3A_219, %swap3A_220], %gather3A_213 {strides = array<i32>} : memref<3x20x512xf32, #tpu.memory_space<vmem>>, vector<16xf32>,
      %add3A_222 = arith.constant 4096 : i32
      %add3A_223 = vector.broadcast %add3A_222 : i32 to vector<16xi32>
      %add3A_224 = arith.addi %gather3A_209, %add3A_223 : vector<16xi32>
      %gather3A_225 = tpu.vector_load_idx %arg5[%add3A_224] : memref<12288xf32, #tpu.memory_space<vmem>>[vector<16xi32>], vector<16xf32>,
      %mul3A_226 = arith.constant 16 : i32
      %mul3A_227 = arith.muli %scan3A_40, %mul3A_226 : i32
      %swap3A_228 = arith.constant 1 : i32
      %swap3A_229 = arith.constant 4 : i32
      %swap3A_230 = arith.index_cast %swap3A_228 : i32 to index
      %swap3A_231 = arith.index_cast %swap3A_229 : i32 to index
      %swap3A_232 = arith.index_cast %mul3A_227 : i32 to index
      %swap3A_233 = tpu.vector_load %arg7[%swap3A_230, %swap3A_231, %swap3A_232] {strides = array<i32>} : memref<3x20x512xf32, #tpu.memory_space<vmem>>, vector<16xf32>,
      tpu.vector_store %arg7[%swap3A_230, %swap3A_231, %swap3A_232], %gather3A_225 {strides = array<i32>} : memref<3x20x512xf32, #tpu.memory_space<vmem>>, vector<16xf32>,
      %add3A_234 = arith.constant 8192 : i32
      %add3A_235 = vector.broadcast %add3A_234 : i32 to vector<16xi32>
      %add3A_236 = arith.addi %gather3A_209, %add3A_235 : vector<16xi32>
      %gather3A_237 = tpu.vector_load_idx %arg5[%add3A_236] : memref<12288xf32, #tpu.memory_space<vmem>>[vector<16xi32>], vector<16xf32>,
      %mul3A_238 = arith.constant 16 : i32
      %mul3A_239 = arith.muli %scan3A_40, %mul3A_238 : i32
      %swap3A_240 = arith.constant 2 : i32
      %swap3A_241 = arith.constant 4 : i32
      %swap3A_242 = arith.index_cast %swap3A_240 : i32 to index
      %swap3A_243 = arith.index_cast %swap3A_241 : i32 to index
      %swap3A_244 = arith.index_cast %mul3A_239 : i32 to index
      %swap3A_245 = tpu.vector_load %arg7[%swap3A_242, %swap3A_243, %swap3A_244] {strides = array<i32>} : memref<3x20x512xf32, #tpu.memory_space<vmem>>, vector<16xf32>,
      tpu.vector_store %arg7[%swap3A_242, %swap3A_243, %swap3A_244], %gather3A_237 {strides = array<i32>} : memref<3x20x512xf32, #tpu.memory_space<vmem>>, vector<16xf32>,
      %add3A_246 = arith.constant 5 : i32
      %add3A_247 = vector.broadcast %add3A_246 : i32 to vector<16xi32>
      %add3A_248 = arith.addi %mul3A_47, %add3A_247 : vector<16xi32>
      %gather3A_249 = tpu.vector_load_idx %arg6[%add3A_248] : memref<10240xi32, #tpu.memory_space<vmem>>[vector<16xi32>], vector<16xi32>,
      %add3A_250 = arith.constant 0 : i32
      %add3A_251 = vector.broadcast %add3A_250 : i32 to vector<16xi32>
      %add3A_252 = arith.addi %gather3A_249, %add3A_251 : vector<16xi32>
      %gather3A_253 = tpu.vector_load_idx %arg5[%add3A_252] : memref<12288xf32, #tpu.memory_space<vmem>>[vector<16xi32>], vector<16xf32>,
      %mul3A_254 = arith.constant 16 : i32
      %mul3A_255 = arith.muli %scan3A_40, %mul3A_254 : i32
      %swap3A_256 = arith.constant 0 : i32
      %swap3A_257 = arith.constant 5 : i32
      %swap3A_258 = arith.index_cast %swap3A_256 : i32 to index
      %swap3A_259 = arith.index_cast %swap3A_257 : i32 to index
      %swap3A_260 = arith.index_cast %mul3A_255 : i32 to index
      %swap3A_261 = tpu.vector_load %arg7[%swap3A_258, %swap3A_259, %swap3A_260] {strides = array<i32>} : memref<3x20x512xf32, #tpu.memory_space<vmem>>, vector<16xf32>,
      tpu.vector_store %arg7[%swap3A_258, %swap3A_259, %swap3A_260], %gather3A_253 {strides = array<i32>} : memref<3x20x512xf32, #tpu.memory_space<vmem>>, vector<16xf32>,
      %add3A_262 = arith.constant 4096 : i32
      %add3A_263 = vector.broadcast %add3A_262 : i32 to vector<16xi32>
      %add3A_264 = arith.addi %gather3A_249, %add3A_263 : vector<16xi32>
      %gather3A_265 = tpu.vector_load_idx %arg5[%add3A_264] : memref<12288xf32, #tpu.memory_space<vmem>>[vector<16xi32>], vector<16xf32>,
      %mul3A_266 = arith.constant 16 : i32
      %mul3A_267 = arith.muli %scan3A_40, %mul3A_266 : i32
      %swap3A_268 = arith.constant 1 : i32
      %swap3A_269 = arith.constant 5 : i32
      %swap3A_270 = arith.index_cast %swap3A_268 : i32 to index
      %swap3A_271 = arith.index_cast %swap3A_269 : i32 to index
      %swap3A_272 = arith.index_cast %mul3A_267 : i32 to index
      %swap3A_273 = tpu.vector_load %arg7[%swap3A_270, %swap3A_271, %swap3A_272] {strides = array<i32>} : memref<3x20x512xf32, #tpu.memory_space<vmem>>, vector<16xf32>,
      tpu.vector_store %arg7[%swap3A_270, %swap3A_271, %swap3A_272], %gather3A_265 {strides = array<i32>} : memref<3x20x512xf32, #tpu.memory_space<vmem>>, vector<16xf32>,
      %add3A_274 = arith.constant 8192 : i32
      %add3A_275 = vector.broadcast %add3A_274 : i32 to vector<16xi32>
      %add3A_276 = arith.addi %gather3A_249, %add3A_275 : vector<16xi32>
      %gather3A_277 = tpu.vector_load_idx %arg5[%add3A_276] : memref<12288xf32, #tpu.memory_space<vmem>>[vector<16xi32>], vector<16xf32>,
      %mul3A_278 = arith.constant 16 : i32
      %mul3A_279 = arith.muli %scan3A_40, %mul3A_278 : i32
      %swap3A_280 = arith.constant 2 : i32
      %swap3A_281 = arith.constant 5 : i32
      %swap3A_282 = arith.index_cast %swap3A_280 : i32 to index
      %swap3A_283 = arith.index_cast %swap3A_281 : i32 to index
      %swap3A_284 = arith.index_cast %mul3A_279 : i32 to index
      %swap3A_285 = tpu.vector_load %arg7[%swap3A_282, %swap3A_283, %swap3A_284] {strides = array<i32>} : memref<3x20x512xf32, #tpu.memory_space<vmem>>, vector<16xf32>,
      tpu.vector_store %arg7[%swap3A_282, %swap3A_283, %swap3A_284], %gather3A_277 {strides = array<i32>} : memref<3x20x512xf32, #tpu.memory_space<vmem>>, vector<16xf32>,
      %add3A_286 = arith.constant 6 : i32
      %add3A_287 = vector.broadcast %add3A_286 : i32 to vector<16xi32>
      %add3A_288 = arith.addi %mul3A_47, %add3A_287 : vector<16xi32>
      %gather3A_289 = tpu.vector_load_idx %arg6[%add3A_288] : memref<10240xi32, #tpu.memory_space<vmem>>[vector<16xi32>], vector<16xi32>,
      %add3A_290 = arith.constant 0 : i32
      %add3A_291 = vector.broadcast %add3A_290 : i32 to vector<16xi32>
      %add3A_292 = arith.addi %gather3A_289, %add3A_291 : vector<16xi32>
      %gather3A_293 = tpu.vector_load_idx %arg5[%add3A_292] : memref<12288xf32, #tpu.memory_space<vmem>>[vector<16xi32>], vector<16xf32>,
      %mul3A_294 = arith.constant 16 : i32
      %mul3A_295 = arith.muli %scan3A_40, %mul3A_294 : i32
      %swap3A_296 = arith.constant 0 : i32
      %swap3A_297 = arith.constant 6 : i32
      %swap3A_298 = arith.index_cast %swap3A_296 : i32 to index
      %swap3A_299 = arith.index_cast %swap3A_297 : i32 to index
      %swap3A_300 = arith.index_cast %mul3A_295 : i32 to index
      %swap3A_301 = tpu.vector_load %arg7[%swap3A_298, %swap3A_299, %swap3A_300] {strides = array<i32>} : memref<3x20x512xf32, #tpu.memory_space<vmem>>, vector<16xf32>,
      tpu.vector_store %arg7[%swap3A_298, %swap3A_299, %swap3A_300], %gather3A_293 {strides = array<i32>} : memref<3x20x512xf32, #tpu.memory_space<vmem>>, vector<16xf32>,
      %add3A_302 = arith.constant 4096 : i32
      %add3A_303 = vector.broadcast %add3A_302 : i32 to vector<16xi32>
      %add3A_304 = arith.addi %gather3A_289, %add3A_303 : vector<16xi32>
      %gather3A_305 = tpu.vector_load_idx %arg5[%add3A_304] : memref<12288xf32, #tpu.memory_space<vmem>>[vector<16xi32>], vector<16xf32>,
      %mul3A_306 = arith.constant 16 : i32
      %mul3A_307 = arith.muli %scan3A_40, %mul3A_306 : i32
      %swap3A_308 = arith.constant 1 : i32
      %swap3A_309 = arith.constant 6 : i32
      %swap3A_310 = arith.index_cast %swap3A_308 : i32 to index
      %swap3A_311 = arith.index_cast %swap3A_309 : i32 to index
      %swap3A_312 = arith.index_cast %mul3A_307 : i32 to index
      %swap3A_313 = tpu.vector_load %arg7[%swap3A_310, %swap3A_311, %swap3A_312] {strides = array<i32>} : memref<3x20x512xf32, #tpu.memory_space<vmem>>, vector<16xf32>,
      tpu.vector_store %arg7[%swap3A_310, %swap3A_311, %swap3A_312], %gather3A_305 {strides = array<i32>} : memref<3x20x512xf32, #tpu.memory_space<vmem>>, vector<16xf32>,
      %add3A_314 = arith.constant 8192 : i32
      %add3A_315 = vector.broadcast %add3A_314 : i32 to vector<16xi32>
      %add3A_316 = arith.addi %gather3A_289, %add3A_315 : vector<16xi32>
      %gather3A_317 = tpu.vector_load_idx %arg5[%add3A_316] : memref<12288xf32, #tpu.memory_space<vmem>>[vector<16xi32>], vector<16xf32>,
      %mul3A_318 = arith.constant 16 : i32
      %mul3A_319 = arith.muli %scan3A_40, %mul3A_318 : i32
      %swap3A_320 = arith.constant 2 : i32
      %swap3A_321 = arith.constant 6 : i32
      %swap3A_322 = arith.index_cast %swap3A_320 : i32 to index
      %swap3A_323 = arith.index_cast %swap3A_321 : i32 to index
      %swap3A_324 = arith.index_cast %mul3A_319 : i32 to index
      %swap3A_325 = tpu.vector_load %arg7[%swap3A_322, %swap3A_323, %swap3A_324] {strides = array<i32>} : memref<3x20x512xf32, #tpu.memory_space<vmem>>, vector<16xf32>,
      tpu.vector_store %arg7[%swap3A_322, %swap3A_323, %swap3A_324], %gather3A_317 {strides = array<i32>} : memref<3x20x512xf32, #tpu.memory_space<vmem>>, vector<16xf32>,
      %add3A_326 = arith.constant 7 : i32
      %add3A_327 = vector.broadcast %add3A_326 : i32 to vector<16xi32>
      %add3A_328 = arith.addi %mul3A_47, %add3A_327 : vector<16xi32>
      %gather3A_329 = tpu.vector_load_idx %arg6[%add3A_328] : memref<10240xi32, #tpu.memory_space<vmem>>[vector<16xi32>], vector<16xi32>,
      %add3A_330 = arith.constant 0 : i32
      %add3A_331 = vector.broadcast %add3A_330 : i32 to vector<16xi32>
      %add3A_332 = arith.addi %gather3A_329, %add3A_331 : vector<16xi32>
      %gather3A_333 = tpu.vector_load_idx %arg5[%add3A_332] : memref<12288xf32, #tpu.memory_space<vmem>>[vector<16xi32>], vector<16xf32>,
      %mul3A_334 = arith.constant 16 : i32
      %mul3A_335 = arith.muli %scan3A_40, %mul3A_334 : i32
      %swap3A_336 = arith.constant 0 : i32
      %swap3A_337 = arith.constant 7 : i32
      %swap3A_338 = arith.index_cast %swap3A_336 : i32 to index
      %swap3A_339 = arith.index_cast %swap3A_337 : i32 to index
      %swap3A_340 = arith.index_cast %mul3A_335 : i32 to index
      %swap3A_341 = tpu.vector_load %arg7[%swap3A_338, %swap3A_339, %swap3A_340] {strides = array<i32>} : memref<3x20x512xf32, #tpu.memory_space<vmem>>, vector<16xf32>,
      tpu.vector_store %arg7[%swap3A_338, %swap3A_339, %swap3A_340], %gather3A_333 {strides = array<i32>} : memref<3x20x512xf32, #tpu.memory_space<vmem>>, vector<16xf32>,
      %add3A_342 = arith.constant 4096 : i32
      %add3A_343 = vector.broadcast %add3A_342 : i32 to vector<16xi32>
      %add3A_344 = arith.addi %gather3A_329, %add3A_343 : vector<16xi32>
      %gather3A_345 = tpu.vector_load_idx %arg5[%add3A_344] : memref<12288xf32, #tpu.memory_space<vmem>>[vector<16xi32>], vector<16xf32>,
      %mul3A_346 = arith.constant 16 : i32
      %mul3A_347 = arith.muli %scan3A_40, %mul3A_346 : i32
      %swap3A_348 = arith.constant 1 : i32
      %swap3A_349 = arith.constant 7 : i32
      %swap3A_350 = arith.index_cast %swap3A_348 : i32 to index
      %swap3A_351 = arith.index_cast %swap3A_349 : i32 to index
      %swap3A_352 = arith.index_cast %mul3A_347 : i32 to index
      %swap3A_353 = tpu.vector_load %arg7[%swap3A_350, %swap3A_351, %swap3A_352] {strides = array<i32>} : memref<3x20x512xf32, #tpu.memory_space<vmem>>, vector<16xf32>,
      tpu.vector_store %arg7[%swap3A_350, %swap3A_351, %swap3A_352], %gather3A_345 {strides = array<i32>} : memref<3x20x512xf32, #tpu.memory_space<vmem>>, vector<16xf32>,
      %add3A_354 = arith.constant 8192 : i32
      %add3A_355 = vector.broadcast %add3A_354 : i32 to vector<16xi32>
      %add3A_356 = arith.addi %gather3A_329, %add3A_355 : vector<16xi32>
      %gather3A_357 = tpu.vector_load_idx %arg5[%add3A_356] : memref<12288xf32, #tpu.memory_space<vmem>>[vector<16xi32>], vector<16xf32>,
      %mul3A_358 = arith.constant 16 : i32
      %mul3A_359 = arith.muli %scan3A_40, %mul3A_358 : i32
      %swap3A_360 = arith.constant 2 : i32
      %swap3A_361 = arith.constant 7 : i32
      %swap3A_362 = arith.index_cast %swap3A_360 : i32 to index
      %swap3A_363 = arith.index_cast %swap3A_361 : i32 to index
      %swap3A_364 = arith.index_cast %mul3A_359 : i32 to index
      %swap3A_365 = tpu.vector_load %arg7[%swap3A_362, %swap3A_363, %swap3A_364] {strides = array<i32>} : memref<3x20x512xf32, #tpu.memory_space<vmem>>, vector<16xf32>,
      tpu.vector_store %arg7[%swap3A_362, %swap3A_363, %swap3A_364], %gather3A_357 {strides = array<i32>} : memref<3x20x512xf32, #tpu.memory_space<vmem>>, vector<16xf32>,
      %add3A_366 = arith.constant 8 : i32
      %add3A_367 = vector.broadcast %add3A_366 : i32 to vector<16xi32>
      %add3A_368 = arith.addi %mul3A_47, %add3A_367 : vector<16xi32>
      %gather3A_369 = tpu.vector_load_idx %arg6[%add3A_368] : memref<10240xi32, #tpu.memory_space<vmem>>[vector<16xi32>], vector<16xi32>,
      %add3A_370 = arith.constant 0 : i32
      %add3A_371 = vector.broadcast %add3A_370 : i32 to vector<16xi32>
      %add3A_372 = arith.addi %gather3A_369, %add3A_371 : vector<16xi32>
      %gather3A_373 = tpu.vector_load_idx %arg5[%add3A_372] : memref<12288xf32, #tpu.memory_space<vmem>>[vector<16xi32>], vector<16xf32>,
      %mul3A_374 = arith.constant 16 : i32
      %mul3A_375 = arith.muli %scan3A_40, %mul3A_374 : i32
      %swap3A_376 = arith.constant 0 : i32
      %swap3A_377 = arith.constant 8 : i32
      %swap3A_378 = arith.index_cast %swap3A_376 : i32 to index
      %swap3A_379 = arith.index_cast %swap3A_377 : i32 to index
      %swap3A_380 = arith.index_cast %mul3A_375 : i32 to index
      %swap3A_381 = tpu.vector_load %arg7[%swap3A_378, %swap3A_379, %swap3A_380] {strides = array<i32>} : memref<3x20x512xf32, #tpu.memory_space<vmem>>, vector<16xf32>,
      tpu.vector_store %arg7[%swap3A_378, %swap3A_379, %swap3A_380], %gather3A_373 {strides = array<i32>} : memref<3x20x512xf32, #tpu.memory_space<vmem>>, vector<16xf32>,
      %add3A_382 = arith.constant 4096 : i32
      %add3A_383 = vector.broadcast %add3A_382 : i32 to vector<16xi32>
      %add3A_384 = arith.addi %gather3A_369, %add3A_383 : vector<16xi32>
      %gather3A_385 = tpu.vector_load_idx %arg5[%add3A_384] : memref<12288xf32, #tpu.memory_space<vmem>>[vector<16xi32>], vector<16xf32>,
      %mul3A_386 = arith.constant 16 : i32
      %mul3A_387 = arith.muli %scan3A_40, %mul3A_386 : i32
      %swap3A_388 = arith.constant 1 : i32
      %swap3A_389 = arith.constant 8 : i32
      %swap3A_390 = arith.index_cast %swap3A_388 : i32 to index
      %swap3A_391 = arith.index_cast %swap3A_389 : i32 to index
      %swap3A_392 = arith.index_cast %mul3A_387 : i32 to index
      %swap3A_393 = tpu.vector_load %arg7[%swap3A_390, %swap3A_391, %swap3A_392] {strides = array<i32>} : memref<3x20x512xf32, #tpu.memory_space<vmem>>, vector<16xf32>,
      tpu.vector_store %arg7[%swap3A_390, %swap3A_391, %swap3A_392], %gather3A_385 {strides = array<i32>} : memref<3x20x512xf32, #tpu.memory_space<vmem>>, vector<16xf32>,
      %add3A_394 = arith.constant 8192 : i32
      %add3A_395 = vector.broadcast %add3A_394 : i32 to vector<16xi32>
      %add3A_396 = arith.addi %gather3A_369, %add3A_395 : vector<16xi32>
      %gather3A_397 = tpu.vector_load_idx %arg5[%add3A_396] : memref<12288xf32, #tpu.memory_space<vmem>>[vector<16xi32>], vector<16xf32>,
      %mul3A_398 = arith.constant 16 : i32
      %mul3A_399 = arith.muli %scan3A_40, %mul3A_398 : i32
      %swap3A_400 = arith.constant 2 : i32
      %swap3A_401 = arith.constant 8 : i32
      %swap3A_402 = arith.index_cast %swap3A_400 : i32 to index
      %swap3A_403 = arith.index_cast %swap3A_401 : i32 to index
      %swap3A_404 = arith.index_cast %mul3A_399 : i32 to index
      %swap3A_405 = tpu.vector_load %arg7[%swap3A_402, %swap3A_403, %swap3A_404] {strides = array<i32>} : memref<3x20x512xf32, #tpu.memory_space<vmem>>, vector<16xf32>,
      tpu.vector_store %arg7[%swap3A_402, %swap3A_403, %swap3A_404], %gather3A_397 {strides = array<i32>} : memref<3x20x512xf32, #tpu.memory_space<vmem>>, vector<16xf32>,
      %add3A_406 = arith.constant 9 : i32
      %add3A_407 = vector.broadcast %add3A_406 : i32 to vector<16xi32>
      %add3A_408 = arith.addi %mul3A_47, %add3A_407 : vector<16xi32>
      %gather3A_409 = tpu.vector_load_idx %arg6[%add3A_408] : memref<10240xi32, #tpu.memory_space<vmem>>[vector<16xi32>], vector<16xi32>,
      %add3A_410 = arith.constant 0 : i32
      %add3A_411 = vector.broadcast %add3A_410 : i32 to vector<16xi32>
      %add3A_412 = arith.addi %gather3A_409, %add3A_411 : vector<16xi32>
      %gather3A_413 = tpu.vector_load_idx %arg5[%add3A_412] : memref<12288xf32, #tpu.memory_space<vmem>>[vector<16xi32>], vector<16xf32>,
      %mul3A_414 = arith.constant 16 : i32
      %mul3A_415 = arith.muli %scan3A_40, %mul3A_414 : i32
      %swap3A_416 = arith.constant 0 : i32
      %swap3A_417 = arith.constant 9 : i32
      %swap3A_418 = arith.index_cast %swap3A_416 : i32 to index
      %swap3A_419 = arith.index_cast %swap3A_417 : i32 to index
      %swap3A_420 = arith.index_cast %mul3A_415 : i32 to index
      %swap3A_421 = tpu.vector_load %arg7[%swap3A_418, %swap3A_419, %swap3A_420] {strides = array<i32>} : memref<3x20x512xf32, #tpu.memory_space<vmem>>, vector<16xf32>,
      tpu.vector_store %arg7[%swap3A_418, %swap3A_419, %swap3A_420], %gather3A_413 {strides = array<i32>} : memref<3x20x512xf32, #tpu.memory_space<vmem>>, vector<16xf32>,
      %add3A_422 = arith.constant 4096 : i32
      %add3A_423 = vector.broadcast %add3A_422 : i32 to vector<16xi32>
      %add3A_424 = arith.addi %gather3A_409, %add3A_423 : vector<16xi32>
      %gather3A_425 = tpu.vector_load_idx %arg5[%add3A_424] : memref<12288xf32, #tpu.memory_space<vmem>>[vector<16xi32>], vector<16xf32>,
      %mul3A_426 = arith.constant 16 : i32
      %mul3A_427 = arith.muli %scan3A_40, %mul3A_426 : i32
      %swap3A_428 = arith.constant 1 : i32
      %swap3A_429 = arith.constant 9 : i32
      %swap3A_430 = arith.index_cast %swap3A_428 : i32 to index
      %swap3A_431 = arith.index_cast %swap3A_429 : i32 to index
      %swap3A_432 = arith.index_cast %mul3A_427 : i32 to index
      %swap3A_433 = tpu.vector_load %arg7[%swap3A_430, %swap3A_431, %swap3A_432] {strides = array<i32>} : memref<3x20x512xf32, #tpu.memory_space<vmem>>, vector<16xf32>,
      tpu.vector_store %arg7[%swap3A_430, %swap3A_431, %swap3A_432], %gather3A_425 {strides = array<i32>} : memref<3x20x512xf32, #tpu.memory_space<vmem>>, vector<16xf32>,
      %add3A_434 = arith.constant 8192 : i32
      %add3A_435 = vector.broadcast %add3A_434 : i32 to vector<16xi32>
      %add3A_436 = arith.addi %gather3A_409, %add3A_435 : vector<16xi32>
      %gather3A_437 = tpu.vector_load_idx %arg5[%add3A_436] : memref<12288xf32, #tpu.memory_space<vmem>>[vector<16xi32>], vector<16xf32>,
      %mul3A_438 = arith.constant 16 : i32
      %mul3A_439 = arith.muli %scan3A_40, %mul3A_438 : i32
      %swap3A_440 = arith.constant 2 : i32
      %swap3A_441 = arith.constant 9 : i32
      %swap3A_442 = arith.index_cast %swap3A_440 : i32 to index
      %swap3A_443 = arith.index_cast %swap3A_441 : i32 to index
      %swap3A_444 = arith.index_cast %mul3A_439 : i32 to index
      %swap3A_445 = tpu.vector_load %arg7[%swap3A_442, %swap3A_443, %swap3A_444] {strides = array<i32>} : memref<3x20x512xf32, #tpu.memory_space<vmem>>, vector<16xf32>,
      tpu.vector_store %arg7[%swap3A_442, %swap3A_443, %swap3A_444], %gather3A_437 {strides = array<i32>} : memref<3x20x512xf32, #tpu.memory_space<vmem>>, vector<16xf32>,
      %add3A_446 = arith.constant 10 : i32
      %add3A_447 = vector.broadcast %add3A_446 : i32 to vector<16xi32>
      %add3A_448 = arith.addi %mul3A_47, %add3A_447 : vector<16xi32>
      %gather3A_449 = tpu.vector_load_idx %arg6[%add3A_448] : memref<10240xi32, #tpu.memory_space<vmem>>[vector<16xi32>], vector<16xi32>,
      %add3A_450 = arith.constant 0 : i32
      %add3A_451 = vector.broadcast %add3A_450 : i32 to vector<16xi32>
      %add3A_452 = arith.addi %gather3A_449, %add3A_451 : vector<16xi32>
      %gather3A_453 = tpu.vector_load_idx %arg5[%add3A_452] : memref<12288xf32, #tpu.memory_space<vmem>>[vector<16xi32>], vector<16xf32>,
      %mul3A_454 = arith.constant 16 : i32
      %mul3A_455 = arith.muli %scan3A_40, %mul3A_454 : i32
      %swap3A_456 = arith.constant 0 : i32
      %swap3A_457 = arith.constant 10 : i32
      %swap3A_458 = arith.index_cast %swap3A_456 : i32 to index
      %swap3A_459 = arith.index_cast %swap3A_457 : i32 to index
      %swap3A_460 = arith.index_cast %mul3A_455 : i32 to index
      %swap3A_461 = tpu.vector_load %arg7[%swap3A_458, %swap3A_459, %swap3A_460] {strides = array<i32>} : memref<3x20x512xf32, #tpu.memory_space<vmem>>, vector<16xf32>,
      tpu.vector_store %arg7[%swap3A_458, %swap3A_459, %swap3A_460], %gather3A_453 {strides = array<i32>} : memref<3x20x512xf32, #tpu.memory_space<vmem>>, vector<16xf32>,
      %add3A_462 = arith.constant 4096 : i32
      %add3A_463 = vector.broadcast %add3A_462 : i32 to vector<16xi32>
      %add3A_464 = arith.addi %gather3A_449, %add3A_463 : vector<16xi32>
      %gather3A_465 = tpu.vector_load_idx %arg5[%add3A_464] : memref<12288xf32, #tpu.memory_space<vmem>>[vector<16xi32>], vector<16xf32>,
      %mul3A_466 = arith.constant 16 : i32
      %mul3A_467 = arith.muli %scan3A_40, %mul3A_466 : i32
      %swap3A_468 = arith.constant 1 : i32
      %swap3A_469 = arith.constant 10 : i32
      %swap3A_470 = arith.index_cast %swap3A_468 : i32 to index
      %swap3A_471 = arith.index_cast %swap3A_469 : i32 to index
      %swap3A_472 = arith.index_cast %mul3A_467 : i32 to index
      %swap3A_473 = tpu.vector_load %arg7[%swap3A_470, %swap3A_471, %swap3A_472] {strides = array<i32>} : memref<3x20x512xf32, #tpu.memory_space<vmem>>, vector<16xf32>,
      tpu.vector_store %arg7[%swap3A_470, %swap3A_471, %swap3A_472], %gather3A_465 {strides = array<i32>} : memref<3x20x512xf32, #tpu.memory_space<vmem>>, vector<16xf32>,
      %add3A_474 = arith.constant 8192 : i32
      %add3A_475 = vector.broadcast %add3A_474 : i32 to vector<16xi32>
      %add3A_476 = arith.addi %gather3A_449, %add3A_475 : vector<16xi32>
      %gather3A_477 = tpu.vector_load_idx %arg5[%add3A_476] : memref<12288xf32, #tpu.memory_space<vmem>>[vector<16xi32>], vector<16xf32>,
      %mul3A_478 = arith.constant 16 : i32
      %mul3A_479 = arith.muli %scan3A_40, %mul3A_478 : i32
      %swap3A_480 = arith.constant 2 : i32
      %swap3A_481 = arith.constant 10 : i32
      %swap3A_482 = arith.index_cast %swap3A_480 : i32 to index
      %swap3A_483 = arith.index_cast %swap3A_481 : i32 to index
      %swap3A_484 = arith.index_cast %mul3A_479 : i32 to index
      %swap3A_485 = tpu.vector_load %arg7[%swap3A_482, %swap3A_483, %swap3A_484] {strides = array<i32>} : memref<3x20x512xf32, #tpu.memory_space<vmem>>, vector<16xf32>,
      tpu.vector_store %arg7[%swap3A_482, %swap3A_483, %swap3A_484], %gather3A_477 {strides = array<i32>} : memref<3x20x512xf32, #tpu.memory_space<vmem>>, vector<16xf32>,
      %add3A_486 = arith.constant 11 : i32
      %add3A_487 = vector.broadcast %add3A_486 : i32 to vector<16xi32>
      %add3A_488 = arith.addi %mul3A_47, %add3A_487 : vector<16xi32>
      %gather3A_489 = tpu.vector_load_idx %arg6[%add3A_488] : memref<10240xi32, #tpu.memory_space<vmem>>[vector<16xi32>], vector<16xi32>,
      %add3A_490 = arith.constant 0 : i32
      %add3A_491 = vector.broadcast %add3A_490 : i32 to vector<16xi32>
      %add3A_492 = arith.addi %gather3A_489, %add3A_491 : vector<16xi32>
      %gather3A_493 = tpu.vector_load_idx %arg5[%add3A_492] : memref<12288xf32, #tpu.memory_space<vmem>>[vector<16xi32>], vector<16xf32>,
      %mul3A_494 = arith.constant 16 : i32
      %mul3A_495 = arith.muli %scan3A_40, %mul3A_494 : i32
      %swap3A_496 = arith.constant 0 : i32
      %swap3A_497 = arith.constant 11 : i32
      %swap3A_498 = arith.index_cast %swap3A_496 : i32 to index
      %swap3A_499 = arith.index_cast %swap3A_497 : i32 to index
      %swap3A_500 = arith.index_cast %mul3A_495 : i32 to index
      %swap3A_501 = tpu.vector_load %arg7[%swap3A_498, %swap3A_499, %swap3A_500] {strides = array<i32>} : memref<3x20x512xf32, #tpu.memory_space<vmem>>, vector<16xf32>,
      tpu.vector_store %arg7[%swap3A_498, %swap3A_499, %swap3A_500], %gather3A_493 {strides = array<i32>} : memref<3x20x512xf32, #tpu.memory_space<vmem>>, vector<16xf32>,
      %add3A_502 = arith.constant 4096 : i32
      %add3A_503 = vector.broadcast %add3A_502 : i32 to vector<16xi32>
      %add3A_504 = arith.addi %gather3A_489, %add3A_503 : vector<16xi32>
      %gather3A_505 = tpu.vector_load_idx %arg5[%add3A_504] : memref<12288xf32, #tpu.memory_space<vmem>>[vector<16xi32>], vector<16xf32>,
      %mul3A_506 = arith.constant 16 : i32
      %mul3A_507 = arith.muli %scan3A_40, %mul3A_506 : i32
      %swap3A_508 = arith.constant 1 : i32
      %swap3A_509 = arith.constant 11 : i32
      %swap3A_510 = arith.index_cast %swap3A_508 : i32 to index
      %swap3A_511 = arith.index_cast %swap3A_509 : i32 to index
      %swap3A_512 = arith.index_cast %mul3A_507 : i32 to index
      %swap3A_513 = tpu.vector_load %arg7[%swap3A_510, %swap3A_511, %swap3A_512] {strides = array<i32>} : memref<3x20x512xf32, #tpu.memory_space<vmem>>, vector<16xf32>,
      tpu.vector_store %arg7[%swap3A_510, %swap3A_511, %swap3A_512], %gather3A_505 {strides = array<i32>} : memref<3x20x512xf32, #tpu.memory_space<vmem>>, vector<16xf32>,
      %add3A_514 = arith.constant 8192 : i32
      %add3A_515 = vector.broadcast %add3A_514 : i32 to vector<16xi32>
      %add3A_516 = arith.addi %gather3A_489, %add3A_515 : vector<16xi32>
      %gather3A_517 = tpu.vector_load_idx %arg5[%add3A_516] : memref<12288xf32, #tpu.memory_space<vmem>>[vector<16xi32>], vector<16xf32>,
      %mul3A_518 = arith.constant 16 : i32
      %mul3A_519 = arith.muli %scan3A_40, %mul3A_518 : i32
      %swap3A_520 = arith.constant 2 : i32
      %swap3A_521 = arith.constant 11 : i32
      %swap3A_522 = arith.index_cast %swap3A_520 : i32 to index
      %swap3A_523 = arith.index_cast %swap3A_521 : i32 to index
      %swap3A_524 = arith.index_cast %mul3A_519 : i32 to index
      %swap3A_525 = tpu.vector_load %arg7[%swap3A_522, %swap3A_523, %swap3A_524] {strides = array<i32>} : memref<3x20x512xf32, #tpu.memory_space<vmem>>, vector<16xf32>,
      tpu.vector_store %arg7[%swap3A_522, %swap3A_523, %swap3A_524], %gather3A_517 {strides = array<i32>} : memref<3x20x512xf32, #tpu.memory_space<vmem>>, vector<16xf32>,
      %add3A_526 = arith.constant 12 : i32
      %add3A_527 = vector.broadcast %add3A_526 : i32 to vector<16xi32>
      %add3A_528 = arith.addi %mul3A_47, %add3A_527 : vector<16xi32>
      %gather3A_529 = tpu.vector_load_idx %arg6[%add3A_528] : memref<10240xi32, #tpu.memory_space<vmem>>[vector<16xi32>], vector<16xi32>,
      %add3A_530 = arith.constant 0 : i32
      %add3A_531 = vector.broadcast %add3A_530 : i32 to vector<16xi32>
      %add3A_532 = arith.addi %gather3A_529, %add3A_531 : vector<16xi32>
      %gather3A_533 = tpu.vector_load_idx %arg5[%add3A_532] : memref<12288xf32, #tpu.memory_space<vmem>>[vector<16xi32>], vector<16xf32>,
      %mul3A_534 = arith.constant 16 : i32
      %mul3A_535 = arith.muli %scan3A_40, %mul3A_534 : i32
      %swap3A_536 = arith.constant 0 : i32
      %swap3A_537 = arith.constant 12 : i32
      %swap3A_538 = arith.index_cast %swap3A_536 : i32 to index
      %swap3A_539 = arith.index_cast %swap3A_537 : i32 to index
      %swap3A_540 = arith.index_cast %mul3A_535 : i32 to index
      %swap3A_541 = tpu.vector_load %arg7[%swap3A_538, %swap3A_539, %swap3A_540] {strides = array<i32>} : memref<3x20x512xf32, #tpu.memory_space<vmem>>, vector<16xf32>,
      tpu.vector_store %arg7[%swap3A_538, %swap3A_539, %swap3A_540], %gather3A_533 {strides = array<i32>} : memref<3x20x512xf32, #tpu.memory_space<vmem>>, vector<16xf32>,
      %add3A_542 = arith.constant 4096 : i32
      %add3A_543 = vector.broadcast %add3A_542 : i32 to vector<16xi32>
      %add3A_544 = arith.addi %gather3A_529, %add3A_543 : vector<16xi32>
      %gather3A_545 = tpu.vector_load_idx %arg5[%add3A_544] : memref<12288xf32, #tpu.memory_space<vmem>>[vector<16xi32>], vector<16xf32>,
      %mul3A_546 = arith.constant 16 : i32
      %mul3A_547 = arith.muli %scan3A_40, %mul3A_546 : i32
      %swap3A_548 = arith.constant 1 : i32
      %swap3A_549 = arith.constant 12 : i32
      %swap3A_550 = arith.index_cast %swap3A_548 : i32 to index
      %swap3A_551 = arith.index_cast %swap3A_549 : i32 to index
      %swap3A_552 = arith.index_cast %mul3A_547 : i32 to index
      %swap3A_553 = tpu.vector_load %arg7[%swap3A_550, %swap3A_551, %swap3A_552] {strides = array<i32>} : memref<3x20x512xf32, #tpu.memory_space<vmem>>, vector<16xf32>,
      tpu.vector_store %arg7[%swap3A_550, %swap3A_551, %swap3A_552], %gather3A_545 {strides = array<i32>} : memref<3x20x512xf32, #tpu.memory_space<vmem>>, vector<16xf32>,
      %add3A_554 = arith.constant 8192 : i32
      %add3A_555 = vector.broadcast %add3A_554 : i32 to vector<16xi32>
      %add3A_556 = arith.addi %gather3A_529, %add3A_555 : vector<16xi32>
      %gather3A_557 = tpu.vector_load_idx %arg5[%add3A_556] : memref<12288xf32, #tpu.memory_space<vmem>>[vector<16xi32>], vector<16xf32>,
      %mul3A_558 = arith.constant 16 : i32
      %mul3A_559 = arith.muli %scan3A_40, %mul3A_558 : i32
      %swap3A_560 = arith.constant 2 : i32
      %swap3A_561 = arith.constant 12 : i32
      %swap3A_562 = arith.index_cast %swap3A_560 : i32 to index
      %swap3A_563 = arith.index_cast %swap3A_561 : i32 to index
      %swap3A_564 = arith.index_cast %mul3A_559 : i32 to index
      %swap3A_565 = tpu.vector_load %arg7[%swap3A_562, %swap3A_563, %swap3A_564] {strides = array<i32>} : memref<3x20x512xf32, #tpu.memory_space<vmem>>, vector<16xf32>,
      tpu.vector_store %arg7[%swap3A_562, %swap3A_563, %swap3A_564], %gather3A_557 {strides = array<i32>} : memref<3x20x512xf32, #tpu.memory_space<vmem>>, vector<16xf32>,
      %add3A_566 = arith.constant 13 : i32
      %add3A_567 = vector.broadcast %add3A_566 : i32 to vector<16xi32>
      %add3A_568 = arith.addi %mul3A_47, %add3A_567 : vector<16xi32>
      %gather3A_569 = tpu.vector_load_idx %arg6[%add3A_568] : memref<10240xi32, #tpu.memory_space<vmem>>[vector<16xi32>], vector<16xi32>,
      %add3A_570 = arith.constant 0 : i32
      %add3A_571 = vector.broadcast %add3A_570 : i32 to vector<16xi32>
      %add3A_572 = arith.addi %gather3A_569, %add3A_571 : vector<16xi32>
      %gather3A_573 = tpu.vector_load_idx %arg5[%add3A_572] : memref<12288xf32, #tpu.memory_space<vmem>>[vector<16xi32>], vector<16xf32>,
      %mul3A_574 = arith.constant 16 : i32
      %mul3A_575 = arith.muli %scan3A_40, %mul3A_574 : i32
      %swap3A_576 = arith.constant 0 : i32
      %swap3A_577 = arith.constant 13 : i32
      %swap3A_578 = arith.index_cast %swap3A_576 : i32 to index
      %swap3A_579 = arith.index_cast %swap3A_577 : i32 to index
      %swap3A_580 = arith.index_cast %mul3A_575 : i32 to index
      %swap3A_581 = tpu.vector_load %arg7[%swap3A_578, %swap3A_579, %swap3A_580] {strides = array<i32>} : memref<3x20x512xf32, #tpu.memory_space<vmem>>, vector<16xf32>,
      tpu.vector_store %arg7[%swap3A_578, %swap3A_579, %swap3A_580], %gather3A_573 {strides = array<i32>} : memref<3x20x512xf32, #tpu.memory_space<vmem>>, vector<16xf32>,
      %add3A_582 = arith.constant 4096 : i32
      %add3A_583 = vector.broadcast %add3A_582 : i32 to vector<16xi32>
      %add3A_584 = arith.addi %gather3A_569, %add3A_583 : vector<16xi32>
      %gather3A_585 = tpu.vector_load_idx %arg5[%add3A_584] : memref<12288xf32, #tpu.memory_space<vmem>>[vector<16xi32>], vector<16xf32>,
      %mul3A_586 = arith.constant 16 : i32
      %mul3A_587 = arith.muli %scan3A_40, %mul3A_586 : i32
      %swap3A_588 = arith.constant 1 : i32
      %swap3A_589 = arith.constant 13 : i32
      %swap3A_590 = arith.index_cast %swap3A_588 : i32 to index
      %swap3A_591 = arith.index_cast %swap3A_589 : i32 to index
      %swap3A_592 = arith.index_cast %mul3A_587 : i32 to index
      %swap3A_593 = tpu.vector_load %arg7[%swap3A_590, %swap3A_591, %swap3A_592] {strides = array<i32>} : memref<3x20x512xf32, #tpu.memory_space<vmem>>, vector<16xf32>,
      tpu.vector_store %arg7[%swap3A_590, %swap3A_591, %swap3A_592], %gather3A_585 {strides = array<i32>} : memref<3x20x512xf32, #tpu.memory_space<vmem>>, vector<16xf32>,
      %add3A_594 = arith.constant 8192 : i32
      %add3A_595 = vector.broadcast %add3A_594 : i32 to vector<16xi32>
      %add3A_596 = arith.addi %gather3A_569, %add3A_595 : vector<16xi32>
      %gather3A_597 = tpu.vector_load_idx %arg5[%add3A_596] : memref<12288xf32, #tpu.memory_space<vmem>>[vector<16xi32>], vector<16xf32>,
      %mul3A_598 = arith.constant 16 : i32
      %mul3A_599 = arith.muli %scan3A_40, %mul3A_598 : i32
      %swap3A_600 = arith.constant 2 : i32
      %swap3A_601 = arith.constant 13 : i32
      %swap3A_602 = arith.index_cast %swap3A_600 : i32 to index
      %swap3A_603 = arith.index_cast %swap3A_601 : i32 to index
      %swap3A_604 = arith.index_cast %mul3A_599 : i32 to index
      %swap3A_605 = tpu.vector_load %arg7[%swap3A_602, %swap3A_603, %swap3A_604] {strides = array<i32>} : memref<3x20x512xf32, #tpu.memory_space<vmem>>, vector<16xf32>,
      tpu.vector_store %arg7[%swap3A_602, %swap3A_603, %swap3A_604], %gather3A_597 {strides = array<i32>} : memref<3x20x512xf32, #tpu.memory_space<vmem>>, vector<16xf32>,
      %add3A_606 = arith.constant 14 : i32
      %add3A_607 = vector.broadcast %add3A_606 : i32 to vector<16xi32>
      %add3A_608 = arith.addi %mul3A_47, %add3A_607 : vector<16xi32>
      %gather3A_609 = tpu.vector_load_idx %arg6[%add3A_608] : memref<10240xi32, #tpu.memory_space<vmem>>[vector<16xi32>], vector<16xi32>,
      %add3A_610 = arith.constant 0 : i32
      %add3A_611 = vector.broadcast %add3A_610 : i32 to vector<16xi32>
      %add3A_612 = arith.addi %gather3A_609, %add3A_611 : vector<16xi32>
      %gather3A_613 = tpu.vector_load_idx %arg5[%add3A_612] : memref<12288xf32, #tpu.memory_space<vmem>>[vector<16xi32>], vector<16xf32>,
      %mul3A_614 = arith.constant 16 : i32
      %mul3A_615 = arith.muli %scan3A_40, %mul3A_614 : i32
      %swap3A_616 = arith.constant 0 : i32
      %swap3A_617 = arith.constant 14 : i32
      %swap3A_618 = arith.index_cast %swap3A_616 : i32 to index
      %swap3A_619 = arith.index_cast %swap3A_617 : i32 to index
      %swap3A_620 = arith.index_cast %mul3A_615 : i32 to index
      %swap3A_621 = tpu.vector_load %arg7[%swap3A_618, %swap3A_619, %swap3A_620] {strides = array<i32>} : memref<3x20x512xf32, #tpu.memory_space<vmem>>, vector<16xf32>,
      tpu.vector_store %arg7[%swap3A_618, %swap3A_619, %swap3A_620], %gather3A_613 {strides = array<i32>} : memref<3x20x512xf32, #tpu.memory_space<vmem>>, vector<16xf32>,
      %add3A_622 = arith.constant 4096 : i32
      %add3A_623 = vector.broadcast %add3A_622 : i32 to vector<16xi32>
      %add3A_624 = arith.addi %gather3A_609, %add3A_623 : vector<16xi32>
      %gather3A_625 = tpu.vector_load_idx %arg5[%add3A_624] : memref<12288xf32, #tpu.memory_space<vmem>>[vector<16xi32>], vector<16xf32>,
      %mul3A_626 = arith.constant 16 : i32
      %mul3A_627 = arith.muli %scan3A_40, %mul3A_626 : i32
      %swap3A_628 = arith.constant 1 : i32
      %swap3A_629 = arith.constant 14 : i32
      %swap3A_630 = arith.index_cast %swap3A_628 : i32 to index
      %swap3A_631 = arith.index_cast %swap3A_629 : i32 to index
      %swap3A_632 = arith.index_cast %mul3A_627 : i32 to index
      %swap3A_633 = tpu.vector_load %arg7[%swap3A_630, %swap3A_631, %swap3A_632] {strides = array<i32>} : memref<3x20x512xf32, #tpu.memory_space<vmem>>, vector<16xf32>,
      tpu.vector_store %arg7[%swap3A_630, %swap3A_631, %swap3A_632], %gather3A_625 {strides = array<i32>} : memref<3x20x512xf32, #tpu.memory_space<vmem>>, vector<16xf32>,
      %add3A_634 = arith.constant 8192 : i32
      %add3A_635 = vector.broadcast %add3A_634 : i32 to vector<16xi32>
      %add3A_636 = arith.addi %gather3A_609, %add3A_635 : vector<16xi32>
      %gather3A_637 = tpu.vector_load_idx %arg5[%add3A_636] : memref<12288xf32, #tpu.memory_space<vmem>>[vector<16xi32>], vector<16xf32>,
      %mul3A_638 = arith.constant 16 : i32
      %mul3A_639 = arith.muli %scan3A_40, %mul3A_638 : i32
      %swap3A_640 = arith.constant 2 : i32
      %swap3A_641 = arith.constant 14 : i32
      %swap3A_642 = arith.index_cast %swap3A_640 : i32 to index
      %swap3A_643 = arith.index_cast %swap3A_641 : i32 to index
      %swap3A_644 = arith.index_cast %mul3A_639 : i32 to index
      %swap3A_645 = tpu.vector_load %arg7[%swap3A_642, %swap3A_643, %swap3A_644] {strides = array<i32>} : memref<3x20x512xf32, #tpu.memory_space<vmem>>, vector<16xf32>,
      tpu.vector_store %arg7[%swap3A_642, %swap3A_643, %swap3A_644], %gather3A_637 {strides = array<i32>} : memref<3x20x512xf32, #tpu.memory_space<vmem>>, vector<16xf32>,
      %add3A_646 = arith.constant 15 : i32
      %add3A_647 = vector.broadcast %add3A_646 : i32 to vector<16xi32>
      %add3A_648 = arith.addi %mul3A_47, %add3A_647 : vector<16xi32>
      %gather3A_649 = tpu.vector_load_idx %arg6[%add3A_648] : memref<10240xi32, #tpu.memory_space<vmem>>[vector<16xi32>], vector<16xi32>,
      %add3A_650 = arith.constant 0 : i32
      %add3A_651 = vector.broadcast %add3A_650 : i32 to vector<16xi32>
      %add3A_652 = arith.addi %gather3A_649, %add3A_651 : vector<16xi32>
      %gather3A_653 = tpu.vector_load_idx %arg5[%add3A_652] : memref<12288xf32, #tpu.memory_space<vmem>>[vector<16xi32>], vector<16xf32>,
      %mul3A_654 = arith.constant 16 : i32
      %mul3A_655 = arith.muli %scan3A_40, %mul3A_654 : i32
      %swap3A_656 = arith.constant 0 : i32
      %swap3A_657 = arith.constant 15 : i32
      %swap3A_658 = arith.index_cast %swap3A_656 : i32 to index
      %swap3A_659 = arith.index_cast %swap3A_657 : i32 to index
      %swap3A_660 = arith.index_cast %mul3A_655 : i32 to index
      %swap3A_661 = tpu.vector_load %arg7[%swap3A_658, %swap3A_659, %swap3A_660] {strides = array<i32>} : memref<3x20x512xf32, #tpu.memory_space<vmem>>, vector<16xf32>,
      tpu.vector_store %arg7[%swap3A_658, %swap3A_659, %swap3A_660], %gather3A_653 {strides = array<i32>} : memref<3x20x512xf32, #tpu.memory_space<vmem>>, vector<16xf32>,
      %add3A_662 = arith.constant 4096 : i32
      %add3A_663 = vector.broadcast %add3A_662 : i32 to vector<16xi32>
      %add3A_664 = arith.addi %gather3A_649, %add3A_663 : vector<16xi32>
      %gather3A_665 = tpu.vector_load_idx %arg5[%add3A_664] : memref<12288xf32, #tpu.memory_space<vmem>>[vector<16xi32>], vector<16xf32>,
      %mul3A_666 = arith.constant 16 : i32
      %mul3A_667 = arith.muli %scan3A_40, %mul3A_666 : i32
      %swap3A_668 = arith.constant 1 : i32
      %swap3A_669 = arith.constant 15 : i32
      %swap3A_670 = arith.index_cast %swap3A_668 : i32 to index
      %swap3A_671 = arith.index_cast %swap3A_669 : i32 to index
      %swap3A_672 = arith.index_cast %mul3A_667 : i32 to index
      %swap3A_673 = tpu.vector_load %arg7[%swap3A_670, %swap3A_671, %swap3A_672] {strides = array<i32>} : memref<3x20x512xf32, #tpu.memory_space<vmem>>, vector<16xf32>,
      tpu.vector_store %arg7[%swap3A_670, %swap3A_671, %swap3A_672], %gather3A_665 {strides = array<i32>} : memref<3x20x512xf32, #tpu.memory_space<vmem>>, vector<16xf32>,
      %add3A_674 = arith.constant 8192 : i32
      %add3A_675 = vector.broadcast %add3A_674 : i32 to vector<16xi32>
      %add3A_676 = arith.addi %gather3A_649, %add3A_675 : vector<16xi32>
      %gather3A_677 = tpu.vector_load_idx %arg5[%add3A_676] : memref<12288xf32, #tpu.memory_space<vmem>>[vector<16xi32>], vector<16xf32>,
      %mul3A_678 = arith.constant 16 : i32
      %mul3A_679 = arith.muli %scan3A_40, %mul3A_678 : i32
      %swap3A_680 = arith.constant 2 : i32
      %swap3A_681 = arith.constant 15 : i32
      %swap3A_682 = arith.index_cast %swap3A_680 : i32 to index
      %swap3A_683 = arith.index_cast %swap3A_681 : i32 to index
      %swap3A_684 = arith.index_cast %mul3A_679 : i32 to index
      %swap3A_685 = tpu.vector_load %arg7[%swap3A_682, %swap3A_683, %swap3A_684] {strides = array<i32>} : memref<3x20x512xf32, #tpu.memory_space<vmem>>, vector<16xf32>,
      tpu.vector_store %arg7[%swap3A_682, %swap3A_683, %swap3A_684], %gather3A_677 {strides = array<i32>} : memref<3x20x512xf32, #tpu.memory_space<vmem>>, vector<16xf32>,
      %add3A_686 = arith.constant 16 : i32
      %add3A_687 = vector.broadcast %add3A_686 : i32 to vector<16xi32>
      %add3A_688 = arith.addi %mul3A_47, %add3A_687 : vector<16xi32>
      %gather3A_689 = tpu.vector_load_idx %arg6[%add3A_688] : memref<10240xi32, #tpu.memory_space<vmem>>[vector<16xi32>], vector<16xi32>,
      %add3A_690 = arith.constant 0 : i32
      %add3A_691 = vector.broadcast %add3A_690 : i32 to vector<16xi32>
      %add3A_692 = arith.addi %gather3A_689, %add3A_691 : vector<16xi32>
      %gather3A_693 = tpu.vector_load_idx %arg5[%add3A_692] : memref<12288xf32, #tpu.memory_space<vmem>>[vector<16xi32>], vector<16xf32>,
      %mul3A_694 = arith.constant 16 : i32
      %mul3A_695 = arith.muli %scan3A_40, %mul3A_694 : i32
      %swap3A_696 = arith.constant 0 : i32
      %swap3A_697 = arith.constant 16 : i32
      %swap3A_698 = arith.index_cast %swap3A_696 : i32 to index
      %swap3A_699 = arith.index_cast %swap3A_697 : i32 to index
      %swap3A_700 = arith.index_cast %mul3A_695 : i32 to index
      %swap3A_701 = tpu.vector_load %arg7[%swap3A_698, %swap3A_699, %swap3A_700] {strides = array<i32>} : memref<3x20x512xf32, #tpu.memory_space<vmem>>, vector<16xf32>,
      tpu.vector_store %arg7[%swap3A_698, %swap3A_699, %swap3A_700], %gather3A_693 {strides = array<i32>} : memref<3x20x512xf32, #tpu.memory_space<vmem>>, vector<16xf32>,
      %add3A_702 = arith.constant 4096 : i32
      %add3A_703 = vector.broadcast %add3A_702 : i32 to vector<16xi32>
      %add3A_704 = arith.addi %gather3A_689, %add3A_703 : vector<16xi32>
      %gather3A_705 = tpu.vector_load_idx %arg5[%add3A_704] : memref<12288xf32, #tpu.memory_space<vmem>>[vector<16xi32>], vector<16xf32>,
      %mul3A_706 = arith.constant 16 : i32
      %mul3A_707 = arith.muli %scan3A_40, %mul3A_706 : i32
      %swap3A_708 = arith.constant 1 : i32
      %swap3A_709 = arith.constant 16 : i32
      %swap3A_710 = arith.index_cast %swap3A_708 : i32 to index
      %swap3A_711 = arith.index_cast %swap3A_709 : i32 to index
      %swap3A_712 = arith.index_cast %mul3A_707 : i32 to index
      %swap3A_713 = tpu.vector_load %arg7[%swap3A_710, %swap3A_711, %swap3A_712] {strides = array<i32>} : memref<3x20x512xf32, #tpu.memory_space<vmem>>, vector<16xf32>,
      tpu.vector_store %arg7[%swap3A_710, %swap3A_711, %swap3A_712], %gather3A_705 {strides = array<i32>} : memref<3x20x512xf32, #tpu.memory_space<vmem>>, vector<16xf32>,
      %add3A_714 = arith.constant 8192 : i32
      %add3A_715 = vector.broadcast %add3A_714 : i32 to vector<16xi32>
      %add3A_716 = arith.addi %gather3A_689, %add3A_715 : vector<16xi32>
      %gather3A_717 = tpu.vector_load_idx %arg5[%add3A_716] : memref<12288xf32, #tpu.memory_space<vmem>>[vector<16xi32>], vector<16xf32>,
      %mul3A_718 = arith.constant 16 : i32
      %mul3A_719 = arith.muli %scan3A_40, %mul3A_718 : i32
      %swap3A_720 = arith.constant 2 : i32
      %swap3A_721 = arith.constant 16 : i32
      %swap3A_722 = arith.index_cast %swap3A_720 : i32 to index
      %swap3A_723 = arith.index_cast %swap3A_721 : i32 to index
      %swap3A_724 = arith.index_cast %mul3A_719 : i32 to index
      %swap3A_725 = tpu.vector_load %arg7[%swap3A_722, %swap3A_723, %swap3A_724] {strides = array<i32>} : memref<3x20x512xf32, #tpu.memory_space<vmem>>, vector<16xf32>,
      tpu.vector_store %arg7[%swap3A_722, %swap3A_723, %swap3A_724], %gather3A_717 {strides = array<i32>} : memref<3x20x512xf32, #tpu.memory_space<vmem>>, vector<16xf32>,
      %add3A_726 = arith.constant 17 : i32
      %add3A_727 = vector.broadcast %add3A_726 : i32 to vector<16xi32>
      %add3A_728 = arith.addi %mul3A_47, %add3A_727 : vector<16xi32>
      %gather3A_729 = tpu.vector_load_idx %arg6[%add3A_728] : memref<10240xi32, #tpu.memory_space<vmem>>[vector<16xi32>], vector<16xi32>,
      %add3A_730 = arith.constant 0 : i32
      %add3A_731 = vector.broadcast %add3A_730 : i32 to vector<16xi32>
      %add3A_732 = arith.addi %gather3A_729, %add3A_731 : vector<16xi32>
      %gather3A_733 = tpu.vector_load_idx %arg5[%add3A_732] : memref<12288xf32, #tpu.memory_space<vmem>>[vector<16xi32>], vector<16xf32>,
      %mul3A_734 = arith.constant 16 : i32
      %mul3A_735 = arith.muli %scan3A_40, %mul3A_734 : i32
      %swap3A_736 = arith.constant 0 : i32
      %swap3A_737 = arith.constant 17 : i32
      %swap3A_738 = arith.index_cast %swap3A_736 : i32 to index
      %swap3A_739 = arith.index_cast %swap3A_737 : i32 to index
      %swap3A_740 = arith.index_cast %mul3A_735 : i32 to index
      %swap3A_741 = tpu.vector_load %arg7[%swap3A_738, %swap3A_739, %swap3A_740] {strides = array<i32>} : memref<3x20x512xf32, #tpu.memory_space<vmem>>, vector<16xf32>,
      tpu.vector_store %arg7[%swap3A_738, %swap3A_739, %swap3A_740], %gather3A_733 {strides = array<i32>} : memref<3x20x512xf32, #tpu.memory_space<vmem>>, vector<16xf32>,
      %add3A_742 = arith.constant 4096 : i32
      %add3A_743 = vector.broadcast %add3A_742 : i32 to vector<16xi32>
      %add3A_744 = arith.addi %gather3A_729, %add3A_743 : vector<16xi32>
      %gather3A_745 = tpu.vector_load_idx %arg5[%add3A_744] : memref<12288xf32, #tpu.memory_space<vmem>>[vector<16xi32>], vector<16xf32>,
      %mul3A_746 = arith.constant 16 : i32
      %mul3A_747 = arith.muli %scan3A_40, %mul3A_746 : i32
      %swap3A_748 = arith.constant 1 : i32
      %swap3A_749 = arith.constant 17 : i32
      %swap3A_750 = arith.index_cast %swap3A_748 : i32 to index
      %swap3A_751 = arith.index_cast %swap3A_749 : i32 to index
      %swap3A_752 = arith.index_cast %mul3A_747 : i32 to index
      %swap3A_753 = tpu.vector_load %arg7[%swap3A_750, %swap3A_751, %swap3A_752] {strides = array<i32>} : memref<3x20x512xf32, #tpu.memory_space<vmem>>, vector<16xf32>,
      tpu.vector_store %arg7[%swap3A_750, %swap3A_751, %swap3A_752], %gather3A_745 {strides = array<i32>} : memref<3x20x512xf32, #tpu.memory_space<vmem>>, vector<16xf32>,
      %add3A_754 = arith.constant 8192 : i32
      %add3A_755 = vector.broadcast %add3A_754 : i32 to vector<16xi32>
      %add3A_756 = arith.addi %gather3A_729, %add3A_755 : vector<16xi32>
      %gather3A_757 = tpu.vector_load_idx %arg5[%add3A_756] : memref<12288xf32, #tpu.memory_space<vmem>>[vector<16xi32>], vector<16xf32>,
      %mul3A_758 = arith.constant 16 : i32
      %mul3A_759 = arith.muli %scan3A_40, %mul3A_758 : i32
      %swap3A_760 = arith.constant 2 : i32
      %swap3A_761 = arith.constant 17 : i32
      %swap3A_762 = arith.index_cast %swap3A_760 : i32 to index
      %swap3A_763 = arith.index_cast %swap3A_761 : i32 to index
      %swap3A_764 = arith.index_cast %mul3A_759 : i32 to index
      %swap3A_765 = tpu.vector_load %arg7[%swap3A_762, %swap3A_763, %swap3A_764] {strides = array<i32>} : memref<3x20x512xf32, #tpu.memory_space<vmem>>, vector<16xf32>,
      tpu.vector_store %arg7[%swap3A_762, %swap3A_763, %swap3A_764], %gather3A_757 {strides = array<i32>} : memref<3x20x512xf32, #tpu.memory_space<vmem>>, vector<16xf32>,
      %add3A_766 = arith.constant 18 : i32
      %add3A_767 = vector.broadcast %add3A_766 : i32 to vector<16xi32>
      %add3A_768 = arith.addi %mul3A_47, %add3A_767 : vector<16xi32>
      %gather3A_769 = tpu.vector_load_idx %arg6[%add3A_768] : memref<10240xi32, #tpu.memory_space<vmem>>[vector<16xi32>], vector<16xi32>,
      %add3A_770 = arith.constant 0 : i32
      %add3A_771 = vector.broadcast %add3A_770 : i32 to vector<16xi32>
      %add3A_772 = arith.addi %gather3A_769, %add3A_771 : vector<16xi32>
      %gather3A_773 = tpu.vector_load_idx %arg5[%add3A_772] : memref<12288xf32, #tpu.memory_space<vmem>>[vector<16xi32>], vector<16xf32>,
      %mul3A_774 = arith.constant 16 : i32
      %mul3A_775 = arith.muli %scan3A_40, %mul3A_774 : i32
      %swap3A_776 = arith.constant 0 : i32
      %swap3A_777 = arith.constant 18 : i32
      %swap3A_778 = arith.index_cast %swap3A_776 : i32 to index
      %swap3A_779 = arith.index_cast %swap3A_777 : i32 to index
      %swap3A_780 = arith.index_cast %mul3A_775 : i32 to index
      %swap3A_781 = tpu.vector_load %arg7[%swap3A_778, %swap3A_779, %swap3A_780] {strides = array<i32>} : memref<3x20x512xf32, #tpu.memory_space<vmem>>, vector<16xf32>,
      tpu.vector_store %arg7[%swap3A_778, %swap3A_779, %swap3A_780], %gather3A_773 {strides = array<i32>} : memref<3x20x512xf32, #tpu.memory_space<vmem>>, vector<16xf32>,
      %add3A_782 = arith.constant 4096 : i32
      %add3A_783 = vector.broadcast %add3A_782 : i32 to vector<16xi32>
      %add3A_784 = arith.addi %gather3A_769, %add3A_783 : vector<16xi32>
      %gather3A_785 = tpu.vector_load_idx %arg5[%add3A_784] : memref<12288xf32, #tpu.memory_space<vmem>>[vector<16xi32>], vector<16xf32>,
      %mul3A_786 = arith.constant 16 : i32
      %mul3A_787 = arith.muli %scan3A_40, %mul3A_786 : i32
      %swap3A_788 = arith.constant 1 : i32
      %swap3A_789 = arith.constant 18 : i32
      %swap3A_790 = arith.index_cast %swap3A_788 : i32 to index
      %swap3A_791 = arith.index_cast %swap3A_789 : i32 to index
      %swap3A_792 = arith.index_cast %mul3A_787 : i32 to index
      %swap3A_793 = tpu.vector_load %arg7[%swap3A_790, %swap3A_791, %swap3A_792] {strides = array<i32>} : memref<3x20x512xf32, #tpu.memory_space<vmem>>, vector<16xf32>,
      tpu.vector_store %arg7[%swap3A_790, %swap3A_791, %swap3A_792], %gather3A_785 {strides = array<i32>} : memref<3x20x512xf32, #tpu.memory_space<vmem>>, vector<16xf32>,
      %add3A_794 = arith.constant 8192 : i32
      %add3A_795 = vector.broadcast %add3A_794 : i32 to vector<16xi32>
      %add3A_796 = arith.addi %gather3A_769, %add3A_795 : vector<16xi32>
      %gather3A_797 = tpu.vector_load_idx %arg5[%add3A_796] : memref<12288xf32, #tpu.memory_space<vmem>>[vector<16xi32>], vector<16xf32>,
      %mul3A_798 = arith.constant 16 : i32
      %mul3A_799 = arith.muli %scan3A_40, %mul3A_798 : i32
      %swap3A_800 = arith.constant 2 : i32
      %swap3A_801 = arith.constant 18 : i32
      %swap3A_802 = arith.index_cast %swap3A_800 : i32 to index
      %swap3A_803 = arith.index_cast %swap3A_801 : i32 to index
      %swap3A_804 = arith.index_cast %mul3A_799 : i32 to index
      %swap3A_805 = tpu.vector_load %arg7[%swap3A_802, %swap3A_803, %swap3A_804] {strides = array<i32>} : memref<3x20x512xf32, #tpu.memory_space<vmem>>, vector<16xf32>,
      tpu.vector_store %arg7[%swap3A_802, %swap3A_803, %swap3A_804], %gather3A_797 {strides = array<i32>} : memref<3x20x512xf32, #tpu.memory_space<vmem>>, vector<16xf32>,
      %add3A_806 = arith.constant 19 : i32
      %add3A_807 = vector.broadcast %add3A_806 : i32 to vector<16xi32>
      %add3A_808 = arith.addi %mul3A_47, %add3A_807 : vector<16xi32>
      %gather3A_809 = tpu.vector_load_idx %arg6[%add3A_808] : memref<10240xi32, #tpu.memory_space<vmem>>[vector<16xi32>], vector<16xi32>,
      %add3A_810 = arith.constant 0 : i32
      %add3A_811 = vector.broadcast %add3A_810 : i32 to vector<16xi32>
      %add3A_812 = arith.addi %gather3A_809, %add3A_811 : vector<16xi32>
      %gather3A_813 = tpu.vector_load_idx %arg5[%add3A_812] : memref<12288xf32, #tpu.memory_space<vmem>>[vector<16xi32>], vector<16xf32>,
      %mul3A_814 = arith.constant 16 : i32
      %mul3A_815 = arith.muli %scan3A_40, %mul3A_814 : i32
      %swap3A_816 = arith.constant 0 : i32
      %swap3A_817 = arith.constant 19 : i32
      %swap3A_818 = arith.index_cast %swap3A_816 : i32 to index
      %swap3A_819 = arith.index_cast %swap3A_817 : i32 to index
      %swap3A_820 = arith.index_cast %mul3A_815 : i32 to index
      %swap3A_821 = tpu.vector_load %arg7[%swap3A_818, %swap3A_819, %swap3A_820] {strides = array<i32>} : memref<3x20x512xf32, #tpu.memory_space<vmem>>, vector<16xf32>,
      tpu.vector_store %arg7[%swap3A_818, %swap3A_819, %swap3A_820], %gather3A_813 {strides = array<i32>} : memref<3x20x512xf32, #tpu.memory_space<vmem>>, vector<16xf32>,
      %add3A_822 = arith.constant 4096 : i32
      %add3A_823 = vector.broadcast %add3A_822 : i32 to vector<16xi32>
      %add3A_824 = arith.addi %gather3A_809, %add3A_823 : vector<16xi32>
      %gather3A_825 = tpu.vector_load_idx %arg5[%add3A_824] : memref<12288xf32, #tpu.memory_space<vmem>>[vector<16xi32>], vector<16xf32>,
      %mul3A_826 = arith.constant 16 : i32
      %mul3A_827 = arith.muli %scan3A_40, %mul3A_826 : i32
      %swap3A_828 = arith.constant 1 : i32
      %swap3A_829 = arith.constant 19 : i32
      %swap3A_830 = arith.index_cast %swap3A_828 : i32 to index
      %swap3A_831 = arith.index_cast %swap3A_829 : i32 to index
      %swap3A_832 = arith.index_cast %mul3A_827 : i32 to index
      %swap3A_833 = tpu.vector_load %arg7[%swap3A_830, %swap3A_831, %swap3A_832] {strides = array<i32>} : memref<3x20x512xf32, #tpu.memory_space<vmem>>, vector<16xf32>,
      tpu.vector_store %arg7[%swap3A_830, %swap3A_831, %swap3A_832], %gather3A_825 {strides = array<i32>} : memref<3x20x512xf32, #tpu.memory_space<vmem>>, vector<16xf32>,
      %add3A_834 = arith.constant 8192 : i32
      %add3A_835 = vector.broadcast %add3A_834 : i32 to vector<16xi32>
      %add3A_836 = arith.addi %gather3A_809, %add3A_835 : vector<16xi32>
      %gather3A_837 = tpu.vector_load_idx %arg5[%add3A_836] : memref<12288xf32, #tpu.memory_space<vmem>>[vector<16xi32>], vector<16xf32>,
      %mul3A_838 = arith.constant 16 : i32
      %mul3A_839 = arith.muli %scan3A_40, %mul3A_838 : i32
      %swap3A_840 = arith.constant 2 : i32
      %swap3A_841 = arith.constant 19 : i32
      %swap3A_842 = arith.index_cast %swap3A_840 : i32 to index
      %swap3A_843 = arith.index_cast %swap3A_841 : i32 to index
      %swap3A_844 = arith.index_cast %mul3A_839 : i32 to index
      %swap3A_845 = tpu.vector_load %arg7[%swap3A_842, %swap3A_843, %swap3A_844] {strides = array<i32>} : memref<3x20x512xf32, #tpu.memory_space<vmem>>, vector<16xf32>,
      tpu.vector_store %arg7[%swap3A_842, %swap3A_843, %swap3A_844], %gather3A_837 {strides = array<i32>} : memref<3x20x512xf32, #tpu.memory_space<vmem>>, vector<16xf32>,
    }
    %scan3A_39 = arith.constant 32 : i32
    "tpu.region"() ({
      %run_scoped3A = tpu.sem_alloc : memref<!tpu.dma_semaphore, #tpu.memory_space<semaphore_mem>>
      %dma_start3A = arith.constant 0 : i32
      %dma_start3A_40 = arith.constant 0 : i32
      %dma_start3A_41 = tpu.memref_slice %arg4[%select_n3A, %dma_start3A, %dma_start3A_40, %mul3A_32] : memref<4x3x20x4096xf32, #tpu.memory_space<hbm>> -> memref<1x3x20x512xf32, #tpu.memory_space<hbm>>
      %dma_start3A_42 = tpu.memref_squeeze %dma_start3A_41 : memref<1x3x20x512xf32, #tpu.memory_space<hbm>> -> memref<3x20x512xf32, #tpu.memory_space<hbm>>
      %dma_start3A_43 = arith.constant 0 : i32
      %dma_start3A_44 = arith.constant 0 : i32
      %dma_start3A_45 = tpu.memref_slice %arg4[%select_n3A, %dma_start3A_43, %dma_start3A_44, %mul3A_32] : memref<4x3x20x4096xf32, #tpu.memory_space<hbm>> -> memref<1x3x20x512xf32, #tpu.memory_space<hbm>>
      %dma_start3A_46 = tpu.memref_squeeze %dma_start3A_45 : memref<1x3x20x512xf32, #tpu.memory_space<hbm>> -> memref<3x20x512xf32, #tpu.memory_space<hbm>>
      tpu.enqueue_dma source(%arg7 : memref<3x20x512xf32, #tpu.memory_space<vmem>>) target(%dma_start3A_46 : memref<3x20x512xf32, #tpu.memory_space<hbm>>) target_semaphore(%run_scoped3A : memref<!tpu.dma_semaphore, #tpu.memory_space<semaphore_mem>>)
      %dma_wait3A = arith.constant 0 : i32
      %dma_wait3A_47 = arith.constant 0 : i32
      %dma_wait3A_48 = tpu.memref_slice %arg4[%select_n3A, %dma_wait3A, %dma_wait3A_47, %mul3A_32] : memref<4x3x20x4096xf32, #tpu.memory_space<hbm>> -> memref<1x3x20x512xf32, #tpu.memory_space<hbm>>
      %dma_wait3A_49 = tpu.memref_squeeze %dma_wait3A_48 : memref<1x3x20x512xf32, #tpu.memory_space<hbm>> -> memref<3x20x512xf32, #tpu.memory_space<hbm>>
      %dma_wait3A_50 = arith.constant 0 : i32
      %dma_wait3A_51 = arith.constant 0 : i32
      %dma_wait3A_52 = tpu.memref_slice %arg4[%select_n3A, %dma_wait3A_50, %dma_wait3A_51, %mul3A_32] : memref<4x3x20x4096xf32, #tpu.memory_space<hbm>> -> memref<1x3x20x512xf32, #tpu.memory_space<hbm>>
      %dma_wait3A_53 = tpu.memref_squeeze %dma_wait3A_52 : memref<1x3x20x512xf32, #tpu.memory_space<hbm>> -> memref<3x20x512xf32, #tpu.memory_space<hbm>>
      tpu.wait_dma2 semaphore(%run_scoped3A : memref<!tpu.dma_semaphore, #tpu.memory_space<semaphore_mem>>) src(%arg7 : memref<3x20x512xf32, #tpu.memory_space<vmem>>) dst(%dma_wait3A_53 : memref<3x20x512xf32, #tpu.memory_space<hbm>>)
      tpu.yield
    }) : () -> ()
    return
  }
}

module attributes {stable_mosaic.version = 14 : i64} {
  func.func @_topk_body(%arg0: i32, %arg1: i32, %arg2: memref<1x4096x3xf32, #tpu.memory_space<vmem>>, %arg3: memref<1x3x512xf32, #tpu.memory_space<vmem>>, %arg4: memref<1x512x20xi32, #tpu.memory_space<vmem>>, %arg5: memref<64x64x512xf32, #tpu.memory_space<vmem>>, %arg6: memref<8x64x512xf32, #tpu.memory_space<vmem>>, %arg7: memref<8x64x512xi32, #tpu.memory_space<vmem>>) attributes {dimension_semantics = [#tpu.dimension_semantics<arbitrary>, #tpu.dimension_semantics<arbitrary>], iteration_bounds = array<i64: 4, 8>, scalar_prefetch = 0 : i64, scratch_operands = 3 : i64, tpu.core_type = #tpu.core_type<tc>, window_params = [{transform_indices = @transform_0, window_bounds = array<i64: 1, 4096, 3>}, {transform_indices = @transform_1, window_bounds = array<i64: 1, 3, 512>}, {transform_indices = @transform_2, window_bounds = array<i64: 1, 512, 20>}]} {
    %get3A = arith.constant 0 : index
    %get3A_0 = arith.constant 0 : index
    %get3A_1 = arith.constant 0 : index
    %get3A_2 = vector.load %arg2[%get3A, %get3A_0, %get3A_1] : memref<1x4096x3xf32, #tpu.memory_space<vmem>>, vector<1x4096x3xf32>
    %get3A_3 = vector.shape_cast %get3A_2 : vector<1x4096x3xf32> to vector<4096x3xf32>
    %get3A_4 = arith.constant 0 : index
    %get3A_5 = arith.constant 0 : index
    %get3A_6 = arith.constant 0 : index
    %get3A_7 = vector.load %arg3[%get3A_4, %get3A_5, %get3A_6] : memref<1x3x512xf32, #tpu.memory_space<vmem>>, vector<1x3x512xf32>
    %get3A_8 = vector.shape_cast %get3A_7 : vector<1x3x512xf32> to vector<3x512xf32>
    %dot_general3A = arith.constant dense<0.000000e+00> : vector<4096x512xf32>
    %dot_general3A_9 = tpu.matmul %get3A_3, %get3A_8, %dot_general3A {dimension_numbers = #tpu.dot_dimension_numbers<[1], [0], [0], [1], [0, 0, 1, 1], [], []>, transpose_lhs_hint = false} : vector<4096x3xf32>, vector<3x512xf32>, vector<4096x512xf32> -> vector<4096x512xf32>
    %mul3A = arith.mulf %get3A_3, %get3A_3 : vector<4096x3xf32>
    %reduce_sum3A = arith.constant dense<0.000000e+00> : vector<4096xf32>
    %reduce_sum3A_10 = vector.multi_reduction <add>, %mul3A, %reduce_sum3A [1] : vector<4096x3xf32> to vector<4096xf32>
    %broadcast_in_dim3A = vector.shape_cast %reduce_sum3A_10 : vector<4096xf32> to vector<4096x1xf32>
    %mul3A_11 = arith.constant 2.000000e+00 : f32
    %mul3A_12 = vector.broadcast %mul3A_11 : f32 to vector<4096x512xf32>
    %mul3A_13 = arith.mulf %mul3A_12, %dot_general3A_9 : vector<4096x512xf32>
    %sub3A = vector.broadcast %broadcast_in_dim3A : vector<4096x1xf32> to vector<4096x512xf32>
    %sub3A_14 = arith.subf %mul3A_13, %sub3A : vector<4096x512xf32>
    %mul3A_15 = arith.constant 512 : i32
    %mul3A_16 = arith.muli %arg1, %mul3A_15 : i32
    %iota3A = tpu.iota {dimensions = array<i32: 0>} : vector<4096x512xi32>
    %iota3A_17 = tpu.iota {dimensions = array<i32: 1>} : vector<4096x512xi32>
    %add3A = vector.broadcast %mul3A_16 : i32 to vector<4096x512xi32>
    %add3A_18 = arith.addi %iota3A_17, %add3A : vector<4096x512xi32>
    %eq3A = arith.cmpi eq, %iota3A, %add3A_18 : vector<4096x512xi32>
    %jit3A = arith.constant -3.000000e+38 : f32
    %broadcast_in_dim3A_19 = vector.broadcast %jit3A : f32 to vector<4096x512xf32>
    %select_n3A = arith.select %eq3A, %broadcast_in_dim3A_19, %sub3A_14 : vector<4096x512xi1>, vector<4096x512xf32>
    %reshape3A = vector.shape_cast %select_n3A : vector<4096x512xf32> to vector<64x64x512xf32>
    %swap3A = arith.constant 0 : index
    %swap3A_20 = arith.constant 0 : index
    %swap3A_21 = arith.constant 0 : index
    %swap3A_22 = vector.load %arg5[%swap3A, %swap3A_20, %swap3A_21] : memref<64x64x512xf32, #tpu.memory_space<vmem>>, vector<64x64x512xf32>
    tpu.vector_store %arg5[%swap3A, %swap3A_20, %swap3A_21], %reshape3A {strides = array<i32>} : memref<64x64x512xf32, #tpu.memory_space<vmem>>, vector<64x64x512xf32>,
    %broadcast_in_dim3A_23 = arith.constant -3.000000e+38 : f32
    %broadcast_in_dim3A_24 = vector.broadcast %broadcast_in_dim3A_23 : f32 to vector<8x64x512xf32>
    %swap3A_25 = arith.constant 0 : index
    %swap3A_26 = arith.constant 0 : index
    %swap3A_27 = arith.constant 0 : index
    %swap3A_28 = vector.load %arg6[%swap3A_25, %swap3A_26, %swap3A_27] : memref<8x64x512xf32, #tpu.memory_space<vmem>>, vector<8x64x512xf32>
    tpu.vector_store %arg6[%swap3A_25, %swap3A_26, %swap3A_27], %broadcast_in_dim3A_24 {strides = array<i32>} : memref<8x64x512xf32, #tpu.memory_space<vmem>>, vector<8x64x512xf32>,
    %broadcast_in_dim3A_29 = arith.constant 0 : i32
    %broadcast_in_dim3A_30 = vector.broadcast %broadcast_in_dim3A_29 : i32 to vector<8x64x512xi32>
    %swap3A_31 = arith.constant 0 : index
    %swap3A_32 = arith.constant 0 : index
    %swap3A_33 = arith.constant 0 : index
    %swap3A_34 = vector.load %arg7[%swap3A_31, %swap3A_32, %swap3A_33] : memref<8x64x512xi32, #tpu.memory_space<vmem>>, vector<8x64x512xi32>
    tpu.vector_store %arg7[%swap3A_31, %swap3A_32, %swap3A_33], %broadcast_in_dim3A_30 {strides = array<i32>} : memref<8x64x512xi32, #tpu.memory_space<vmem>>, vector<8x64x512xi32>,
    %iota3A_35 = tpu.iota {dimensions = array<i32: 1>} : vector<64x64x512xi32>
    %iota3A_36 = tpu.iota {dimensions = array<i32: 0>} : vector<64x512xi32>
    %mul3A_37 = arith.constant 64 : i32
    %mul3A_38 = vector.broadcast %mul3A_37 : i32 to vector<64x512xi32>
    %mul3A_39 = arith.muli %iota3A_36, %mul3A_38 : vector<64x512xi32>
    %reshape3A_40 = vector.shape_cast %select_n3A : vector<4096x512xf32> to vector<64x64x512xf32>
    %reduce_max3A = arith.constant dense<0xFF800000> : vector<64x512xf32>
    %reduce_max3A_41 = vector.multi_reduction <maximumf>, %reshape3A_40, %reduce_max3A [1] : vector<64x64x512xf32> to vector<64x512xf32>
    %while3A = arith.constant 0 : i32
    %while3A_42 = arith.constant false
    %while3A_43:3 = scf.while (%while3A_470 = %while3A, %while3A_471 = %while3A_42, %while3A_472 = %reduce_max3A_41) : (i32, i1, vector<64x512xf32>) -> (i32, i1, vector<64x512xf32>) {
      %lt3A = arith.constant 8 : i32
      %lt3A_473 = arith.cmpi slt, %while3A_470, %lt3A : i32
      %not3A = arith.constant true
      %not3A_474 = arith.xori %while3A_471, %not3A : i1
      %and3A_475 = arith.andi %lt3A_473, %not3A_474 : i1
      scf.condition(%and3A_475) %while3A_470, %while3A_471, %while3A_472 : i32, i1, vector<64x512xf32>
    } do {
    ^bb0(%while3A_470: i32, %while3A_471: i1, %while3A_472: vector<64x512xf32>):
      %get3A_473 = arith.constant 0 : index
      %get3A_474 = arith.constant 0 : index
      %get3A_475 = arith.constant 0 : index
      %get3A_476 = vector.load %arg5[%get3A_473, %get3A_474, %get3A_475] : memref<64x64x512xf32, #tpu.memory_space<vmem>>, vector<64x64x512xf32>
      %broadcast_in_dim3A_477 = vector.shape_cast %while3A_472 : vector<64x512xf32> to vector<64x1x512xf32>
      %eq3A_478 = vector.broadcast %broadcast_in_dim3A_477 : vector<64x1x512xf32> to vector<64x64x512xf32>
      %eq3A_479 = arith.cmpf oeq, %get3A_476, %eq3A_478 : vector<64x64x512xf32>
      %jit3A_480 = arith.constant 64 : i32
      %broadcast_in_dim3A_481 = vector.broadcast %jit3A_480 : i32 to vector<64x64x512xi32>
      %select_n3A_482 = arith.select %eq3A_479, %iota3A_35, %broadcast_in_dim3A_481 : vector<64x64x512xi1>, vector<64x64x512xi32>
      %reduce_min3A_483 = arith.constant dense<2147483647> : vector<64x512xi32>
      %reduce_min3A_484 = vector.multi_reduction <minsi>, %select_n3A_482, %reduce_min3A_483 [1] : vector<64x64x512xi32> to vector<64x512xi32>
      %jit3A_485 = arith.constant -3.000000e+38 : f32
      %broadcast_in_dim3A_486 = vector.broadcast %jit3A_485 : f32 to vector<64x64x512xf32>
      %select_n3A_487 = arith.select %eq3A_479, %broadcast_in_dim3A_486, %get3A_476 : vector<64x64x512xi1>, vector<64x64x512xf32>
      %swap3A_488 = arith.constant 0 : index
      %swap3A_489 = arith.constant 0 : index
      %swap3A_490 = arith.constant 0 : index
      %swap3A_491 = vector.load %arg5[%swap3A_488, %swap3A_489, %swap3A_490] : memref<64x64x512xf32, #tpu.memory_space<vmem>>, vector<64x64x512xf32>
      tpu.vector_store %arg5[%swap3A_488, %swap3A_489, %swap3A_490], %select_n3A_487 {strides = array<i32>} : memref<64x64x512xf32, #tpu.memory_space<vmem>>, vector<64x64x512xf32>,
      %swap3A_492 = arith.index_cast %while3A_470 : i32 to index
      %swap3A_493 = arith.constant 0 : index
      %swap3A_494 = arith.constant 0 : index
      %swap3A_495 = vector.load %arg6[%swap3A_492, %swap3A_493, %swap3A_494] : memref<8x64x512xf32, #tpu.memory_space<vmem>>, vector<1x64x512xf32>
      %swap3A_496 = vector.shape_cast %swap3A_495 : vector<1x64x512xf32> to vector<64x512xf32>
      %swap3A_497 = vector.shape_cast %while3A_472 : vector<64x512xf32> to vector<1x64x512xf32>
      tpu.vector_store %arg6[%swap3A_492, %swap3A_493, %swap3A_494], %swap3A_497 {strides = array<i32>} : memref<8x64x512xf32, #tpu.memory_space<vmem>>, vector<1x64x512xf32>,
      %add3A_498 = arith.addi %mul3A_39, %reduce_min3A_484 : vector<64x512xi32>
      %swap3A_499 = arith.index_cast %while3A_470 : i32 to index
      %swap3A_500 = arith.constant 0 : index
      %swap3A_501 = arith.constant 0 : index
      %swap3A_502 = vector.load %arg7[%swap3A_499, %swap3A_500, %swap3A_501] : memref<8x64x512xi32, #tpu.memory_space<vmem>>, vector<1x64x512xi32>
      %swap3A_503 = vector.shape_cast %swap3A_502 : vector<1x64x512xi32> to vector<64x512xi32>
      %swap3A_504 = vector.shape_cast %add3A_498 : vector<64x512xi32> to vector<1x64x512xi32>
      tpu.vector_store %arg7[%swap3A_499, %swap3A_500, %swap3A_501], %swap3A_504 {strides = array<i32>} : memref<8x64x512xi32, #tpu.memory_space<vmem>>, vector<1x64x512xi32>,
      %reduce_max3A_505 = arith.constant dense<0xFF800000> : vector<64x512xf32>
      %reduce_max3A_506 = vector.multi_reduction <maximumf>, %select_n3A_487, %reduce_max3A_505 [1] : vector<64x64x512xf32> to vector<64x512xf32>
      %reduce_max3A_507 = arith.constant dense<0xFF800000> : vector<512xf32>
      %reduce_max3A_508 = vector.multi_reduction <maximumf>, %reduce_max3A_506, %reduce_max3A_507 [0] : vector<64x512xf32> to vector<512xf32>
      %get3A_509 = arith.constant 0 : index
      %get3A_510 = arith.constant 0 : index
      %get3A_511 = arith.constant 0 : index
      %get3A_512 = vector.load %arg6[%get3A_509, %get3A_510, %get3A_511] : memref<8x64x512xf32, #tpu.memory_space<vmem>>, vector<8x64x512xf32>
      %broadcast_in_dim3A_513 = vector.shape_cast %reduce_max3A_508 : vector<512xf32> to vector<1x1x512xf32>
      %gt3A = vector.broadcast %broadcast_in_dim3A_513 : vector<1x1x512xf32> to vector<8x64x512xf32>
      %gt3A_514 = arith.cmpf ogt, %get3A_512, %gt3A : vector<8x64x512xf32>
      %convert_element_type3A = arith.extui %gt3A_514 : vector<8x64x512xi1> to vector<8x64x512xi32>
      %reduce_sum3A_515 = arith.constant dense<0> : vector<64x512xi32>
      %reduce_sum3A_516 = vector.multi_reduction <add>, %convert_element_type3A, %reduce_sum3A_515 [0] : vector<8x64x512xi32> to vector<64x512xi32>
      %reduce_sum3A_517 = arith.constant dense<0> : vector<512xi32>
      %reduce_sum3A_518 = vector.multi_reduction <add>, %reduce_sum3A_516, %reduce_sum3A_517 [0] : vector<64x512xi32> to vector<512xi32>
      %ge3A = arith.constant 19 : i32
      %ge3A_519 = vector.broadcast %ge3A : i32 to vector<512xi32>
      %ge3A_520 = arith.cmpi sge, %reduce_sum3A_518, %ge3A_519 : vector<512xi32>
      %reduce_and3A = arith.constant 1.000000e+00 : f32
      %reduce_and3A_521 = arith.constant 0.000000e+00 : f32
      %reduce_and3A_522 = vector.broadcast %reduce_and3A : f32 to vector<512xf32>
      %reduce_and3A_523 = vector.broadcast %reduce_and3A_521 : f32 to vector<512xf32>
      %reduce_and3A_524 = arith.select %ge3A_520, %reduce_and3A_522, %reduce_and3A_523 : vector<512xi1>, vector<512xf32>
      %reduce_and3A_525 = vector.shape_cast %reduce_and3A_524 : vector<512xf32> to vector<1x512xf32>
      %reduce_and3A_526 = arith.constant dense<0x7F800000> : vector<1xf32>
      %reduce_and3A_527 = vector.multi_reduction <minimumf>, %reduce_and3A_525, %reduce_and3A_526 [1] : vector<1x512xf32> to vector<1xf32>
      %reduce_and3A_528 = vector.shape_cast %reduce_and3A_527 : vector<1xf32> to vector<1x1xf32>
      %reduce_and3A_529 = vector.extract %reduce_and3A_528[0, 0] : f32 from vector<1x1xf32>
      %reduce_and3A_530 = arith.constant 0.000000e+00 : f32
      %reduce_and3A_531 = arith.cmpf ogt, %reduce_and3A_529, %reduce_and3A_530 : f32
      %add3A_532 = arith.constant 1 : i32
      %add3A_533 = arith.addi %while3A_470, %add3A_532 : i32
      scf.yield %add3A_533, %reduce_and3A_531, %reduce_max3A_506 : i32, i1, vector<64x512xf32>
    }
    %get3A_44 = arith.constant 0 : index
    %get3A_45 = arith.constant 0 : index
    %get3A_46 = arith.constant 0 : index
    %get3A_47 = vector.load %arg6[%get3A_44, %get3A_45, %get3A_46] : memref<8x64x512xf32, #tpu.memory_space<vmem>>, vector<8x64x512xf32>
    %get3A_48 = arith.constant 0 : index
    %get3A_49 = arith.constant 0 : index
    %get3A_50 = arith.constant 0 : index
    %get3A_51 = vector.load %arg7[%get3A_48, %get3A_49, %get3A_50] : memref<8x64x512xi32, #tpu.memory_space<vmem>>, vector<8x64x512xi32>
    %reduce_max3A_52 = arith.constant dense<0xFF800000> : vector<64x512xf32>
    %reduce_max3A_53 = vector.multi_reduction <maximumf>, %get3A_47, %reduce_max3A_52 [0] : vector<8x64x512xf32> to vector<64x512xf32>
    %reduce_max3A_54 = arith.constant dense<0xFF800000> : vector<512xf32>
    %reduce_max3A_55 = vector.multi_reduction <maximumf>, %reduce_max3A_53, %reduce_max3A_54 [0] : vector<64x512xf32> to vector<512xf32>
    %broadcast_in_dim3A_56 = vector.shape_cast %reduce_max3A_55 : vector<512xf32> to vector<1x1x512xf32>
    %eq3A_57 = vector.broadcast %broadcast_in_dim3A_56 : vector<1x1x512xf32> to vector<8x64x512xf32>
    %eq3A_58 = arith.cmpf oeq, %get3A_47, %eq3A_57 : vector<8x64x512xf32>
    %jit3A_59 = arith.constant 4096 : i32
    %broadcast_in_dim3A_60 = vector.broadcast %jit3A_59 : i32 to vector<8x64x512xi32>
    %select_n3A_61 = arith.select %eq3A_58, %get3A_51, %broadcast_in_dim3A_60 : vector<8x64x512xi1>, vector<8x64x512xi32>
    %reduce_min3A = arith.constant dense<2147483647> : vector<64x512xi32>
    %reduce_min3A_62 = vector.multi_reduction <minsi>, %select_n3A_61, %reduce_min3A [0] : vector<8x64x512xi32> to vector<64x512xi32>
    %reduce_min3A_63 = arith.constant dense<2147483647> : vector<512xi32>
    %reduce_min3A_64 = vector.multi_reduction <minsi>, %reduce_min3A_62, %reduce_min3A_63 [0] : vector<64x512xi32> to vector<512xi32>
    %broadcast_in_dim3A_65 = vector.shape_cast %reduce_min3A_64 : vector<512xi32> to vector<1x512xi32>
    %broadcast_in_dim3A_66 = vector.shape_cast %broadcast_in_dim3A_65 : vector<1x512xi32> to vector<1x1x512xi32>
    %eq3A_67 = vector.broadcast %broadcast_in_dim3A_66 : vector<1x1x512xi32> to vector<8x64x512xi32>
    %eq3A_68 = arith.cmpi eq, %get3A_51, %eq3A_67 : vector<8x64x512xi32>
    %and3A = arith.andi %eq3A_58, %eq3A_68 : vector<8x64x512xi1>
    %jit3A_69 = arith.constant -3.000000e+38 : f32
    %broadcast_in_dim3A_70 = vector.broadcast %jit3A_69 : f32 to vector<8x64x512xf32>
    %select_n3A_71 = arith.select %and3A, %broadcast_in_dim3A_70, %get3A_47 : vector<8x64x512xi1>, vector<8x64x512xf32>
    %reduce_max3A_72 = arith.constant dense<0xFF800000> : vector<64x512xf32>
    %reduce_max3A_73 = vector.multi_reduction <maximumf>, %select_n3A_71, %reduce_max3A_72 [0] : vector<8x64x512xf32> to vector<64x512xf32>
    %reduce_max3A_74 = arith.constant dense<0xFF800000> : vector<512xf32>
    %reduce_max3A_75 = vector.multi_reduction <maximumf>, %reduce_max3A_73, %reduce_max3A_74 [0] : vector<64x512xf32> to vector<512xf32>
    %broadcast_in_dim3A_76 = vector.shape_cast %reduce_max3A_75 : vector<512xf32> to vector<1x1x512xf32>
    %eq3A_77 = vector.broadcast %broadcast_in_dim3A_76 : vector<1x1x512xf32> to vector<8x64x512xf32>
    %eq3A_78 = arith.cmpf oeq, %select_n3A_71, %eq3A_77 : vector<8x64x512xf32>
    %jit3A_79 = arith.constant 4096 : i32
    %broadcast_in_dim3A_80 = vector.broadcast %jit3A_79 : i32 to vector<8x64x512xi32>
    %select_n3A_81 = arith.select %eq3A_78, %get3A_51, %broadcast_in_dim3A_80 : vector<8x64x512xi1>, vector<8x64x512xi32>
    %reduce_min3A_82 = arith.constant dense<2147483647> : vector<64x512xi32>
    %reduce_min3A_83 = vector.multi_reduction <minsi>, %select_n3A_81, %reduce_min3A_82 [0] : vector<8x64x512xi32> to vector<64x512xi32>
    %reduce_min3A_84 = arith.constant dense<2147483647> : vector<512xi32>
    %reduce_min3A_85 = vector.multi_reduction <minsi>, %reduce_min3A_83, %reduce_min3A_84 [0] : vector<64x512xi32> to vector<512xi32>
    %broadcast_in_dim3A_86 = vector.shape_cast %reduce_min3A_85 : vector<512xi32> to vector<1x512xi32>
    %broadcast_in_dim3A_87 = vector.shape_cast %broadcast_in_dim3A_86 : vector<1x512xi32> to vector<1x1x512xi32>
    %eq3A_88 = vector.broadcast %broadcast_in_dim3A_87 : vector<1x1x512xi32> to vector<8x64x512xi32>
    %eq3A_89 = arith.cmpi eq, %get3A_51, %eq3A_88 : vector<8x64x512xi32>
    %and3A_90 = arith.andi %eq3A_78, %eq3A_89 : vector<8x64x512xi1>
    %jit3A_91 = arith.constant -3.000000e+38 : f32
    %broadcast_in_dim3A_92 = vector.broadcast %jit3A_91 : f32 to vector<8x64x512xf32>
    %select_n3A_93 = arith.select %and3A_90, %broadcast_in_dim3A_92, %select_n3A_71 : vector<8x64x512xi1>, vector<8x64x512xf32>
    %reduce_max3A_94 = arith.constant dense<0xFF800000> : vector<64x512xf32>
    %reduce_max3A_95 = vector.multi_reduction <maximumf>, %select_n3A_93, %reduce_max3A_94 [0] : vector<8x64x512xf32> to vector<64x512xf32>
    %reduce_max3A_96 = arith.constant dense<0xFF800000> : vector<512xf32>
    %reduce_max3A_97 = vector.multi_reduction <maximumf>, %reduce_max3A_95, %reduce_max3A_96 [0] : vector<64x512xf32> to vector<512xf32>
    %broadcast_in_dim3A_98 = vector.shape_cast %reduce_max3A_97 : vector<512xf32> to vector<1x1x512xf32>
    %eq3A_99 = vector.broadcast %broadcast_in_dim3A_98 : vector<1x1x512xf32> to vector<8x64x512xf32>
    %eq3A_100 = arith.cmpf oeq, %select_n3A_93, %eq3A_99 : vector<8x64x512xf32>
    %jit3A_101 = arith.constant 4096 : i32
    %broadcast_in_dim3A_102 = vector.broadcast %jit3A_101 : i32 to vector<8x64x512xi32>
    %select_n3A_103 = arith.select %eq3A_100, %get3A_51, %broadcast_in_dim3A_102 : vector<8x64x512xi1>, vector<8x64x512xi32>
    %reduce_min3A_104 = arith.constant dense<2147483647> : vector<64x512xi32>
    %reduce_min3A_105 = vector.multi_reduction <minsi>, %select_n3A_103, %reduce_min3A_104 [0] : vector<8x64x512xi32> to vector<64x512xi32>
    %reduce_min3A_106 = arith.constant dense<2147483647> : vector<512xi32>
    %reduce_min3A_107 = vector.multi_reduction <minsi>, %reduce_min3A_105, %reduce_min3A_106 [0] : vector<64x512xi32> to vector<512xi32>
    %broadcast_in_dim3A_108 = vector.shape_cast %reduce_min3A_107 : vector<512xi32> to vector<1x512xi32>
    %broadcast_in_dim3A_109 = vector.shape_cast %broadcast_in_dim3A_108 : vector<1x512xi32> to vector<1x1x512xi32>
    %eq3A_110 = vector.broadcast %broadcast_in_dim3A_109 : vector<1x1x512xi32> to vector<8x64x512xi32>
    %eq3A_111 = arith.cmpi eq, %get3A_51, %eq3A_110 : vector<8x64x512xi32>
    %and3A_112 = arith.andi %eq3A_100, %eq3A_111 : vector<8x64x512xi1>
    %jit3A_113 = arith.constant -3.000000e+38 : f32
    %broadcast_in_dim3A_114 = vector.broadcast %jit3A_113 : f32 to vector<8x64x512xf32>
    %select_n3A_115 = arith.select %and3A_112, %broadcast_in_dim3A_114, %select_n3A_93 : vector<8x64x512xi1>, vector<8x64x512xf32>
    %reduce_max3A_116 = arith.constant dense<0xFF800000> : vector<64x512xf32>
    %reduce_max3A_117 = vector.multi_reduction <maximumf>, %select_n3A_115, %reduce_max3A_116 [0] : vector<8x64x512xf32> to vector<64x512xf32>
    %reduce_max3A_118 = arith.constant dense<0xFF800000> : vector<512xf32>
    %reduce_max3A_119 = vector.multi_reduction <maximumf>, %reduce_max3A_117, %reduce_max3A_118 [0] : vector<64x512xf32> to vector<512xf32>
    %broadcast_in_dim3A_120 = vector.shape_cast %reduce_max3A_119 : vector<512xf32> to vector<1x1x512xf32>
    %eq3A_121 = vector.broadcast %broadcast_in_dim3A_120 : vector<1x1x512xf32> to vector<8x64x512xf32>
    %eq3A_122 = arith.cmpf oeq, %select_n3A_115, %eq3A_121 : vector<8x64x512xf32>
    %jit3A_123 = arith.constant 4096 : i32
    %broadcast_in_dim3A_124 = vector.broadcast %jit3A_123 : i32 to vector<8x64x512xi32>
    %select_n3A_125 = arith.select %eq3A_122, %get3A_51, %broadcast_in_dim3A_124 : vector<8x64x512xi1>, vector<8x64x512xi32>
    %reduce_min3A_126 = arith.constant dense<2147483647> : vector<64x512xi32>
    %reduce_min3A_127 = vector.multi_reduction <minsi>, %select_n3A_125, %reduce_min3A_126 [0] : vector<8x64x512xi32> to vector<64x512xi32>
    %reduce_min3A_128 = arith.constant dense<2147483647> : vector<512xi32>
    %reduce_min3A_129 = vector.multi_reduction <minsi>, %reduce_min3A_127, %reduce_min3A_128 [0] : vector<64x512xi32> to vector<512xi32>
    %broadcast_in_dim3A_130 = vector.shape_cast %reduce_min3A_129 : vector<512xi32> to vector<1x512xi32>
    %broadcast_in_dim3A_131 = vector.shape_cast %broadcast_in_dim3A_130 : vector<1x512xi32> to vector<1x1x512xi32>
    %eq3A_132 = vector.broadcast %broadcast_in_dim3A_131 : vector<1x1x512xi32> to vector<8x64x512xi32>
    %eq3A_133 = arith.cmpi eq, %get3A_51, %eq3A_132 : vector<8x64x512xi32>
    %and3A_134 = arith.andi %eq3A_122, %eq3A_133 : vector<8x64x512xi1>
    %jit3A_135 = arith.constant -3.000000e+38 : f32
    %broadcast_in_dim3A_136 = vector.broadcast %jit3A_135 : f32 to vector<8x64x512xf32>
    %select_n3A_137 = arith.select %and3A_134, %broadcast_in_dim3A_136, %select_n3A_115 : vector<8x64x512xi1>, vector<8x64x512xf32>
    %reduce_max3A_138 = arith.constant dense<0xFF800000> : vector<64x512xf32>
    %reduce_max3A_139 = vector.multi_reduction <maximumf>, %select_n3A_137, %reduce_max3A_138 [0] : vector<8x64x512xf32> to vector<64x512xf32>
    %reduce_max3A_140 = arith.constant dense<0xFF800000> : vector<512xf32>
    %reduce_max3A_141 = vector.multi_reduction <maximumf>, %reduce_max3A_139, %reduce_max3A_140 [0] : vector<64x512xf32> to vector<512xf32>
    %broadcast_in_dim3A_142 = vector.shape_cast %reduce_max3A_141 : vector<512xf32> to vector<1x1x512xf32>
    %eq3A_143 = vector.broadcast %broadcast_in_dim3A_142 : vector<1x1x512xf32> to vector<8x64x512xf32>
    %eq3A_144 = arith.cmpf oeq, %select_n3A_137, %eq3A_143 : vector<8x64x512xf32>
    %jit3A_145 = arith.constant 4096 : i32
    %broadcast_in_dim3A_146 = vector.broadcast %jit3A_145 : i32 to vector<8x64x512xi32>
    %select_n3A_147 = arith.select %eq3A_144, %get3A_51, %broadcast_in_dim3A_146 : vector<8x64x512xi1>, vector<8x64x512xi32>
    %reduce_min3A_148 = arith.constant dense<2147483647> : vector<64x512xi32>
    %reduce_min3A_149 = vector.multi_reduction <minsi>, %select_n3A_147, %reduce_min3A_148 [0] : vector<8x64x512xi32> to vector<64x512xi32>
    %reduce_min3A_150 = arith.constant dense<2147483647> : vector<512xi32>
    %reduce_min3A_151 = vector.multi_reduction <minsi>, %reduce_min3A_149, %reduce_min3A_150 [0] : vector<64x512xi32> to vector<512xi32>
    %broadcast_in_dim3A_152 = vector.shape_cast %reduce_min3A_151 : vector<512xi32> to vector<1x512xi32>
    %broadcast_in_dim3A_153 = vector.shape_cast %broadcast_in_dim3A_152 : vector<1x512xi32> to vector<1x1x512xi32>
    %eq3A_154 = vector.broadcast %broadcast_in_dim3A_153 : vector<1x1x512xi32> to vector<8x64x512xi32>
    %eq3A_155 = arith.cmpi eq, %get3A_51, %eq3A_154 : vector<8x64x512xi32>
    %and3A_156 = arith.andi %eq3A_144, %eq3A_155 : vector<8x64x512xi1>
    %jit3A_157 = arith.constant -3.000000e+38 : f32
    %broadcast_in_dim3A_158 = vector.broadcast %jit3A_157 : f32 to vector<8x64x512xf32>
    %select_n3A_159 = arith.select %and3A_156, %broadcast_in_dim3A_158, %select_n3A_137 : vector<8x64x512xi1>, vector<8x64x512xf32>
    %reduce_max3A_160 = arith.constant dense<0xFF800000> : vector<64x512xf32>
    %reduce_max3A_161 = vector.multi_reduction <maximumf>, %select_n3A_159, %reduce_max3A_160 [0] : vector<8x64x512xf32> to vector<64x512xf32>
    %reduce_max3A_162 = arith.constant dense<0xFF800000> : vector<512xf32>
    %reduce_max3A_163 = vector.multi_reduction <maximumf>, %reduce_max3A_161, %reduce_max3A_162 [0] : vector<64x512xf32> to vector<512xf32>
    %broadcast_in_dim3A_164 = vector.shape_cast %reduce_max3A_163 : vector<512xf32> to vector<1x1x512xf32>
    %eq3A_165 = vector.broadcast %broadcast_in_dim3A_164 : vector<1x1x512xf32> to vector<8x64x512xf32>
    %eq3A_166 = arith.cmpf oeq, %select_n3A_159, %eq3A_165 : vector<8x64x512xf32>
    %jit3A_167 = arith.constant 4096 : i32
    %broadcast_in_dim3A_168 = vector.broadcast %jit3A_167 : i32 to vector<8x64x512xi32>
    %select_n3A_169 = arith.select %eq3A_166, %get3A_51, %broadcast_in_dim3A_168 : vector<8x64x512xi1>, vector<8x64x512xi32>
    %reduce_min3A_170 = arith.constant dense<2147483647> : vector<64x512xi32>
    %reduce_min3A_171 = vector.multi_reduction <minsi>, %select_n3A_169, %reduce_min3A_170 [0] : vector<8x64x512xi32> to vector<64x512xi32>
    %reduce_min3A_172 = arith.constant dense<2147483647> : vector<512xi32>
    %reduce_min3A_173 = vector.multi_reduction <minsi>, %reduce_min3A_171, %reduce_min3A_172 [0] : vector<64x512xi32> to vector<512xi32>
    %broadcast_in_dim3A_174 = vector.shape_cast %reduce_min3A_173 : vector<512xi32> to vector<1x512xi32>
    %broadcast_in_dim3A_175 = vector.shape_cast %broadcast_in_dim3A_174 : vector<1x512xi32> to vector<1x1x512xi32>
    %eq3A_176 = vector.broadcast %broadcast_in_dim3A_175 : vector<1x1x512xi32> to vector<8x64x512xi32>
    %eq3A_177 = arith.cmpi eq, %get3A_51, %eq3A_176 : vector<8x64x512xi32>
    %and3A_178 = arith.andi %eq3A_166, %eq3A_177 : vector<8x64x512xi1>
    %jit3A_179 = arith.constant -3.000000e+38 : f32
    %broadcast_in_dim3A_180 = vector.broadcast %jit3A_179 : f32 to vector<8x64x512xf32>
    %select_n3A_181 = arith.select %and3A_178, %broadcast_in_dim3A_180, %select_n3A_159 : vector<8x64x512xi1>, vector<8x64x512xf32>
    %reduce_max3A_182 = arith.constant dense<0xFF800000> : vector<64x512xf32>
    %reduce_max3A_183 = vector.multi_reduction <maximumf>, %select_n3A_181, %reduce_max3A_182 [0] : vector<8x64x512xf32> to vector<64x512xf32>
    %reduce_max3A_184 = arith.constant dense<0xFF800000> : vector<512xf32>
    %reduce_max3A_185 = vector.multi_reduction <maximumf>, %reduce_max3A_183, %reduce_max3A_184 [0] : vector<64x512xf32> to vector<512xf32>
    %broadcast_in_dim3A_186 = vector.shape_cast %reduce_max3A_185 : vector<512xf32> to vector<1x1x512xf32>
    %eq3A_187 = vector.broadcast %broadcast_in_dim3A_186 : vector<1x1x512xf32> to vector<8x64x512xf32>
    %eq3A_188 = arith.cmpf oeq, %select_n3A_181, %eq3A_187 : vector<8x64x512xf32>
    %jit3A_189 = arith.constant 4096 : i32
    %broadcast_in_dim3A_190 = vector.broadcast %jit3A_189 : i32 to vector<8x64x512xi32>
    %select_n3A_191 = arith.select %eq3A_188, %get3A_51, %broadcast_in_dim3A_190 : vector<8x64x512xi1>, vector<8x64x512xi32>
    %reduce_min3A_192 = arith.constant dense<2147483647> : vector<64x512xi32>
    %reduce_min3A_193 = vector.multi_reduction <minsi>, %select_n3A_191, %reduce_min3A_192 [0] : vector<8x64x512xi32> to vector<64x512xi32>
    %reduce_min3A_194 = arith.constant dense<2147483647> : vector<512xi32>
    %reduce_min3A_195 = vector.multi_reduction <minsi>, %reduce_min3A_193, %reduce_min3A_194 [0] : vector<64x512xi32> to vector<512xi32>
    %broadcast_in_dim3A_196 = vector.shape_cast %reduce_min3A_195 : vector<512xi32> to vector<1x512xi32>
    %broadcast_in_dim3A_197 = vector.shape_cast %broadcast_in_dim3A_196 : vector<1x512xi32> to vector<1x1x512xi32>
    %eq3A_198 = vector.broadcast %broadcast_in_dim3A_197 : vector<1x1x512xi32> to vector<8x64x512xi32>
    %eq3A_199 = arith.cmpi eq, %get3A_51, %eq3A_198 : vector<8x64x512xi32>
    %and3A_200 = arith.andi %eq3A_188, %eq3A_199 : vector<8x64x512xi1>
    %jit3A_201 = arith.constant -3.000000e+38 : f32
    %broadcast_in_dim3A_202 = vector.broadcast %jit3A_201 : f32 to vector<8x64x512xf32>
    %select_n3A_203 = arith.select %and3A_200, %broadcast_in_dim3A_202, %select_n3A_181 : vector<8x64x512xi1>, vector<8x64x512xf32>
    %reduce_max3A_204 = arith.constant dense<0xFF800000> : vector<64x512xf32>
    %reduce_max3A_205 = vector.multi_reduction <maximumf>, %select_n3A_203, %reduce_max3A_204 [0] : vector<8x64x512xf32> to vector<64x512xf32>
    %reduce_max3A_206 = arith.constant dense<0xFF800000> : vector<512xf32>
    %reduce_max3A_207 = vector.multi_reduction <maximumf>, %reduce_max3A_205, %reduce_max3A_206 [0] : vector<64x512xf32> to vector<512xf32>
    %broadcast_in_dim3A_208 = vector.shape_cast %reduce_max3A_207 : vector<512xf32> to vector<1x1x512xf32>
    %eq3A_209 = vector.broadcast %broadcast_in_dim3A_208 : vector<1x1x512xf32> to vector<8x64x512xf32>
    %eq3A_210 = arith.cmpf oeq, %select_n3A_203, %eq3A_209 : vector<8x64x512xf32>
    %jit3A_211 = arith.constant 4096 : i32
    %broadcast_in_dim3A_212 = vector.broadcast %jit3A_211 : i32 to vector<8x64x512xi32>
    %select_n3A_213 = arith.select %eq3A_210, %get3A_51, %broadcast_in_dim3A_212 : vector<8x64x512xi1>, vector<8x64x512xi32>
    %reduce_min3A_214 = arith.constant dense<2147483647> : vector<64x512xi32>
    %reduce_min3A_215 = vector.multi_reduction <minsi>, %select_n3A_213, %reduce_min3A_214 [0] : vector<8x64x512xi32> to vector<64x512xi32>
    %reduce_min3A_216 = arith.constant dense<2147483647> : vector<512xi32>
    %reduce_min3A_217 = vector.multi_reduction <minsi>, %reduce_min3A_215, %reduce_min3A_216 [0] : vector<64x512xi32> to vector<512xi32>
    %broadcast_in_dim3A_218 = vector.shape_cast %reduce_min3A_217 : vector<512xi32> to vector<1x512xi32>
    %broadcast_in_dim3A_219 = vector.shape_cast %broadcast_in_dim3A_218 : vector<1x512xi32> to vector<1x1x512xi32>
    %eq3A_220 = vector.broadcast %broadcast_in_dim3A_219 : vector<1x1x512xi32> to vector<8x64x512xi32>
    %eq3A_221 = arith.cmpi eq, %get3A_51, %eq3A_220 : vector<8x64x512xi32>
    %and3A_222 = arith.andi %eq3A_210, %eq3A_221 : vector<8x64x512xi1>
    %jit3A_223 = arith.constant -3.000000e+38 : f32
    %broadcast_in_dim3A_224 = vector.broadcast %jit3A_223 : f32 to vector<8x64x512xf32>
    %select_n3A_225 = arith.select %and3A_222, %broadcast_in_dim3A_224, %select_n3A_203 : vector<8x64x512xi1>, vector<8x64x512xf32>
    %reduce_max3A_226 = arith.constant dense<0xFF800000> : vector<64x512xf32>
    %reduce_max3A_227 = vector.multi_reduction <maximumf>, %select_n3A_225, %reduce_max3A_226 [0] : vector<8x64x512xf32> to vector<64x512xf32>
    %reduce_max3A_228 = arith.constant dense<0xFF800000> : vector<512xf32>
    %reduce_max3A_229 = vector.multi_reduction <maximumf>, %reduce_max3A_227, %reduce_max3A_228 [0] : vector<64x512xf32> to vector<512xf32>
    %broadcast_in_dim3A_230 = vector.shape_cast %reduce_max3A_229 : vector<512xf32> to vector<1x1x512xf32>
    %eq3A_231 = vector.broadcast %broadcast_in_dim3A_230 : vector<1x1x512xf32> to vector<8x64x512xf32>
    %eq3A_232 = arith.cmpf oeq, %select_n3A_225, %eq3A_231 : vector<8x64x512xf32>
    %jit3A_233 = arith.constant 4096 : i32
    %broadcast_in_dim3A_234 = vector.broadcast %jit3A_233 : i32 to vector<8x64x512xi32>
    %select_n3A_235 = arith.select %eq3A_232, %get3A_51, %broadcast_in_dim3A_234 : vector<8x64x512xi1>, vector<8x64x512xi32>
    %reduce_min3A_236 = arith.constant dense<2147483647> : vector<64x512xi32>
    %reduce_min3A_237 = vector.multi_reduction <minsi>, %select_n3A_235, %reduce_min3A_236 [0] : vector<8x64x512xi32> to vector<64x512xi32>
    %reduce_min3A_238 = arith.constant dense<2147483647> : vector<512xi32>
    %reduce_min3A_239 = vector.multi_reduction <minsi>, %reduce_min3A_237, %reduce_min3A_238 [0] : vector<64x512xi32> to vector<512xi32>
    %broadcast_in_dim3A_240 = vector.shape_cast %reduce_min3A_239 : vector<512xi32> to vector<1x512xi32>
    %broadcast_in_dim3A_241 = vector.shape_cast %broadcast_in_dim3A_240 : vector<1x512xi32> to vector<1x1x512xi32>
    %eq3A_242 = vector.broadcast %broadcast_in_dim3A_241 : vector<1x1x512xi32> to vector<8x64x512xi32>
    %eq3A_243 = arith.cmpi eq, %get3A_51, %eq3A_242 : vector<8x64x512xi32>
    %and3A_244 = arith.andi %eq3A_232, %eq3A_243 : vector<8x64x512xi1>
    %jit3A_245 = arith.constant -3.000000e+38 : f32
    %broadcast_in_dim3A_246 = vector.broadcast %jit3A_245 : f32 to vector<8x64x512xf32>
    %select_n3A_247 = arith.select %and3A_244, %broadcast_in_dim3A_246, %select_n3A_225 : vector<8x64x512xi1>, vector<8x64x512xf32>
    %reduce_max3A_248 = arith.constant dense<0xFF800000> : vector<64x512xf32>
    %reduce_max3A_249 = vector.multi_reduction <maximumf>, %select_n3A_247, %reduce_max3A_248 [0] : vector<8x64x512xf32> to vector<64x512xf32>
    %reduce_max3A_250 = arith.constant dense<0xFF800000> : vector<512xf32>
    %reduce_max3A_251 = vector.multi_reduction <maximumf>, %reduce_max3A_249, %reduce_max3A_250 [0] : vector<64x512xf32> to vector<512xf32>
    %broadcast_in_dim3A_252 = vector.shape_cast %reduce_max3A_251 : vector<512xf32> to vector<1x1x512xf32>
    %eq3A_253 = vector.broadcast %broadcast_in_dim3A_252 : vector<1x1x512xf32> to vector<8x64x512xf32>
    %eq3A_254 = arith.cmpf oeq, %select_n3A_247, %eq3A_253 : vector<8x64x512xf32>
    %jit3A_255 = arith.constant 4096 : i32
    %broadcast_in_dim3A_256 = vector.broadcast %jit3A_255 : i32 to vector<8x64x512xi32>
    %select_n3A_257 = arith.select %eq3A_254, %get3A_51, %broadcast_in_dim3A_256 : vector<8x64x512xi1>, vector<8x64x512xi32>
    %reduce_min3A_258 = arith.constant dense<2147483647> : vector<64x512xi32>
    %reduce_min3A_259 = vector.multi_reduction <minsi>, %select_n3A_257, %reduce_min3A_258 [0] : vector<8x64x512xi32> to vector<64x512xi32>
    %reduce_min3A_260 = arith.constant dense<2147483647> : vector<512xi32>
    %reduce_min3A_261 = vector.multi_reduction <minsi>, %reduce_min3A_259, %reduce_min3A_260 [0] : vector<64x512xi32> to vector<512xi32>
    %broadcast_in_dim3A_262 = vector.shape_cast %reduce_min3A_261 : vector<512xi32> to vector<1x512xi32>
    %broadcast_in_dim3A_263 = vector.shape_cast %broadcast_in_dim3A_262 : vector<1x512xi32> to vector<1x1x512xi32>
    %eq3A_264 = vector.broadcast %broadcast_in_dim3A_263 : vector<1x1x512xi32> to vector<8x64x512xi32>
    %eq3A_265 = arith.cmpi eq, %get3A_51, %eq3A_264 : vector<8x64x512xi32>
    %and3A_266 = arith.andi %eq3A_254, %eq3A_265 : vector<8x64x512xi1>
    %jit3A_267 = arith.constant -3.000000e+38 : f32
    %broadcast_in_dim3A_268 = vector.broadcast %jit3A_267 : f32 to vector<8x64x512xf32>
    %select_n3A_269 = arith.select %and3A_266, %broadcast_in_dim3A_268, %select_n3A_247 : vector<8x64x512xi1>, vector<8x64x512xf32>
    %reduce_max3A_270 = arith.constant dense<0xFF800000> : vector<64x512xf32>
    %reduce_max3A_271 = vector.multi_reduction <maximumf>, %select_n3A_269, %reduce_max3A_270 [0] : vector<8x64x512xf32> to vector<64x512xf32>
    %reduce_max3A_272 = arith.constant dense<0xFF800000> : vector<512xf32>
    %reduce_max3A_273 = vector.multi_reduction <maximumf>, %reduce_max3A_271, %reduce_max3A_272 [0] : vector<64x512xf32> to vector<512xf32>
    %broadcast_in_dim3A_274 = vector.shape_cast %reduce_max3A_273 : vector<512xf32> to vector<1x1x512xf32>
    %eq3A_275 = vector.broadcast %broadcast_in_dim3A_274 : vector<1x1x512xf32> to vector<8x64x512xf32>
    %eq3A_276 = arith.cmpf oeq, %select_n3A_269, %eq3A_275 : vector<8x64x512xf32>
    %jit3A_277 = arith.constant 4096 : i32
    %broadcast_in_dim3A_278 = vector.broadcast %jit3A_277 : i32 to vector<8x64x512xi32>
    %select_n3A_279 = arith.select %eq3A_276, %get3A_51, %broadcast_in_dim3A_278 : vector<8x64x512xi1>, vector<8x64x512xi32>
    %reduce_min3A_280 = arith.constant dense<2147483647> : vector<64x512xi32>
    %reduce_min3A_281 = vector.multi_reduction <minsi>, %select_n3A_279, %reduce_min3A_280 [0] : vector<8x64x512xi32> to vector<64x512xi32>
    %reduce_min3A_282 = arith.constant dense<2147483647> : vector<512xi32>
    %reduce_min3A_283 = vector.multi_reduction <minsi>, %reduce_min3A_281, %reduce_min3A_282 [0] : vector<64x512xi32> to vector<512xi32>
    %broadcast_in_dim3A_284 = vector.shape_cast %reduce_min3A_283 : vector<512xi32> to vector<1x512xi32>
    %broadcast_in_dim3A_285 = vector.shape_cast %broadcast_in_dim3A_284 : vector<1x512xi32> to vector<1x1x512xi32>
    %eq3A_286 = vector.broadcast %broadcast_in_dim3A_285 : vector<1x1x512xi32> to vector<8x64x512xi32>
    %eq3A_287 = arith.cmpi eq, %get3A_51, %eq3A_286 : vector<8x64x512xi32>
    %and3A_288 = arith.andi %eq3A_276, %eq3A_287 : vector<8x64x512xi1>
    %jit3A_289 = arith.constant -3.000000e+38 : f32
    %broadcast_in_dim3A_290 = vector.broadcast %jit3A_289 : f32 to vector<8x64x512xf32>
    %select_n3A_291 = arith.select %and3A_288, %broadcast_in_dim3A_290, %select_n3A_269 : vector<8x64x512xi1>, vector<8x64x512xf32>
    %reduce_max3A_292 = arith.constant dense<0xFF800000> : vector<64x512xf32>
    %reduce_max3A_293 = vector.multi_reduction <maximumf>, %select_n3A_291, %reduce_max3A_292 [0] : vector<8x64x512xf32> to vector<64x512xf32>
    %reduce_max3A_294 = arith.constant dense<0xFF800000> : vector<512xf32>
    %reduce_max3A_295 = vector.multi_reduction <maximumf>, %reduce_max3A_293, %reduce_max3A_294 [0] : vector<64x512xf32> to vector<512xf32>
    %broadcast_in_dim3A_296 = vector.shape_cast %reduce_max3A_295 : vector<512xf32> to vector<1x1x512xf32>
    %eq3A_297 = vector.broadcast %broadcast_in_dim3A_296 : vector<1x1x512xf32> to vector<8x64x512xf32>
    %eq3A_298 = arith.cmpf oeq, %select_n3A_291, %eq3A_297 : vector<8x64x512xf32>
    %jit3A_299 = arith.constant 4096 : i32
    %broadcast_in_dim3A_300 = vector.broadcast %jit3A_299 : i32 to vector<8x64x512xi32>
    %select_n3A_301 = arith.select %eq3A_298, %get3A_51, %broadcast_in_dim3A_300 : vector<8x64x512xi1>, vector<8x64x512xi32>
    %reduce_min3A_302 = arith.constant dense<2147483647> : vector<64x512xi32>
    %reduce_min3A_303 = vector.multi_reduction <minsi>, %select_n3A_301, %reduce_min3A_302 [0] : vector<8x64x512xi32> to vector<64x512xi32>
    %reduce_min3A_304 = arith.constant dense<2147483647> : vector<512xi32>
    %reduce_min3A_305 = vector.multi_reduction <minsi>, %reduce_min3A_303, %reduce_min3A_304 [0] : vector<64x512xi32> to vector<512xi32>
    %broadcast_in_dim3A_306 = vector.shape_cast %reduce_min3A_305 : vector<512xi32> to vector<1x512xi32>
    %broadcast_in_dim3A_307 = vector.shape_cast %broadcast_in_dim3A_306 : vector<1x512xi32> to vector<1x1x512xi32>
    %eq3A_308 = vector.broadcast %broadcast_in_dim3A_307 : vector<1x1x512xi32> to vector<8x64x512xi32>
    %eq3A_309 = arith.cmpi eq, %get3A_51, %eq3A_308 : vector<8x64x512xi32>
    %and3A_310 = arith.andi %eq3A_298, %eq3A_309 : vector<8x64x512xi1>
    %jit3A_311 = arith.constant -3.000000e+38 : f32
    %broadcast_in_dim3A_312 = vector.broadcast %jit3A_311 : f32 to vector<8x64x512xf32>
    %select_n3A_313 = arith.select %and3A_310, %broadcast_in_dim3A_312, %select_n3A_291 : vector<8x64x512xi1>, vector<8x64x512xf32>
    %reduce_max3A_314 = arith.constant dense<0xFF800000> : vector<64x512xf32>
    %reduce_max3A_315 = vector.multi_reduction <maximumf>, %select_n3A_313, %reduce_max3A_314 [0] : vector<8x64x512xf32> to vector<64x512xf32>
    %reduce_max3A_316 = arith.constant dense<0xFF800000> : vector<512xf32>
    %reduce_max3A_317 = vector.multi_reduction <maximumf>, %reduce_max3A_315, %reduce_max3A_316 [0] : vector<64x512xf32> to vector<512xf32>
    %broadcast_in_dim3A_318 = vector.shape_cast %reduce_max3A_317 : vector<512xf32> to vector<1x1x512xf32>
    %eq3A_319 = vector.broadcast %broadcast_in_dim3A_318 : vector<1x1x512xf32> to vector<8x64x512xf32>
    %eq3A_320 = arith.cmpf oeq, %select_n3A_313, %eq3A_319 : vector<8x64x512xf32>
    %jit3A_321 = arith.constant 4096 : i32
    %broadcast_in_dim3A_322 = vector.broadcast %jit3A_321 : i32 to vector<8x64x512xi32>
    %select_n3A_323 = arith.select %eq3A_320, %get3A_51, %broadcast_in_dim3A_322 : vector<8x64x512xi1>, vector<8x64x512xi32>
    %reduce_min3A_324 = arith.constant dense<2147483647> : vector<64x512xi32>
    %reduce_min3A_325 = vector.multi_reduction <minsi>, %select_n3A_323, %reduce_min3A_324 [0] : vector<8x64x512xi32> to vector<64x512xi32>
    %reduce_min3A_326 = arith.constant dense<2147483647> : vector<512xi32>
    %reduce_min3A_327 = vector.multi_reduction <minsi>, %reduce_min3A_325, %reduce_min3A_326 [0] : vector<64x512xi32> to vector<512xi32>
    %broadcast_in_dim3A_328 = vector.shape_cast %reduce_min3A_327 : vector<512xi32> to vector<1x512xi32>
    %broadcast_in_dim3A_329 = vector.shape_cast %broadcast_in_dim3A_328 : vector<1x512xi32> to vector<1x1x512xi32>
    %eq3A_330 = vector.broadcast %broadcast_in_dim3A_329 : vector<1x1x512xi32> to vector<8x64x512xi32>
    %eq3A_331 = arith.cmpi eq, %get3A_51, %eq3A_330 : vector<8x64x512xi32>
    %and3A_332 = arith.andi %eq3A_320, %eq3A_331 : vector<8x64x512xi1>
    %jit3A_333 = arith.constant -3.000000e+38 : f32
    %broadcast_in_dim3A_334 = vector.broadcast %jit3A_333 : f32 to vector<8x64x512xf32>
    %select_n3A_335 = arith.select %and3A_332, %broadcast_in_dim3A_334, %select_n3A_313 : vector<8x64x512xi1>, vector<8x64x512xf32>
    %reduce_max3A_336 = arith.constant dense<0xFF800000> : vector<64x512xf32>
    %reduce_max3A_337 = vector.multi_reduction <maximumf>, %select_n3A_335, %reduce_max3A_336 [0] : vector<8x64x512xf32> to vector<64x512xf32>
    %reduce_max3A_338 = arith.constant dense<0xFF800000> : vector<512xf32>
    %reduce_max3A_339 = vector.multi_reduction <maximumf>, %reduce_max3A_337, %reduce_max3A_338 [0] : vector<64x512xf32> to vector<512xf32>
    %broadcast_in_dim3A_340 = vector.shape_cast %reduce_max3A_339 : vector<512xf32> to vector<1x1x512xf32>
    %eq3A_341 = vector.broadcast %broadcast_in_dim3A_340 : vector<1x1x512xf32> to vector<8x64x512xf32>
    %eq3A_342 = arith.cmpf oeq, %select_n3A_335, %eq3A_341 : vector<8x64x512xf32>
    %jit3A_343 = arith.constant 4096 : i32
    %broadcast_in_dim3A_344 = vector.broadcast %jit3A_343 : i32 to vector<8x64x512xi32>
    %select_n3A_345 = arith.select %eq3A_342, %get3A_51, %broadcast_in_dim3A_344 : vector<8x64x512xi1>, vector<8x64x512xi32>
    %reduce_min3A_346 = arith.constant dense<2147483647> : vector<64x512xi32>
    %reduce_min3A_347 = vector.multi_reduction <minsi>, %select_n3A_345, %reduce_min3A_346 [0] : vector<8x64x512xi32> to vector<64x512xi32>
    %reduce_min3A_348 = arith.constant dense<2147483647> : vector<512xi32>
    %reduce_min3A_349 = vector.multi_reduction <minsi>, %reduce_min3A_347, %reduce_min3A_348 [0] : vector<64x512xi32> to vector<512xi32>
    %broadcast_in_dim3A_350 = vector.shape_cast %reduce_min3A_349 : vector<512xi32> to vector<1x512xi32>
    %broadcast_in_dim3A_351 = vector.shape_cast %broadcast_in_dim3A_350 : vector<1x512xi32> to vector<1x1x512xi32>
    %eq3A_352 = vector.broadcast %broadcast_in_dim3A_351 : vector<1x1x512xi32> to vector<8x64x512xi32>
    %eq3A_353 = arith.cmpi eq, %get3A_51, %eq3A_352 : vector<8x64x512xi32>
    %and3A_354 = arith.andi %eq3A_342, %eq3A_353 : vector<8x64x512xi1>
    %jit3A_355 = arith.constant -3.000000e+38 : f32
    %broadcast_in_dim3A_356 = vector.broadcast %jit3A_355 : f32 to vector<8x64x512xf32>
    %select_n3A_357 = arith.select %and3A_354, %broadcast_in_dim3A_356, %select_n3A_335 : vector<8x64x512xi1>, vector<8x64x512xf32>
    %reduce_max3A_358 = arith.constant dense<0xFF800000> : vector<64x512xf32>
    %reduce_max3A_359 = vector.multi_reduction <maximumf>, %select_n3A_357, %reduce_max3A_358 [0] : vector<8x64x512xf32> to vector<64x512xf32>
    %reduce_max3A_360 = arith.constant dense<0xFF800000> : vector<512xf32>
    %reduce_max3A_361 = vector.multi_reduction <maximumf>, %reduce_max3A_359, %reduce_max3A_360 [0] : vector<64x512xf32> to vector<512xf32>
    %broadcast_in_dim3A_362 = vector.shape_cast %reduce_max3A_361 : vector<512xf32> to vector<1x1x512xf32>
    %eq3A_363 = vector.broadcast %broadcast_in_dim3A_362 : vector<1x1x512xf32> to vector<8x64x512xf32>
    %eq3A_364 = arith.cmpf oeq, %select_n3A_357, %eq3A_363 : vector<8x64x512xf32>
    %jit3A_365 = arith.constant 4096 : i32
    %broadcast_in_dim3A_366 = vector.broadcast %jit3A_365 : i32 to vector<8x64x512xi32>
    %select_n3A_367 = arith.select %eq3A_364, %get3A_51, %broadcast_in_dim3A_366 : vector<8x64x512xi1>, vector<8x64x512xi32>
    %reduce_min3A_368 = arith.constant dense<2147483647> : vector<64x512xi32>
    %reduce_min3A_369 = vector.multi_reduction <minsi>, %select_n3A_367, %reduce_min3A_368 [0] : vector<8x64x512xi32> to vector<64x512xi32>
    %reduce_min3A_370 = arith.constant dense<2147483647> : vector<512xi32>
    %reduce_min3A_371 = vector.multi_reduction <minsi>, %reduce_min3A_369, %reduce_min3A_370 [0] : vector<64x512xi32> to vector<512xi32>
    %broadcast_in_dim3A_372 = vector.shape_cast %reduce_min3A_371 : vector<512xi32> to vector<1x512xi32>
    %broadcast_in_dim3A_373 = vector.shape_cast %broadcast_in_dim3A_372 : vector<1x512xi32> to vector<1x1x512xi32>
    %eq3A_374 = vector.broadcast %broadcast_in_dim3A_373 : vector<1x1x512xi32> to vector<8x64x512xi32>
    %eq3A_375 = arith.cmpi eq, %get3A_51, %eq3A_374 : vector<8x64x512xi32>
    %and3A_376 = arith.andi %eq3A_364, %eq3A_375 : vector<8x64x512xi1>
    %jit3A_377 = arith.constant -3.000000e+38 : f32
    %broadcast_in_dim3A_378 = vector.broadcast %jit3A_377 : f32 to vector<8x64x512xf32>
    %select_n3A_379 = arith.select %and3A_376, %broadcast_in_dim3A_378, %select_n3A_357 : vector<8x64x512xi1>, vector<8x64x512xf32>
    %reduce_max3A_380 = arith.constant dense<0xFF800000> : vector<64x512xf32>
    %reduce_max3A_381 = vector.multi_reduction <maximumf>, %select_n3A_379, %reduce_max3A_380 [0] : vector<8x64x512xf32> to vector<64x512xf32>
    %reduce_max3A_382 = arith.constant dense<0xFF800000> : vector<512xf32>
    %reduce_max3A_383 = vector.multi_reduction <maximumf>, %reduce_max3A_381, %reduce_max3A_382 [0] : vector<64x512xf32> to vector<512xf32>
    %broadcast_in_dim3A_384 = vector.shape_cast %reduce_max3A_383 : vector<512xf32> to vector<1x1x512xf32>
    %eq3A_385 = vector.broadcast %broadcast_in_dim3A_384 : vector<1x1x512xf32> to vector<8x64x512xf32>
    %eq3A_386 = arith.cmpf oeq, %select_n3A_379, %eq3A_385 : vector<8x64x512xf32>
    %jit3A_387 = arith.constant 4096 : i32
    %broadcast_in_dim3A_388 = vector.broadcast %jit3A_387 : i32 to vector<8x64x512xi32>
    %select_n3A_389 = arith.select %eq3A_386, %get3A_51, %broadcast_in_dim3A_388 : vector<8x64x512xi1>, vector<8x64x512xi32>
    %reduce_min3A_390 = arith.constant dense<2147483647> : vector<64x512xi32>
    %reduce_min3A_391 = vector.multi_reduction <minsi>, %select_n3A_389, %reduce_min3A_390 [0] : vector<8x64x512xi32> to vector<64x512xi32>
    %reduce_min3A_392 = arith.constant dense<2147483647> : vector<512xi32>
    %reduce_min3A_393 = vector.multi_reduction <minsi>, %reduce_min3A_391, %reduce_min3A_392 [0] : vector<64x512xi32> to vector<512xi32>
    %broadcast_in_dim3A_394 = vector.shape_cast %reduce_min3A_393 : vector<512xi32> to vector<1x512xi32>
    %broadcast_in_dim3A_395 = vector.shape_cast %broadcast_in_dim3A_394 : vector<1x512xi32> to vector<1x1x512xi32>
    %eq3A_396 = vector.broadcast %broadcast_in_dim3A_395 : vector<1x1x512xi32> to vector<8x64x512xi32>
    %eq3A_397 = arith.cmpi eq, %get3A_51, %eq3A_396 : vector<8x64x512xi32>
    %and3A_398 = arith.andi %eq3A_386, %eq3A_397 : vector<8x64x512xi1>
    %jit3A_399 = arith.constant -3.000000e+38 : f32
    %broadcast_in_dim3A_400 = vector.broadcast %jit3A_399 : f32 to vector<8x64x512xf32>
    %select_n3A_401 = arith.select %and3A_398, %broadcast_in_dim3A_400, %select_n3A_379 : vector<8x64x512xi1>, vector<8x64x512xf32>
    %reduce_max3A_402 = arith.constant dense<0xFF800000> : vector<64x512xf32>
    %reduce_max3A_403 = vector.multi_reduction <maximumf>, %select_n3A_401, %reduce_max3A_402 [0] : vector<8x64x512xf32> to vector<64x512xf32>
    %reduce_max3A_404 = arith.constant dense<0xFF800000> : vector<512xf32>
    %reduce_max3A_405 = vector.multi_reduction <maximumf>, %reduce_max3A_403, %reduce_max3A_404 [0] : vector<64x512xf32> to vector<512xf32>
    %broadcast_in_dim3A_406 = vector.shape_cast %reduce_max3A_405 : vector<512xf32> to vector<1x1x512xf32>
    %eq3A_407 = vector.broadcast %broadcast_in_dim3A_406 : vector<1x1x512xf32> to vector<8x64x512xf32>
    %eq3A_408 = arith.cmpf oeq, %select_n3A_401, %eq3A_407 : vector<8x64x512xf32>
    %jit3A_409 = arith.constant 4096 : i32
    %broadcast_in_dim3A_410 = vector.broadcast %jit3A_409 : i32 to vector<8x64x512xi32>
    %select_n3A_411 = arith.select %eq3A_408, %get3A_51, %broadcast_in_dim3A_410 : vector<8x64x512xi1>, vector<8x64x512xi32>
    %reduce_min3A_412 = arith.constant dense<2147483647> : vector<64x512xi32>
    %reduce_min3A_413 = vector.multi_reduction <minsi>, %select_n3A_411, %reduce_min3A_412 [0] : vector<8x64x512xi32> to vector<64x512xi32>
    %reduce_min3A_414 = arith.constant dense<2147483647> : vector<512xi32>
    %reduce_min3A_415 = vector.multi_reduction <minsi>, %reduce_min3A_413, %reduce_min3A_414 [0] : vector<64x512xi32> to vector<512xi32>
    %broadcast_in_dim3A_416 = vector.shape_cast %reduce_min3A_415 : vector<512xi32> to vector<1x512xi32>
    %broadcast_in_dim3A_417 = vector.shape_cast %broadcast_in_dim3A_416 : vector<1x512xi32> to vector<1x1x512xi32>
    %eq3A_418 = vector.broadcast %broadcast_in_dim3A_417 : vector<1x1x512xi32> to vector<8x64x512xi32>
    %eq3A_419 = arith.cmpi eq, %get3A_51, %eq3A_418 : vector<8x64x512xi32>
    %and3A_420 = arith.andi %eq3A_408, %eq3A_419 : vector<8x64x512xi1>
    %jit3A_421 = arith.constant -3.000000e+38 : f32
    %broadcast_in_dim3A_422 = vector.broadcast %jit3A_421 : f32 to vector<8x64x512xf32>
    %select_n3A_423 = arith.select %and3A_420, %broadcast_in_dim3A_422, %select_n3A_401 : vector<8x64x512xi1>, vector<8x64x512xf32>
    %reduce_max3A_424 = arith.constant dense<0xFF800000> : vector<64x512xf32>
    %reduce_max3A_425 = vector.multi_reduction <maximumf>, %select_n3A_423, %reduce_max3A_424 [0] : vector<8x64x512xf32> to vector<64x512xf32>
    %reduce_max3A_426 = arith.constant dense<0xFF800000> : vector<512xf32>
    %reduce_max3A_427 = vector.multi_reduction <maximumf>, %reduce_max3A_425, %reduce_max3A_426 [0] : vector<64x512xf32> to vector<512xf32>
    %broadcast_in_dim3A_428 = vector.shape_cast %reduce_max3A_427 : vector<512xf32> to vector<1x1x512xf32>
    %eq3A_429 = vector.broadcast %broadcast_in_dim3A_428 : vector<1x1x512xf32> to vector<8x64x512xf32>
    %eq3A_430 = arith.cmpf oeq, %select_n3A_423, %eq3A_429 : vector<8x64x512xf32>
    %jit3A_431 = arith.constant 4096 : i32
    %broadcast_in_dim3A_432 = vector.broadcast %jit3A_431 : i32 to vector<8x64x512xi32>
    %select_n3A_433 = arith.select %eq3A_430, %get3A_51, %broadcast_in_dim3A_432 : vector<8x64x512xi1>, vector<8x64x512xi32>
    %reduce_min3A_434 = arith.constant dense<2147483647> : vector<64x512xi32>
    %reduce_min3A_435 = vector.multi_reduction <minsi>, %select_n3A_433, %reduce_min3A_434 [0] : vector<8x64x512xi32> to vector<64x512xi32>
    %reduce_min3A_436 = arith.constant dense<2147483647> : vector<512xi32>
    %reduce_min3A_437 = vector.multi_reduction <minsi>, %reduce_min3A_435, %reduce_min3A_436 [0] : vector<64x512xi32> to vector<512xi32>
    %broadcast_in_dim3A_438 = vector.shape_cast %reduce_min3A_437 : vector<512xi32> to vector<1x512xi32>
    %broadcast_in_dim3A_439 = vector.shape_cast %broadcast_in_dim3A_438 : vector<1x512xi32> to vector<1x1x512xi32>
    %eq3A_440 = vector.broadcast %broadcast_in_dim3A_439 : vector<1x1x512xi32> to vector<8x64x512xi32>
    %eq3A_441 = arith.cmpi eq, %get3A_51, %eq3A_440 : vector<8x64x512xi32>
    %and3A_442 = arith.andi %eq3A_430, %eq3A_441 : vector<8x64x512xi1>
    %jit3A_443 = arith.constant -3.000000e+38 : f32
    %broadcast_in_dim3A_444 = vector.broadcast %jit3A_443 : f32 to vector<8x64x512xf32>
    %select_n3A_445 = arith.select %and3A_442, %broadcast_in_dim3A_444, %select_n3A_423 : vector<8x64x512xi1>, vector<8x64x512xf32>
    %reduce_max3A_446 = arith.constant dense<0xFF800000> : vector<64x512xf32>
    %reduce_max3A_447 = vector.multi_reduction <maximumf>, %select_n3A_445, %reduce_max3A_446 [0] : vector<8x64x512xf32> to vector<64x512xf32>
    %reduce_max3A_448 = arith.constant dense<0xFF800000> : vector<512xf32>
    %reduce_max3A_449 = vector.multi_reduction <maximumf>, %reduce_max3A_447, %reduce_max3A_448 [0] : vector<64x512xf32> to vector<512xf32>
    %broadcast_in_dim3A_450 = vector.shape_cast %reduce_max3A_449 : vector<512xf32> to vector<1x1x512xf32>
    %eq3A_451 = vector.broadcast %broadcast_in_dim3A_450 : vector<1x1x512xf32> to vector<8x64x512xf32>
    %eq3A_452 = arith.cmpf oeq, %select_n3A_445, %eq3A_451 : vector<8x64x512xf32>
    %jit3A_453 = arith.constant 4096 : i32
    %broadcast_in_dim3A_454 = vector.broadcast %jit3A_453 : i32 to vector<8x64x512xi32>
    %select_n3A_455 = arith.select %eq3A_452, %get3A_51, %broadcast_in_dim3A_454 : vector<8x64x512xi1>, vector<8x64x512xi32>
    %reduce_min3A_456 = arith.constant dense<2147483647> : vector<64x512xi32>
    %reduce_min3A_457 = vector.multi_reduction <minsi>, %select_n3A_455, %reduce_min3A_456 [0] : vector<8x64x512xi32> to vector<64x512xi32>
    %reduce_min3A_458 = arith.constant dense<2147483647> : vector<512xi32>
    %reduce_min3A_459 = vector.multi_reduction <minsi>, %reduce_min3A_457, %reduce_min3A_458 [0] : vector<64x512xi32> to vector<512xi32>
    %broadcast_in_dim3A_460 = vector.shape_cast %reduce_min3A_459 : vector<512xi32> to vector<1x512xi32>
    %iota3A_461 = tpu.iota {dimensions = array<i32: 1>} : vector<1x512xi32>
    %add3A_462 = vector.broadcast %mul3A_16 : i32 to vector<1x512xi32>
    %add3A_463 = arith.addi %iota3A_461, %add3A_462 : vector<1x512xi32>
    %concatenate3A = tpu.concatenate %add3A_463, %broadcast_in_dim3A_65, %broadcast_in_dim3A_86, %broadcast_in_dim3A_108, %broadcast_in_dim3A_130, %broadcast_in_dim3A_152, %broadcast_in_dim3A_174, %broadcast_in_dim3A_196, %broadcast_in_dim3A_218, %broadcast_in_dim3A_240, %broadcast_in_dim3A_262, %broadcast_in_dim3A_284, %broadcast_in_dim3A_306, %broadcast_in_dim3A_328, %broadcast_in_dim3A_350, %broadcast_in_dim3A_372, %broadcast_in_dim3A_394, %broadcast_in_dim3A_416, %broadcast_in_dim3A_438, %broadcast_in_dim3A_460 in 0 : vector<1x512xi32>, vector<1x512xi32>, vector<1x512xi32>, vector<1x512xi32>, vector<1x512xi32>, vector<1x512xi32>, vector<1x512xi32>, vector<1x512xi32>, vector<1x512xi32>, vector<1x512xi32>, vector<1x512xi32>, vector<1x512xi32>, vector<1x512xi32>, vector<1x512xi32>, vector<1x512xi32>, vector<1x512xi32>, vector<1x512xi32>, vector<1x512xi32>, vector<1x512xi32>, vector<1x512xi32> -> vector<20x512xi32>
    %transpose3A = tpu.transpose %concatenate3A, [1, 0] : vector<20x512xi32> -> vector<512x20xi32>
    %swap3A_464 = arith.constant 0 : index
    %swap3A_465 = arith.constant 0 : index
    %swap3A_466 = arith.constant 0 : index
    %swap3A_467 = vector.load %arg4[%swap3A_464, %swap3A_465, %swap3A_466] : memref<1x512x20xi32, #tpu.memory_space<vmem>>, vector<1x512x20xi32>
    %swap3A_468 = vector.shape_cast %swap3A_467 : vector<1x512x20xi32> to vector<512x20xi32>
    %swap3A_469 = vector.shape_cast %transpose3A : vector<512x20xi32> to vector<1x512x20xi32>
    tpu.vector_store %arg4[%swap3A_464, %swap3A_465, %swap3A_466], %swap3A_469 {strides = array<i32>} : memref<1x512x20xi32, #tpu.memory_space<vmem>>, vector<1x512x20xi32>,
    return
  }
  func.func @transform_0(%arg0: i32, %arg1: i32) -> (i32, i32, i32) {
    %c0_i32 = arith.constant 0 : i32
    %c0_i32_0 = arith.constant 0 : i32
    %c0_i32_1 = arith.constant 0 : i32
    return %arg0, %c0_i32, %c0_i32_0 : i32, i32, i32
  }
  func.func @transform_1(%arg0: i32, %arg1: i32) -> (i32, i32, i32) {
    %c0_i32 = arith.constant 0 : i32
    %c0_i32_0 = arith.constant 0 : i32
    return %arg0, %c0_i32, %arg1 : i32, i32, i32
  }
  func.func @transform_2(%arg0: i32, %arg1: i32) -> (i32, i32, i32) {
    %c0_i32 = arith.constant 0 : i32
    %c0_i32_0 = arith.constant 0 : i32
    return %arg0, %arg1, %c0_i32 : i32, i32, i32
  }
}

module attributes {stable_mosaic.version = 14 : i64} {
  func.func @_stats_body(%arg0: i32, %arg1: i32, %arg2: memref<1x3x512xf32, #tpu.memory_space<vmem>>, %arg3: memref<1x3x20x512xf32, #tpu.memory_space<vmem>>, %arg4: memref<64x6xf32, #tpu.memory_space<vmem>>, %arg5: memref<64x1xf32, #tpu.memory_space<vmem>>, %arg6: memref<64x512xf32, #tpu.memory_space<vmem>>, %arg7: memref<64x512xf32, #tpu.memory_space<vmem>>) attributes {dimension_semantics = [#tpu.dimension_semantics<arbitrary>, #tpu.dimension_semantics<arbitrary>], iteration_bounds = array<i64: 4, 8>, scalar_prefetch = 0 : i64, scratch_operands = 0 : i64, tpu.core_type = #tpu.core_type<tc>, window_params = [{transform_indices = @transform_0, window_bounds = array<i64: 1, 3, 512>}, {transform_indices = @transform_1, window_bounds = array<i64: 1, 3, 20, 512>}, {pipeline_mode = #tpu.pipeline_mode<synchronous>, transform_indices = @transform_2, window_bounds = array<i64: 64, 6>}, {pipeline_mode = #tpu.pipeline_mode<synchronous>, transform_indices = @transform_3, window_bounds = array<i64: 64, 1>}, {pipeline_mode = #tpu.pipeline_mode<synchronous>, transform_indices = @transform_4, window_bounds = array<i64: 64, 512>}, {pipeline_mode = #tpu.pipeline_mode<synchronous>, transform_indices = @transform_5, window_bounds = array<i64: 64, 512>}]} {
    %eq3A = arith.constant 0 : i32
    %eq3A_0 = arith.cmpi eq, %arg0, %eq3A : i32
    %eq3A_1 = arith.constant 0 : i32
    %eq3A_2 = arith.cmpi eq, %arg1, %eq3A_1 : i32
    %and3A = arith.andi %eq3A_0, %eq3A_2 : i1
    %convert_element_type3A = arith.extui %and3A : i1 to i32
    %cond3A = arith.constant 0 : i32
    %cond3A_3 = arith.cmpi ne, %convert_element_type3A, %cond3A : i32
    scf.if %cond3A_3 {
      %broadcast_in_dim3A_325 = arith.constant 0.000000e+00 : f32
      %broadcast_in_dim3A_326 = vector.broadcast %broadcast_in_dim3A_325 : f32 to vector<64x512xf32>
      %swap3A_327 = arith.constant 0 : index
      %swap3A_328 = arith.constant 0 : index
      %swap3A_329 = vector.load %arg6[%swap3A_327, %swap3A_328] : memref<64x512xf32, #tpu.memory_space<vmem>>, vector<64x512xf32>
      tpu.vector_store %arg6[%swap3A_327, %swap3A_328], %broadcast_in_dim3A_326 {strides = array<i32>} : memref<64x512xf32, #tpu.memory_space<vmem>>, vector<64x512xf32>,
      %broadcast_in_dim3A_330 = arith.constant 0.000000e+00 : f32
      %broadcast_in_dim3A_331 = vector.broadcast %broadcast_in_dim3A_330 : f32 to vector<64x512xf32>
      %swap3A_332 = arith.constant 0 : index
      %swap3A_333 = arith.constant 0 : index
      %swap3A_334 = vector.load %arg7[%swap3A_332, %swap3A_333] : memref<64x512xf32, #tpu.memory_space<vmem>>, vector<64x512xf32>
      tpu.vector_store %arg7[%swap3A_332, %swap3A_333], %broadcast_in_dim3A_331 {strides = array<i32>} : memref<64x512xf32, #tpu.memory_space<vmem>>, vector<64x512xf32>,
    } else {
    }
    %broadcast_in_dim3A = arith.constant 0.000000e+00 : f32
    %broadcast_in_dim3A_4 = vector.broadcast %broadcast_in_dim3A : f32 to vector<64x512xf32>
    %broadcast_in_dim3A_5 = arith.constant 0.000000e+00 : f32
    %broadcast_in_dim3A_6 = vector.broadcast %broadcast_in_dim3A_5 : f32 to vector<64x512xf32>
    %get3A = arith.constant 0 : index
    %get3A_7 = arith.constant 0 : index
    %get3A_8 = arith.constant 0 : index
    %get3A_9 = vector.load %arg2[%get3A, %get3A_7, %get3A_8] : memref<1x3x512xf32, #tpu.memory_space<vmem>>, vector<1x3x512xf32>
    %get3A_10 = vector.shape_cast %get3A_9 : vector<1x3x512xf32> to vector<3x512xf32>
    %get3A_11 = arith.constant 0 : index
    %get3A_12 = arith.constant 0 : index
    %get3A_13 = vector.load %arg4[%get3A_11, %get3A_12] : memref<64x6xf32, #tpu.memory_space<vmem>>, vector<64x6xf32>
    %get3A_14 = arith.constant 0 : index
    %get3A_15 = arith.constant 0 : index
    %get3A_16 = vector.load %arg5[%get3A_14, %get3A_15] : memref<64x1xf32, #tpu.memory_space<vmem>>, vector<64x1xf32>
    %get3A_17 = arith.constant 0 : index
    %get3A_18 = arith.constant 0 : index
    %get3A_19 = arith.constant 0 : index
    %get3A_20 = arith.constant 0 : index
    %get3A_21 = vector.load %arg3[%get3A_17, %get3A_18, %get3A_19, %get3A_20] : memref<1x3x20x512xf32, #tpu.memory_space<vmem>>, vector<1x3x1x512xf32>
    %get3A_22 = vector.shape_cast %get3A_21 : vector<1x3x1x512xf32> to vector<3x512xf32>
    %sub3A = arith.subf %get3A_22, %get3A_10 : vector<3x512xf32>
    %concatenate3A = tpu.concatenate %sub3A, %get3A_10 in 0 : vector<3x512xf32>, vector<3x512xf32> -> vector<6x512xf32>
    %dot_general3A = arith.constant dense<0.000000e+00> : vector<64x512xf32>
    %dot_general3A_23 = tpu.matmul %get3A_13, %concatenate3A, %dot_general3A {dimension_numbers = #tpu.dot_dimension_numbers<[1], [0], [0], [1], [0, 0, 1, 1], [], []>, transpose_lhs_hint = false} : vector<64x6xf32>, vector<6x512xf32>, vector<64x512xf32> -> vector<64x512xf32>
    %add3A = vector.broadcast %get3A_16 : vector<64x1xf32> to vector<64x512xf32>
    %add3A_24 = arith.addf %dot_general3A_23, %add3A : vector<64x512xf32>
    %add3A_25 = arith.addf %broadcast_in_dim3A_4, %add3A_24 : vector<64x512xf32>
    %mul3A = arith.mulf %add3A_24, %add3A_24 : vector<64x512xf32>
    %add3A_26 = arith.addf %broadcast_in_dim3A_6, %mul3A : vector<64x512xf32>
    %get3A_27 = arith.constant 0 : index
    %get3A_28 = arith.constant 0 : index
    %get3A_29 = arith.constant 1 : index
    %get3A_30 = arith.constant 0 : index
    %get3A_31 = vector.load %arg3[%get3A_27, %get3A_28, %get3A_29, %get3A_30] : memref<1x3x20x512xf32, #tpu.memory_space<vmem>>, vector<1x3x1x512xf32>
    %get3A_32 = vector.shape_cast %get3A_31 : vector<1x3x1x512xf32> to vector<3x512xf32>
    %sub3A_33 = arith.subf %get3A_32, %get3A_10 : vector<3x512xf32>
    %concatenate3A_34 = tpu.concatenate %sub3A_33, %get3A_10 in 0 : vector<3x512xf32>, vector<3x512xf32> -> vector<6x512xf32>
    %dot_general3A_35 = arith.constant dense<0.000000e+00> : vector<64x512xf32>
    %dot_general3A_36 = tpu.matmul %get3A_13, %concatenate3A_34, %dot_general3A_35 {dimension_numbers = #tpu.dot_dimension_numbers<[1], [0], [0], [1], [0, 0, 1, 1], [], []>, transpose_lhs_hint = false} : vector<64x6xf32>, vector<6x512xf32>, vector<64x512xf32> -> vector<64x512xf32>
    %add3A_37 = vector.broadcast %get3A_16 : vector<64x1xf32> to vector<64x512xf32>
    %add3A_38 = arith.addf %dot_general3A_36, %add3A_37 : vector<64x512xf32>
    %add3A_39 = arith.addf %add3A_25, %add3A_38 : vector<64x512xf32>
    %mul3A_40 = arith.mulf %add3A_38, %add3A_38 : vector<64x512xf32>
    %add3A_41 = arith.addf %add3A_26, %mul3A_40 : vector<64x512xf32>
    %get3A_42 = arith.constant 0 : index
    %get3A_43 = arith.constant 0 : index
    %get3A_44 = arith.constant 2 : index
    %get3A_45 = arith.constant 0 : index
    %get3A_46 = vector.load %arg3[%get3A_42, %get3A_43, %get3A_44, %get3A_45] : memref<1x3x20x512xf32, #tpu.memory_space<vmem>>, vector<1x3x1x512xf32>
    %get3A_47 = vector.shape_cast %get3A_46 : vector<1x3x1x512xf32> to vector<3x512xf32>
    %sub3A_48 = arith.subf %get3A_47, %get3A_10 : vector<3x512xf32>
    %concatenate3A_49 = tpu.concatenate %sub3A_48, %get3A_10 in 0 : vector<3x512xf32>, vector<3x512xf32> -> vector<6x512xf32>
    %dot_general3A_50 = arith.constant dense<0.000000e+00> : vector<64x512xf32>
    %dot_general3A_51 = tpu.matmul %get3A_13, %concatenate3A_49, %dot_general3A_50 {dimension_numbers = #tpu.dot_dimension_numbers<[1], [0], [0], [1], [0, 0, 1, 1], [], []>, transpose_lhs_hint = false} : vector<64x6xf32>, vector<6x512xf32>, vector<64x512xf32> -> vector<64x512xf32>
    %add3A_52 = vector.broadcast %get3A_16 : vector<64x1xf32> to vector<64x512xf32>
    %add3A_53 = arith.addf %dot_general3A_51, %add3A_52 : vector<64x512xf32>
    %add3A_54 = arith.addf %add3A_39, %add3A_53 : vector<64x512xf32>
    %mul3A_55 = arith.mulf %add3A_53, %add3A_53 : vector<64x512xf32>
    %add3A_56 = arith.addf %add3A_41, %mul3A_55 : vector<64x512xf32>
    %get3A_57 = arith.constant 0 : index
    %get3A_58 = arith.constant 0 : index
    %get3A_59 = arith.constant 3 : index
    %get3A_60 = arith.constant 0 : index
    %get3A_61 = vector.load %arg3[%get3A_57, %get3A_58, %get3A_59, %get3A_60] : memref<1x3x20x512xf32, #tpu.memory_space<vmem>>, vector<1x3x1x512xf32>
    %get3A_62 = vector.shape_cast %get3A_61 : vector<1x3x1x512xf32> to vector<3x512xf32>
    %sub3A_63 = arith.subf %get3A_62, %get3A_10 : vector<3x512xf32>
    %concatenate3A_64 = tpu.concatenate %sub3A_63, %get3A_10 in 0 : vector<3x512xf32>, vector<3x512xf32> -> vector<6x512xf32>
    %dot_general3A_65 = arith.constant dense<0.000000e+00> : vector<64x512xf32>
    %dot_general3A_66 = tpu.matmul %get3A_13, %concatenate3A_64, %dot_general3A_65 {dimension_numbers = #tpu.dot_dimension_numbers<[1], [0], [0], [1], [0, 0, 1, 1], [], []>, transpose_lhs_hint = false} : vector<64x6xf32>, vector<6x512xf32>, vector<64x512xf32> -> vector<64x512xf32>
    %add3A_67 = vector.broadcast %get3A_16 : vector<64x1xf32> to vector<64x512xf32>
    %add3A_68 = arith.addf %dot_general3A_66, %add3A_67 : vector<64x512xf32>
    %add3A_69 = arith.addf %add3A_54, %add3A_68 : vector<64x512xf32>
    %mul3A_70 = arith.mulf %add3A_68, %add3A_68 : vector<64x512xf32>
    %add3A_71 = arith.addf %add3A_56, %mul3A_70 : vector<64x512xf32>
    %get3A_72 = arith.constant 0 : index
    %get3A_73 = arith.constant 0 : index
    %get3A_74 = arith.constant 4 : index
    %get3A_75 = arith.constant 0 : index
    %get3A_76 = vector.load %arg3[%get3A_72, %get3A_73, %get3A_74, %get3A_75] : memref<1x3x20x512xf32, #tpu.memory_space<vmem>>, vector<1x3x1x512xf32>
    %get3A_77 = vector.shape_cast %get3A_76 : vector<1x3x1x512xf32> to vector<3x512xf32>
    %sub3A_78 = arith.subf %get3A_77, %get3A_10 : vector<3x512xf32>
    %concatenate3A_79 = tpu.concatenate %sub3A_78, %get3A_10 in 0 : vector<3x512xf32>, vector<3x512xf32> -> vector<6x512xf32>
    %dot_general3A_80 = arith.constant dense<0.000000e+00> : vector<64x512xf32>
    %dot_general3A_81 = tpu.matmul %get3A_13, %concatenate3A_79, %dot_general3A_80 {dimension_numbers = #tpu.dot_dimension_numbers<[1], [0], [0], [1], [0, 0, 1, 1], [], []>, transpose_lhs_hint = false} : vector<64x6xf32>, vector<6x512xf32>, vector<64x512xf32> -> vector<64x512xf32>
    %add3A_82 = vector.broadcast %get3A_16 : vector<64x1xf32> to vector<64x512xf32>
    %add3A_83 = arith.addf %dot_general3A_81, %add3A_82 : vector<64x512xf32>
    %add3A_84 = arith.addf %add3A_69, %add3A_83 : vector<64x512xf32>
    %mul3A_85 = arith.mulf %add3A_83, %add3A_83 : vector<64x512xf32>
    %add3A_86 = arith.addf %add3A_71, %mul3A_85 : vector<64x512xf32>
    %get3A_87 = arith.constant 0 : index
    %get3A_88 = arith.constant 0 : index
    %get3A_89 = arith.constant 5 : index
    %get3A_90 = arith.constant 0 : index
    %get3A_91 = vector.load %arg3[%get3A_87, %get3A_88, %get3A_89, %get3A_90] : memref<1x3x20x512xf32, #tpu.memory_space<vmem>>, vector<1x3x1x512xf32>
    %get3A_92 = vector.shape_cast %get3A_91 : vector<1x3x1x512xf32> to vector<3x512xf32>
    %sub3A_93 = arith.subf %get3A_92, %get3A_10 : vector<3x512xf32>
    %concatenate3A_94 = tpu.concatenate %sub3A_93, %get3A_10 in 0 : vector<3x512xf32>, vector<3x512xf32> -> vector<6x512xf32>
    %dot_general3A_95 = arith.constant dense<0.000000e+00> : vector<64x512xf32>
    %dot_general3A_96 = tpu.matmul %get3A_13, %concatenate3A_94, %dot_general3A_95 {dimension_numbers = #tpu.dot_dimension_numbers<[1], [0], [0], [1], [0, 0, 1, 1], [], []>, transpose_lhs_hint = false} : vector<64x6xf32>, vector<6x512xf32>, vector<64x512xf32> -> vector<64x512xf32>
    %add3A_97 = vector.broadcast %get3A_16 : vector<64x1xf32> to vector<64x512xf32>
    %add3A_98 = arith.addf %dot_general3A_96, %add3A_97 : vector<64x512xf32>
    %add3A_99 = arith.addf %add3A_84, %add3A_98 : vector<64x512xf32>
    %mul3A_100 = arith.mulf %add3A_98, %add3A_98 : vector<64x512xf32>
    %add3A_101 = arith.addf %add3A_86, %mul3A_100 : vector<64x512xf32>
    %get3A_102 = arith.constant 0 : index
    %get3A_103 = arith.constant 0 : index
    %get3A_104 = arith.constant 6 : index
    %get3A_105 = arith.constant 0 : index
    %get3A_106 = vector.load %arg3[%get3A_102, %get3A_103, %get3A_104, %get3A_105] : memref<1x3x20x512xf32, #tpu.memory_space<vmem>>, vector<1x3x1x512xf32>
    %get3A_107 = vector.shape_cast %get3A_106 : vector<1x3x1x512xf32> to vector<3x512xf32>
    %sub3A_108 = arith.subf %get3A_107, %get3A_10 : vector<3x512xf32>
    %concatenate3A_109 = tpu.concatenate %sub3A_108, %get3A_10 in 0 : vector<3x512xf32>, vector<3x512xf32> -> vector<6x512xf32>
    %dot_general3A_110 = arith.constant dense<0.000000e+00> : vector<64x512xf32>
    %dot_general3A_111 = tpu.matmul %get3A_13, %concatenate3A_109, %dot_general3A_110 {dimension_numbers = #tpu.dot_dimension_numbers<[1], [0], [0], [1], [0, 0, 1, 1], [], []>, transpose_lhs_hint = false} : vector<64x6xf32>, vector<6x512xf32>, vector<64x512xf32> -> vector<64x512xf32>
    %add3A_112 = vector.broadcast %get3A_16 : vector<64x1xf32> to vector<64x512xf32>
    %add3A_113 = arith.addf %dot_general3A_111, %add3A_112 : vector<64x512xf32>
    %add3A_114 = arith.addf %add3A_99, %add3A_113 : vector<64x512xf32>
    %mul3A_115 = arith.mulf %add3A_113, %add3A_113 : vector<64x512xf32>
    %add3A_116 = arith.addf %add3A_101, %mul3A_115 : vector<64x512xf32>
    %get3A_117 = arith.constant 0 : index
    %get3A_118 = arith.constant 0 : index
    %get3A_119 = arith.constant 7 : index
    %get3A_120 = arith.constant 0 : index
    %get3A_121 = vector.load %arg3[%get3A_117, %get3A_118, %get3A_119, %get3A_120] : memref<1x3x20x512xf32, #tpu.memory_space<vmem>>, vector<1x3x1x512xf32>
    %get3A_122 = vector.shape_cast %get3A_121 : vector<1x3x1x512xf32> to vector<3x512xf32>
    %sub3A_123 = arith.subf %get3A_122, %get3A_10 : vector<3x512xf32>
    %concatenate3A_124 = tpu.concatenate %sub3A_123, %get3A_10 in 0 : vector<3x512xf32>, vector<3x512xf32> -> vector<6x512xf32>
    %dot_general3A_125 = arith.constant dense<0.000000e+00> : vector<64x512xf32>
    %dot_general3A_126 = tpu.matmul %get3A_13, %concatenate3A_124, %dot_general3A_125 {dimension_numbers = #tpu.dot_dimension_numbers<[1], [0], [0], [1], [0, 0, 1, 1], [], []>, transpose_lhs_hint = false} : vector<64x6xf32>, vector<6x512xf32>, vector<64x512xf32> -> vector<64x512xf32>
    %add3A_127 = vector.broadcast %get3A_16 : vector<64x1xf32> to vector<64x512xf32>
    %add3A_128 = arith.addf %dot_general3A_126, %add3A_127 : vector<64x512xf32>
    %add3A_129 = arith.addf %add3A_114, %add3A_128 : vector<64x512xf32>
    %mul3A_130 = arith.mulf %add3A_128, %add3A_128 : vector<64x512xf32>
    %add3A_131 = arith.addf %add3A_116, %mul3A_130 : vector<64x512xf32>
    %get3A_132 = arith.constant 0 : index
    %get3A_133 = arith.constant 0 : index
    %get3A_134 = arith.constant 8 : index
    %get3A_135 = arith.constant 0 : index
    %get3A_136 = vector.load %arg3[%get3A_132, %get3A_133, %get3A_134, %get3A_135] : memref<1x3x20x512xf32, #tpu.memory_space<vmem>>, vector<1x3x1x512xf32>
    %get3A_137 = vector.shape_cast %get3A_136 : vector<1x3x1x512xf32> to vector<3x512xf32>
    %sub3A_138 = arith.subf %get3A_137, %get3A_10 : vector<3x512xf32>
    %concatenate3A_139 = tpu.concatenate %sub3A_138, %get3A_10 in 0 : vector<3x512xf32>, vector<3x512xf32> -> vector<6x512xf32>
    %dot_general3A_140 = arith.constant dense<0.000000e+00> : vector<64x512xf32>
    %dot_general3A_141 = tpu.matmul %get3A_13, %concatenate3A_139, %dot_general3A_140 {dimension_numbers = #tpu.dot_dimension_numbers<[1], [0], [0], [1], [0, 0, 1, 1], [], []>, transpose_lhs_hint = false} : vector<64x6xf32>, vector<6x512xf32>, vector<64x512xf32> -> vector<64x512xf32>
    %add3A_142 = vector.broadcast %get3A_16 : vector<64x1xf32> to vector<64x512xf32>
    %add3A_143 = arith.addf %dot_general3A_141, %add3A_142 : vector<64x512xf32>
    %add3A_144 = arith.addf %add3A_129, %add3A_143 : vector<64x512xf32>
    %mul3A_145 = arith.mulf %add3A_143, %add3A_143 : vector<64x512xf32>
    %add3A_146 = arith.addf %add3A_131, %mul3A_145 : vector<64x512xf32>
    %get3A_147 = arith.constant 0 : index
    %get3A_148 = arith.constant 0 : index
    %get3A_149 = arith.constant 9 : index
    %get3A_150 = arith.constant 0 : index
    %get3A_151 = vector.load %arg3[%get3A_147, %get3A_148, %get3A_149, %get3A_150] : memref<1x3x20x512xf32, #tpu.memory_space<vmem>>, vector<1x3x1x512xf32>
    %get3A_152 = vector.shape_cast %get3A_151 : vector<1x3x1x512xf32> to vector<3x512xf32>
    %sub3A_153 = arith.subf %get3A_152, %get3A_10 : vector<3x512xf32>
    %concatenate3A_154 = tpu.concatenate %sub3A_153, %get3A_10 in 0 : vector<3x512xf32>, vector<3x512xf32> -> vector<6x512xf32>
    %dot_general3A_155 = arith.constant dense<0.000000e+00> : vector<64x512xf32>
    %dot_general3A_156 = tpu.matmul %get3A_13, %concatenate3A_154, %dot_general3A_155 {dimension_numbers = #tpu.dot_dimension_numbers<[1], [0], [0], [1], [0, 0, 1, 1], [], []>, transpose_lhs_hint = false} : vector<64x6xf32>, vector<6x512xf32>, vector<64x512xf32> -> vector<64x512xf32>
    %add3A_157 = vector.broadcast %get3A_16 : vector<64x1xf32> to vector<64x512xf32>
    %add3A_158 = arith.addf %dot_general3A_156, %add3A_157 : vector<64x512xf32>
    %add3A_159 = arith.addf %add3A_144, %add3A_158 : vector<64x512xf32>
    %mul3A_160 = arith.mulf %add3A_158, %add3A_158 : vector<64x512xf32>
    %add3A_161 = arith.addf %add3A_146, %mul3A_160 : vector<64x512xf32>
    %get3A_162 = arith.constant 0 : index
    %get3A_163 = arith.constant 0 : index
    %get3A_164 = arith.constant 10 : index
    %get3A_165 = arith.constant 0 : index
    %get3A_166 = vector.load %arg3[%get3A_162, %get3A_163, %get3A_164, %get3A_165] : memref<1x3x20x512xf32, #tpu.memory_space<vmem>>, vector<1x3x1x512xf32>
    %get3A_167 = vector.shape_cast %get3A_166 : vector<1x3x1x512xf32> to vector<3x512xf32>
    %sub3A_168 = arith.subf %get3A_167, %get3A_10 : vector<3x512xf32>
    %concatenate3A_169 = tpu.concatenate %sub3A_168, %get3A_10 in 0 : vector<3x512xf32>, vector<3x512xf32> -> vector<6x512xf32>
    %dot_general3A_170 = arith.constant dense<0.000000e+00> : vector<64x512xf32>
    %dot_general3A_171 = tpu.matmul %get3A_13, %concatenate3A_169, %dot_general3A_170 {dimension_numbers = #tpu.dot_dimension_numbers<[1], [0], [0], [1], [0, 0, 1, 1], [], []>, transpose_lhs_hint = false} : vector<64x6xf32>, vector<6x512xf32>, vector<64x512xf32> -> vector<64x512xf32>
    %add3A_172 = vector.broadcast %get3A_16 : vector<64x1xf32> to vector<64x512xf32>
    %add3A_173 = arith.addf %dot_general3A_171, %add3A_172 : vector<64x512xf32>
    %add3A_174 = arith.addf %add3A_159, %add3A_173 : vector<64x512xf32>
    %mul3A_175 = arith.mulf %add3A_173, %add3A_173 : vector<64x512xf32>
    %add3A_176 = arith.addf %add3A_161, %mul3A_175 : vector<64x512xf32>
    %get3A_177 = arith.constant 0 : index
    %get3A_178 = arith.constant 0 : index
    %get3A_179 = arith.constant 11 : index
    %get3A_180 = arith.constant 0 : index
    %get3A_181 = vector.load %arg3[%get3A_177, %get3A_178, %get3A_179, %get3A_180] : memref<1x3x20x512xf32, #tpu.memory_space<vmem>>, vector<1x3x1x512xf32>
    %get3A_182 = vector.shape_cast %get3A_181 : vector<1x3x1x512xf32> to vector<3x512xf32>
    %sub3A_183 = arith.subf %get3A_182, %get3A_10 : vector<3x512xf32>
    %concatenate3A_184 = tpu.concatenate %sub3A_183, %get3A_10 in 0 : vector<3x512xf32>, vector<3x512xf32> -> vector<6x512xf32>
    %dot_general3A_185 = arith.constant dense<0.000000e+00> : vector<64x512xf32>
    %dot_general3A_186 = tpu.matmul %get3A_13, %concatenate3A_184, %dot_general3A_185 {dimension_numbers = #tpu.dot_dimension_numbers<[1], [0], [0], [1], [0, 0, 1, 1], [], []>, transpose_lhs_hint = false} : vector<64x6xf32>, vector<6x512xf32>, vector<64x512xf32> -> vector<64x512xf32>
    %add3A_187 = vector.broadcast %get3A_16 : vector<64x1xf32> to vector<64x512xf32>
    %add3A_188 = arith.addf %dot_general3A_186, %add3A_187 : vector<64x512xf32>
    %add3A_189 = arith.addf %add3A_174, %add3A_188 : vector<64x512xf32>
    %mul3A_190 = arith.mulf %add3A_188, %add3A_188 : vector<64x512xf32>
    %add3A_191 = arith.addf %add3A_176, %mul3A_190 : vector<64x512xf32>
    %get3A_192 = arith.constant 0 : index
    %get3A_193 = arith.constant 0 : index
    %get3A_194 = arith.constant 12 : index
    %get3A_195 = arith.constant 0 : index
    %get3A_196 = vector.load %arg3[%get3A_192, %get3A_193, %get3A_194, %get3A_195] : memref<1x3x20x512xf32, #tpu.memory_space<vmem>>, vector<1x3x1x512xf32>
    %get3A_197 = vector.shape_cast %get3A_196 : vector<1x3x1x512xf32> to vector<3x512xf32>
    %sub3A_198 = arith.subf %get3A_197, %get3A_10 : vector<3x512xf32>
    %concatenate3A_199 = tpu.concatenate %sub3A_198, %get3A_10 in 0 : vector<3x512xf32>, vector<3x512xf32> -> vector<6x512xf32>
    %dot_general3A_200 = arith.constant dense<0.000000e+00> : vector<64x512xf32>
    %dot_general3A_201 = tpu.matmul %get3A_13, %concatenate3A_199, %dot_general3A_200 {dimension_numbers = #tpu.dot_dimension_numbers<[1], [0], [0], [1], [0, 0, 1, 1], [], []>, transpose_lhs_hint = false} : vector<64x6xf32>, vector<6x512xf32>, vector<64x512xf32> -> vector<64x512xf32>
    %add3A_202 = vector.broadcast %get3A_16 : vector<64x1xf32> to vector<64x512xf32>
    %add3A_203 = arith.addf %dot_general3A_201, %add3A_202 : vector<64x512xf32>
    %add3A_204 = arith.addf %add3A_189, %add3A_203 : vector<64x512xf32>
    %mul3A_205 = arith.mulf %add3A_203, %add3A_203 : vector<64x512xf32>
    %add3A_206 = arith.addf %add3A_191, %mul3A_205 : vector<64x512xf32>
    %get3A_207 = arith.constant 0 : index
    %get3A_208 = arith.constant 0 : index
    %get3A_209 = arith.constant 13 : index
    %get3A_210 = arith.constant 0 : index
    %get3A_211 = vector.load %arg3[%get3A_207, %get3A_208, %get3A_209, %get3A_210] : memref<1x3x20x512xf32, #tpu.memory_space<vmem>>, vector<1x3x1x512xf32>
    %get3A_212 = vector.shape_cast %get3A_211 : vector<1x3x1x512xf32> to vector<3x512xf32>
    %sub3A_213 = arith.subf %get3A_212, %get3A_10 : vector<3x512xf32>
    %concatenate3A_214 = tpu.concatenate %sub3A_213, %get3A_10 in 0 : vector<3x512xf32>, vector<3x512xf32> -> vector<6x512xf32>
    %dot_general3A_215 = arith.constant dense<0.000000e+00> : vector<64x512xf32>
    %dot_general3A_216 = tpu.matmul %get3A_13, %concatenate3A_214, %dot_general3A_215 {dimension_numbers = #tpu.dot_dimension_numbers<[1], [0], [0], [1], [0, 0, 1, 1], [], []>, transpose_lhs_hint = false} : vector<64x6xf32>, vector<6x512xf32>, vector<64x512xf32> -> vector<64x512xf32>
    %add3A_217 = vector.broadcast %get3A_16 : vector<64x1xf32> to vector<64x512xf32>
    %add3A_218 = arith.addf %dot_general3A_216, %add3A_217 : vector<64x512xf32>
    %add3A_219 = arith.addf %add3A_204, %add3A_218 : vector<64x512xf32>
    %mul3A_220 = arith.mulf %add3A_218, %add3A_218 : vector<64x512xf32>
    %add3A_221 = arith.addf %add3A_206, %mul3A_220 : vector<64x512xf32>
    %get3A_222 = arith.constant 0 : index
    %get3A_223 = arith.constant 0 : index
    %get3A_224 = arith.constant 14 : index
    %get3A_225 = arith.constant 0 : index
    %get3A_226 = vector.load %arg3[%get3A_222, %get3A_223, %get3A_224, %get3A_225] : memref<1x3x20x512xf32, #tpu.memory_space<vmem>>, vector<1x3x1x512xf32>
    %get3A_227 = vector.shape_cast %get3A_226 : vector<1x3x1x512xf32> to vector<3x512xf32>
    %sub3A_228 = arith.subf %get3A_227, %get3A_10 : vector<3x512xf32>
    %concatenate3A_229 = tpu.concatenate %sub3A_228, %get3A_10 in 0 : vector<3x512xf32>, vector<3x512xf32> -> vector<6x512xf32>
    %dot_general3A_230 = arith.constant dense<0.000000e+00> : vector<64x512xf32>
    %dot_general3A_231 = tpu.matmul %get3A_13, %concatenate3A_229, %dot_general3A_230 {dimension_numbers = #tpu.dot_dimension_numbers<[1], [0], [0], [1], [0, 0, 1, 1], [], []>, transpose_lhs_hint = false} : vector<64x6xf32>, vector<6x512xf32>, vector<64x512xf32> -> vector<64x512xf32>
    %add3A_232 = vector.broadcast %get3A_16 : vector<64x1xf32> to vector<64x512xf32>
    %add3A_233 = arith.addf %dot_general3A_231, %add3A_232 : vector<64x512xf32>
    %add3A_234 = arith.addf %add3A_219, %add3A_233 : vector<64x512xf32>
    %mul3A_235 = arith.mulf %add3A_233, %add3A_233 : vector<64x512xf32>
    %add3A_236 = arith.addf %add3A_221, %mul3A_235 : vector<64x512xf32>
    %get3A_237 = arith.constant 0 : index
    %get3A_238 = arith.constant 0 : index
    %get3A_239 = arith.constant 15 : index
    %get3A_240 = arith.constant 0 : index
    %get3A_241 = vector.load %arg3[%get3A_237, %get3A_238, %get3A_239, %get3A_240] : memref<1x3x20x512xf32, #tpu.memory_space<vmem>>, vector<1x3x1x512xf32>
    %get3A_242 = vector.shape_cast %get3A_241 : vector<1x3x1x512xf32> to vector<3x512xf32>
    %sub3A_243 = arith.subf %get3A_242, %get3A_10 : vector<3x512xf32>
    %concatenate3A_244 = tpu.concatenate %sub3A_243, %get3A_10 in 0 : vector<3x512xf32>, vector<3x512xf32> -> vector<6x512xf32>
    %dot_general3A_245 = arith.constant dense<0.000000e+00> : vector<64x512xf32>
    %dot_general3A_246 = tpu.matmul %get3A_13, %concatenate3A_244, %dot_general3A_245 {dimension_numbers = #tpu.dot_dimension_numbers<[1], [0], [0], [1], [0, 0, 1, 1], [], []>, transpose_lhs_hint = false} : vector<64x6xf32>, vector<6x512xf32>, vector<64x512xf32> -> vector<64x512xf32>
    %add3A_247 = vector.broadcast %get3A_16 : vector<64x1xf32> to vector<64x512xf32>
    %add3A_248 = arith.addf %dot_general3A_246, %add3A_247 : vector<64x512xf32>
    %add3A_249 = arith.addf %add3A_234, %add3A_248 : vector<64x512xf32>
    %mul3A_250 = arith.mulf %add3A_248, %add3A_248 : vector<64x512xf32>
    %add3A_251 = arith.addf %add3A_236, %mul3A_250 : vector<64x512xf32>
    %get3A_252 = arith.constant 0 : index
    %get3A_253 = arith.constant 0 : index
    %get3A_254 = arith.constant 16 : index
    %get3A_255 = arith.constant 0 : index
    %get3A_256 = vector.load %arg3[%get3A_252, %get3A_253, %get3A_254, %get3A_255] : memref<1x3x20x512xf32, #tpu.memory_space<vmem>>, vector<1x3x1x512xf32>
    %get3A_257 = vector.shape_cast %get3A_256 : vector<1x3x1x512xf32> to vector<3x512xf32>
    %sub3A_258 = arith.subf %get3A_257, %get3A_10 : vector<3x512xf32>
    %concatenate3A_259 = tpu.concatenate %sub3A_258, %get3A_10 in 0 : vector<3x512xf32>, vector<3x512xf32> -> vector<6x512xf32>
    %dot_general3A_260 = arith.constant dense<0.000000e+00> : vector<64x512xf32>
    %dot_general3A_261 = tpu.matmul %get3A_13, %concatenate3A_259, %dot_general3A_260 {dimension_numbers = #tpu.dot_dimension_numbers<[1], [0], [0], [1], [0, 0, 1, 1], [], []>, transpose_lhs_hint = false} : vector<64x6xf32>, vector<6x512xf32>, vector<64x512xf32> -> vector<64x512xf32>
    %add3A_262 = vector.broadcast %get3A_16 : vector<64x1xf32> to vector<64x512xf32>
    %add3A_263 = arith.addf %dot_general3A_261, %add3A_262 : vector<64x512xf32>
    %add3A_264 = arith.addf %add3A_249, %add3A_263 : vector<64x512xf32>
    %mul3A_265 = arith.mulf %add3A_263, %add3A_263 : vector<64x512xf32>
    %add3A_266 = arith.addf %add3A_251, %mul3A_265 : vector<64x512xf32>
    %get3A_267 = arith.constant 0 : index
    %get3A_268 = arith.constant 0 : index
    %get3A_269 = arith.constant 17 : index
    %get3A_270 = arith.constant 0 : index
    %get3A_271 = vector.load %arg3[%get3A_267, %get3A_268, %get3A_269, %get3A_270] : memref<1x3x20x512xf32, #tpu.memory_space<vmem>>, vector<1x3x1x512xf32>
    %get3A_272 = vector.shape_cast %get3A_271 : vector<1x3x1x512xf32> to vector<3x512xf32>
    %sub3A_273 = arith.subf %get3A_272, %get3A_10 : vector<3x512xf32>
    %concatenate3A_274 = tpu.concatenate %sub3A_273, %get3A_10 in 0 : vector<3x512xf32>, vector<3x512xf32> -> vector<6x512xf32>
    %dot_general3A_275 = arith.constant dense<0.000000e+00> : vector<64x512xf32>
    %dot_general3A_276 = tpu.matmul %get3A_13, %concatenate3A_274, %dot_general3A_275 {dimension_numbers = #tpu.dot_dimension_numbers<[1], [0], [0], [1], [0, 0, 1, 1], [], []>, transpose_lhs_hint = false} : vector<64x6xf32>, vector<6x512xf32>, vector<64x512xf32> -> vector<64x512xf32>
    %add3A_277 = vector.broadcast %get3A_16 : vector<64x1xf32> to vector<64x512xf32>
    %add3A_278 = arith.addf %dot_general3A_276, %add3A_277 : vector<64x512xf32>
    %add3A_279 = arith.addf %add3A_264, %add3A_278 : vector<64x512xf32>
    %mul3A_280 = arith.mulf %add3A_278, %add3A_278 : vector<64x512xf32>
    %add3A_281 = arith.addf %add3A_266, %mul3A_280 : vector<64x512xf32>
    %get3A_282 = arith.constant 0 : index
    %get3A_283 = arith.constant 0 : index
    %get3A_284 = arith.constant 18 : index
    %get3A_285 = arith.constant 0 : index
    %get3A_286 = vector.load %arg3[%get3A_282, %get3A_283, %get3A_284, %get3A_285] : memref<1x3x20x512xf32, #tpu.memory_space<vmem>>, vector<1x3x1x512xf32>
    %get3A_287 = vector.shape_cast %get3A_286 : vector<1x3x1x512xf32> to vector<3x512xf32>
    %sub3A_288 = arith.subf %get3A_287, %get3A_10 : vector<3x512xf32>
    %concatenate3A_289 = tpu.concatenate %sub3A_288, %get3A_10 in 0 : vector<3x512xf32>, vector<3x512xf32> -> vector<6x512xf32>
    %dot_general3A_290 = arith.constant dense<0.000000e+00> : vector<64x512xf32>
    %dot_general3A_291 = tpu.matmul %get3A_13, %concatenate3A_289, %dot_general3A_290 {dimension_numbers = #tpu.dot_dimension_numbers<[1], [0], [0], [1], [0, 0, 1, 1], [], []>, transpose_lhs_hint = false} : vector<64x6xf32>, vector<6x512xf32>, vector<64x512xf32> -> vector<64x512xf32>
    %add3A_292 = vector.broadcast %get3A_16 : vector<64x1xf32> to vector<64x512xf32>
    %add3A_293 = arith.addf %dot_general3A_291, %add3A_292 : vector<64x512xf32>
    %add3A_294 = arith.addf %add3A_279, %add3A_293 : vector<64x512xf32>
    %mul3A_295 = arith.mulf %add3A_293, %add3A_293 : vector<64x512xf32>
    %add3A_296 = arith.addf %add3A_281, %mul3A_295 : vector<64x512xf32>
    %get3A_297 = arith.constant 0 : index
    %get3A_298 = arith.constant 0 : index
    %get3A_299 = arith.constant 19 : index
    %get3A_300 = arith.constant 0 : index
    %get3A_301 = vector.load %arg3[%get3A_297, %get3A_298, %get3A_299, %get3A_300] : memref<1x3x20x512xf32, #tpu.memory_space<vmem>>, vector<1x3x1x512xf32>
    %get3A_302 = vector.shape_cast %get3A_301 : vector<1x3x1x512xf32> to vector<3x512xf32>
    %sub3A_303 = arith.subf %get3A_302, %get3A_10 : vector<3x512xf32>
    %concatenate3A_304 = tpu.concatenate %sub3A_303, %get3A_10 in 0 : vector<3x512xf32>, vector<3x512xf32> -> vector<6x512xf32>
    %dot_general3A_305 = arith.constant dense<0.000000e+00> : vector<64x512xf32>
    %dot_general3A_306 = tpu.matmul %get3A_13, %concatenate3A_304, %dot_general3A_305 {dimension_numbers = #tpu.dot_dimension_numbers<[1], [0], [0], [1], [0, 0, 1, 1], [], []>, transpose_lhs_hint = false} : vector<64x6xf32>, vector<6x512xf32>, vector<64x512xf32> -> vector<64x512xf32>
    %add3A_307 = vector.broadcast %get3A_16 : vector<64x1xf32> to vector<64x512xf32>
    %add3A_308 = arith.addf %dot_general3A_306, %add3A_307 : vector<64x512xf32>
    %add3A_309 = arith.addf %add3A_294, %add3A_308 : vector<64x512xf32>
    %mul3A_310 = arith.mulf %add3A_308, %add3A_308 : vector<64x512xf32>
    %add3A_311 = arith.addf %add3A_296, %mul3A_310 : vector<64x512xf32>
    %get3A_312 = arith.constant 0 : index
    %get3A_313 = arith.constant 0 : index
    %get3A_314 = vector.load %arg6[%get3A_312, %get3A_313] : memref<64x512xf32, #tpu.memory_space<vmem>>, vector<64x512xf32>
    %add3A_315 = arith.addf %get3A_314, %add3A_309 : vector<64x512xf32>
    %swap3A = arith.constant 0 : index
    %swap3A_316 = arith.constant 0 : index
    %swap3A_317 = vector.load %arg6[%swap3A, %swap3A_316] : memref<64x512xf32, #tpu.memory_space<vmem>>, vector<64x512xf32>
    tpu.vector_store %arg6[%swap3A, %swap3A_316], %add3A_315 {strides = array<i32>} : memref<64x512xf32, #tpu.memory_space<vmem>>, vector<64x512xf32>,
    %get3A_318 = arith.constant 0 : index
    %get3A_319 = arith.constant 0 : index
    %get3A_320 = vector.load %arg7[%get3A_318, %get3A_319] : memref<64x512xf32, #tpu.memory_space<vmem>>, vector<64x512xf32>
    %add3A_321 = arith.addf %get3A_320, %add3A_311 : vector<64x512xf32>
    %swap3A_322 = arith.constant 0 : index
    %swap3A_323 = arith.constant 0 : index
    %swap3A_324 = vector.load %arg7[%swap3A_322, %swap3A_323] : memref<64x512xf32, #tpu.memory_space<vmem>>, vector<64x512xf32>
    tpu.vector_store %arg7[%swap3A_322, %swap3A_323], %add3A_321 {strides = array<i32>} : memref<64x512xf32, #tpu.memory_space<vmem>>, vector<64x512xf32>,
    return
  }
  func.func @transform_0(%arg0: i32, %arg1: i32) -> (i32, i32, i32) {
    %c0_i32 = arith.constant 0 : i32
    %c0_i32_0 = arith.constant 0 : i32
    return %arg0, %c0_i32, %arg1 : i32, i32, i32
  }
  func.func @transform_1(%arg0: i32, %arg1: i32) -> (i32, i32, i32, i32) {
    %c0_i32 = arith.constant 0 : i32
    %c0_i32_0 = arith.constant 0 : i32
    %c0_i32_1 = arith.constant 0 : i32
    return %arg0, %c0_i32, %c0_i32_0, %arg1 : i32, i32, i32, i32
  }
  func.func @transform_2(%arg0: i32, %arg1: i32) -> (i32, i32) {
    %c0_i32 = arith.constant 0 : i32
    %c0_i32_0 = arith.constant 0 : i32
    %c0_i32_1 = arith.constant 0 : i32
    return %c0_i32, %c0_i32_0 : i32, i32
  }
  func.func @transform_3(%arg0: i32, %arg1: i32) -> (i32, i32) {
    %c0_i32 = arith.constant 0 : i32
    %c0_i32_0 = arith.constant 0 : i32
    %c0_i32_1 = arith.constant 0 : i32
    return %c0_i32, %c0_i32_0 : i32, i32
  }
  func.func @transform_4(%arg0: i32, %arg1: i32) -> (i32, i32) {
    %c0_i32 = arith.constant 0 : i32
    %c0_i32_0 = arith.constant 0 : i32
    %c0_i32_1 = arith.constant 0 : i32
    return %c0_i32, %c0_i32_0 : i32, i32
  }
  func.func @transform_5(%arg0: i32, %arg1: i32) -> (i32, i32) {
    %c0_i32 = arith.constant 0 : i32
    %c0_i32_0 = arith.constant 0 : i32
    %c0_i32_1 = arith.constant 0 : i32
    return %c0_i32, %c0_i32_0 : i32, i32
  }
}

module attributes {stable_mosaic.version = 14 : i64} {
  func.func @_edge_body(%arg0: i32, %arg1: i32, %arg2: memref<1x3x512xf32, #tpu.memory_space<vmem>>, %arg3: memref<1x3x20x512xf32, #tpu.memory_space<vmem>>, %arg4: memref<64x6xf32, #tpu.memory_space<vmem>>, %arg5: memref<64x1xf32, #tpu.memory_space<vmem>>, %arg6: memref<64x1xf32, #tpu.memory_space<vmem>>, %arg7: memref<64x1xf32, #tpu.memory_space<vmem>>, %arg8: memref<64x512xf32, #tpu.memory_space<vmem>>, %arg9: memref<64x512xf32, #tpu.memory_space<vmem>>, %arg10: memref<64x128xf32, #tpu.memory_space<vmem>>, %arg11: memref<64x1xf32, #tpu.memory_space<vmem>>, %arg12: memref<1x64x512xf32, #tpu.memory_space<vmem>>, %arg13: memref<1x64x512xf32, #tpu.memory_space<vmem>>, %arg14: memref<1x64x512xf32, #tpu.memory_space<vmem>>, %arg15: memref<64x512xf32, #tpu.memory_space<vmem>>, %arg16: memref<64x512xf32, #tpu.memory_space<vmem>>) attributes {dimension_semantics = [#tpu.dimension_semantics<arbitrary>, #tpu.dimension_semantics<arbitrary>], iteration_bounds = array<i64: 4, 8>, scalar_prefetch = 0 : i64, scratch_operands = 0 : i64, tpu.core_type = #tpu.core_type<tc>, window_params = [{transform_indices = @transform_0, window_bounds = array<i64: 1, 3, 512>}, {transform_indices = @transform_1, window_bounds = array<i64: 1, 3, 20, 512>}, {pipeline_mode = #tpu.pipeline_mode<synchronous>, transform_indices = @transform_2, window_bounds = array<i64: 64, 6>}, {pipeline_mode = #tpu.pipeline_mode<synchronous>, transform_indices = @transform_3, window_bounds = array<i64: 64, 1>}, {pipeline_mode = #tpu.pipeline_mode<synchronous>, transform_indices = @transform_4, window_bounds = array<i64: 64, 1>}, {pipeline_mode = #tpu.pipeline_mode<synchronous>, transform_indices = @transform_5, window_bounds = array<i64: 64, 1>}, {pipeline_mode = #tpu.pipeline_mode<synchronous>, transform_indices = @transform_6, window_bounds = array<i64: 64, 512>}, {pipeline_mode = #tpu.pipeline_mode<synchronous>, transform_indices = @transform_7, window_bounds = array<i64: 64, 512>}, {pipeline_mode = #tpu.pipeline_mode<synchronous>, transform_indices = @transform_8, window_bounds = array<i64: 64, 128>}, {pipeline_mode = #tpu.pipeline_mode<synchronous>, transform_indices = @transform_9, window_bounds = array<i64: 64, 1>}, {transform_indices = @transform_10, window_bounds = array<i64: 1, 64, 512>}, {transform_indices = @transform_11, window_bounds = array<i64: 1, 64, 512>}, {transform_indices = @transform_12, window_bounds = array<i64: 1, 64, 512>}, {pipeline_mode = #tpu.pipeline_mode<synchronous>, transform_indices = @transform_13, window_bounds = array<i64: 64, 512>}, {pipeline_mode = #tpu.pipeline_mode<synchronous>, transform_indices = @transform_14, window_bounds = array<i64: 64, 512>}]} {
    %get3A = arith.constant 0 : index
    %get3A_0 = arith.constant 0 : index
    %get3A_1 = vector.load %arg8[%get3A, %get3A_0] : memref<64x512xf32, #tpu.memory_space<vmem>>, vector<64x512xf32>
    %reduce_sum3A = arith.constant dense<0.000000e+00> : vector<64xf32>
    %reduce_sum3A_2 = vector.multi_reduction <add>, %get3A_1, %reduce_sum3A [1] : vector<64x512xf32> to vector<64xf32>
    %broadcast_in_dim3A = vector.shape_cast %reduce_sum3A_2 : vector<64xf32> to vector<64x1xf32>
    %mul3A = arith.constant 3.05175786E-6 : f32
    %mul3A_3 = vector.broadcast %mul3A : f32 to vector<64x1xf32>
    %mul3A_4 = arith.mulf %broadcast_in_dim3A, %mul3A_3 : vector<64x1xf32>
    %get3A_5 = arith.constant 0 : index
    %get3A_6 = arith.constant 0 : index
    %get3A_7 = vector.load %arg9[%get3A_5, %get3A_6] : memref<64x512xf32, #tpu.memory_space<vmem>>, vector<64x512xf32>
    %reduce_sum3A_8 = arith.constant dense<0.000000e+00> : vector<64xf32>
    %reduce_sum3A_9 = vector.multi_reduction <add>, %get3A_7, %reduce_sum3A_8 [1] : vector<64x512xf32> to vector<64xf32>
    %broadcast_in_dim3A_10 = vector.shape_cast %reduce_sum3A_9 : vector<64xf32> to vector<64x1xf32>
    %mul3A_11 = arith.constant 3.05175786E-6 : f32
    %mul3A_12 = vector.broadcast %mul3A_11 : f32 to vector<64x1xf32>
    %mul3A_13 = arith.mulf %broadcast_in_dim3A_10, %mul3A_12 : vector<64x1xf32>
    %mul3A_14 = arith.mulf %mul3A_4, %mul3A_4 : vector<64x1xf32>
    %sub3A = arith.subf %mul3A_13, %mul3A_14 : vector<64x1xf32>
    %add3A = arith.constant 9.99999974E-6 : f32
    %add3A_15 = vector.broadcast %add3A : f32 to vector<64x1xf32>
    %add3A_16 = arith.addf %sub3A, %add3A_15 : vector<64x1xf32>
    %rsqrt3A = math.rsqrt %add3A_16 : vector<64x1xf32>
    %get3A_17 = arith.constant 0 : index
    %get3A_18 = arith.constant 0 : index
    %get3A_19 = vector.load %arg6[%get3A_17, %get3A_18] : memref<64x1xf32, #tpu.memory_space<vmem>>, vector<64x1xf32>
    %mul3A_20 = arith.mulf %get3A_19, %rsqrt3A : vector<64x1xf32>
    %get3A_21 = arith.constant 0 : index
    %get3A_22 = arith.constant 0 : index
    %get3A_23 = vector.load %arg7[%get3A_21, %get3A_22] : memref<64x1xf32, #tpu.memory_space<vmem>>, vector<64x1xf32>
    %mul3A_24 = arith.mulf %mul3A_4, %mul3A_20 : vector<64x1xf32>
    %sub3A_25 = arith.subf %get3A_23, %mul3A_24 : vector<64x1xf32>
    %broadcast_in_dim3A_26 = arith.constant -3.000000e+38 : f32
    %broadcast_in_dim3A_27 = vector.broadcast %broadcast_in_dim3A_26 : f32 to vector<64x512xf32>
    %broadcast_in_dim3A_28 = arith.constant 0.000000e+00 : f32
    %broadcast_in_dim3A_29 = vector.broadcast %broadcast_in_dim3A_28 : f32 to vector<64x512xf32>
    %get3A_30 = arith.constant 0 : index
    %get3A_31 = arith.constant 0 : index
    %get3A_32 = arith.constant 0 : index
    %get3A_33 = vector.load %arg2[%get3A_30, %get3A_31, %get3A_32] : memref<1x3x512xf32, #tpu.memory_space<vmem>>, vector<1x3x512xf32>
    %get3A_34 = vector.shape_cast %get3A_33 : vector<1x3x512xf32> to vector<3x512xf32>
    %get3A_35 = arith.constant 0 : index
    %get3A_36 = arith.constant 0 : index
    %get3A_37 = vector.load %arg4[%get3A_35, %get3A_36] : memref<64x6xf32, #tpu.memory_space<vmem>>, vector<64x6xf32>
    %get3A_38 = arith.constant 0 : index
    %get3A_39 = arith.constant 0 : index
    %get3A_40 = vector.load %arg5[%get3A_38, %get3A_39] : memref<64x1xf32, #tpu.memory_space<vmem>>, vector<64x1xf32>
    %get3A_41 = arith.constant 0 : index
    %get3A_42 = arith.constant 0 : index
    %get3A_43 = arith.constant 0 : index
    %get3A_44 = arith.constant 0 : index
    %get3A_45 = vector.load %arg3[%get3A_41, %get3A_42, %get3A_43, %get3A_44] : memref<1x3x20x512xf32, #tpu.memory_space<vmem>>, vector<1x3x1x512xf32>
    %get3A_46 = vector.shape_cast %get3A_45 : vector<1x3x1x512xf32> to vector<3x512xf32>
    %sub3A_47 = arith.subf %get3A_46, %get3A_34 : vector<3x512xf32>
    %concatenate3A = tpu.concatenate %sub3A_47, %get3A_34 in 0 : vector<3x512xf32>, vector<3x512xf32> -> vector<6x512xf32>
    %dot_general3A = arith.constant dense<0.000000e+00> : vector<64x512xf32>
    %dot_general3A_48 = tpu.matmul %get3A_37, %concatenate3A, %dot_general3A {dimension_numbers = #tpu.dot_dimension_numbers<[1], [0], [0], [1], [0, 0, 1, 1], [], []>, transpose_lhs_hint = false} : vector<64x6xf32>, vector<6x512xf32>, vector<64x512xf32> -> vector<64x512xf32>
    %add3A_49 = vector.broadcast %get3A_40 : vector<64x1xf32> to vector<64x512xf32>
    %add3A_50 = arith.addf %dot_general3A_48, %add3A_49 : vector<64x512xf32>
    %mul3A_51 = vector.broadcast %mul3A_20 : vector<64x1xf32> to vector<64x512xf32>
    %mul3A_52 = arith.mulf %mul3A_51, %add3A_50 : vector<64x512xf32>
    %add3A_53 = vector.broadcast %sub3A_25 : vector<64x1xf32> to vector<64x512xf32>
    %add3A_54 = arith.addf %mul3A_52, %add3A_53 : vector<64x512xf32>
    %max3A = arith.constant 0.000000e+00 : f32
    %max3A_55 = vector.broadcast %max3A : f32 to vector<64x512xf32>
    %max3A_56 = arith.maximumf %add3A_54, %max3A_55 : vector<64x512xf32>
    %max3A_57 = arith.maximumf %broadcast_in_dim3A_27, %max3A_56 : vector<64x512xf32>
    %add3A_58 = arith.addf %broadcast_in_dim3A_29, %max3A_56 : vector<64x512xf32>
    %get3A_59 = arith.constant 0 : index
    %get3A_60 = arith.constant 0 : index
    %get3A_61 = arith.constant 1 : index
    %get3A_62 = arith.constant 0 : index
    %get3A_63 = vector.load %arg3[%get3A_59, %get3A_60, %get3A_61, %get3A_62] : memref<1x3x20x512xf32, #tpu.memory_space<vmem>>, vector<1x3x1x512xf32>
    %get3A_64 = vector.shape_cast %get3A_63 : vector<1x3x1x512xf32> to vector<3x512xf32>
    %sub3A_65 = arith.subf %get3A_64, %get3A_34 : vector<3x512xf32>
    %concatenate3A_66 = tpu.concatenate %sub3A_65, %get3A_34 in 0 : vector<3x512xf32>, vector<3x512xf32> -> vector<6x512xf32>
    %dot_general3A_67 = arith.constant dense<0.000000e+00> : vector<64x512xf32>
    %dot_general3A_68 = tpu.matmul %get3A_37, %concatenate3A_66, %dot_general3A_67 {dimension_numbers = #tpu.dot_dimension_numbers<[1], [0], [0], [1], [0, 0, 1, 1], [], []>, transpose_lhs_hint = false} : vector<64x6xf32>, vector<6x512xf32>, vector<64x512xf32> -> vector<64x512xf32>
    %add3A_69 = vector.broadcast %get3A_40 : vector<64x1xf32> to vector<64x512xf32>
    %add3A_70 = arith.addf %dot_general3A_68, %add3A_69 : vector<64x512xf32>
    %mul3A_71 = vector.broadcast %mul3A_20 : vector<64x1xf32> to vector<64x512xf32>
    %mul3A_72 = arith.mulf %mul3A_71, %add3A_70 : vector<64x512xf32>
    %add3A_73 = vector.broadcast %sub3A_25 : vector<64x1xf32> to vector<64x512xf32>
    %add3A_74 = arith.addf %mul3A_72, %add3A_73 : vector<64x512xf32>
    %max3A_75 = arith.constant 0.000000e+00 : f32
    %max3A_76 = vector.broadcast %max3A_75 : f32 to vector<64x512xf32>
    %max3A_77 = arith.maximumf %add3A_74, %max3A_76 : vector<64x512xf32>
    %max3A_78 = arith.maximumf %max3A_57, %max3A_77 : vector<64x512xf32>
    %add3A_79 = arith.addf %add3A_58, %max3A_77 : vector<64x512xf32>
    %get3A_80 = arith.constant 0 : index
    %get3A_81 = arith.constant 0 : index
    %get3A_82 = arith.constant 2 : index
    %get3A_83 = arith.constant 0 : index
    %get3A_84 = vector.load %arg3[%get3A_80, %get3A_81, %get3A_82, %get3A_83] : memref<1x3x20x512xf32, #tpu.memory_space<vmem>>, vector<1x3x1x512xf32>
    %get3A_85 = vector.shape_cast %get3A_84 : vector<1x3x1x512xf32> to vector<3x512xf32>
    %sub3A_86 = arith.subf %get3A_85, %get3A_34 : vector<3x512xf32>
    %concatenate3A_87 = tpu.concatenate %sub3A_86, %get3A_34 in 0 : vector<3x512xf32>, vector<3x512xf32> -> vector<6x512xf32>
    %dot_general3A_88 = arith.constant dense<0.000000e+00> : vector<64x512xf32>
    %dot_general3A_89 = tpu.matmul %get3A_37, %concatenate3A_87, %dot_general3A_88 {dimension_numbers = #tpu.dot_dimension_numbers<[1], [0], [0], [1], [0, 0, 1, 1], [], []>, transpose_lhs_hint = false} : vector<64x6xf32>, vector<6x512xf32>, vector<64x512xf32> -> vector<64x512xf32>
    %add3A_90 = vector.broadcast %get3A_40 : vector<64x1xf32> to vector<64x512xf32>
    %add3A_91 = arith.addf %dot_general3A_89, %add3A_90 : vector<64x512xf32>
    %mul3A_92 = vector.broadcast %mul3A_20 : vector<64x1xf32> to vector<64x512xf32>
    %mul3A_93 = arith.mulf %mul3A_92, %add3A_91 : vector<64x512xf32>
    %add3A_94 = vector.broadcast %sub3A_25 : vector<64x1xf32> to vector<64x512xf32>
    %add3A_95 = arith.addf %mul3A_93, %add3A_94 : vector<64x512xf32>
    %max3A_96 = arith.constant 0.000000e+00 : f32
    %max3A_97 = vector.broadcast %max3A_96 : f32 to vector<64x512xf32>
    %max3A_98 = arith.maximumf %add3A_95, %max3A_97 : vector<64x512xf32>
    %max3A_99 = arith.maximumf %max3A_78, %max3A_98 : vector<64x512xf32>
    %add3A_100 = arith.addf %add3A_79, %max3A_98 : vector<64x512xf32>
    %get3A_101 = arith.constant 0 : index
    %get3A_102 = arith.constant 0 : index
    %get3A_103 = arith.constant 3 : index
    %get3A_104 = arith.constant 0 : index
    %get3A_105 = vector.load %arg3[%get3A_101, %get3A_102, %get3A_103, %get3A_104] : memref<1x3x20x512xf32, #tpu.memory_space<vmem>>, vector<1x3x1x512xf32>
    %get3A_106 = vector.shape_cast %get3A_105 : vector<1x3x1x512xf32> to vector<3x512xf32>
    %sub3A_107 = arith.subf %get3A_106, %get3A_34 : vector<3x512xf32>
    %concatenate3A_108 = tpu.concatenate %sub3A_107, %get3A_34 in 0 : vector<3x512xf32>, vector<3x512xf32> -> vector<6x512xf32>
    %dot_general3A_109 = arith.constant dense<0.000000e+00> : vector<64x512xf32>
    %dot_general3A_110 = tpu.matmul %get3A_37, %concatenate3A_108, %dot_general3A_109 {dimension_numbers = #tpu.dot_dimension_numbers<[1], [0], [0], [1], [0, 0, 1, 1], [], []>, transpose_lhs_hint = false} : vector<64x6xf32>, vector<6x512xf32>, vector<64x512xf32> -> vector<64x512xf32>
    %add3A_111 = vector.broadcast %get3A_40 : vector<64x1xf32> to vector<64x512xf32>
    %add3A_112 = arith.addf %dot_general3A_110, %add3A_111 : vector<64x512xf32>
    %mul3A_113 = vector.broadcast %mul3A_20 : vector<64x1xf32> to vector<64x512xf32>
    %mul3A_114 = arith.mulf %mul3A_113, %add3A_112 : vector<64x512xf32>
    %add3A_115 = vector.broadcast %sub3A_25 : vector<64x1xf32> to vector<64x512xf32>
    %add3A_116 = arith.addf %mul3A_114, %add3A_115 : vector<64x512xf32>
    %max3A_117 = arith.constant 0.000000e+00 : f32
    %max3A_118 = vector.broadcast %max3A_117 : f32 to vector<64x512xf32>
    %max3A_119 = arith.maximumf %add3A_116, %max3A_118 : vector<64x512xf32>
    %max3A_120 = arith.maximumf %max3A_99, %max3A_119 : vector<64x512xf32>
    %add3A_121 = arith.addf %add3A_100, %max3A_119 : vector<64x512xf32>
    %get3A_122 = arith.constant 0 : index
    %get3A_123 = arith.constant 0 : index
    %get3A_124 = arith.constant 4 : index
    %get3A_125 = arith.constant 0 : index
    %get3A_126 = vector.load %arg3[%get3A_122, %get3A_123, %get3A_124, %get3A_125] : memref<1x3x20x512xf32, #tpu.memory_space<vmem>>, vector<1x3x1x512xf32>
    %get3A_127 = vector.shape_cast %get3A_126 : vector<1x3x1x512xf32> to vector<3x512xf32>
    %sub3A_128 = arith.subf %get3A_127, %get3A_34 : vector<3x512xf32>
    %concatenate3A_129 = tpu.concatenate %sub3A_128, %get3A_34 in 0 : vector<3x512xf32>, vector<3x512xf32> -> vector<6x512xf32>
    %dot_general3A_130 = arith.constant dense<0.000000e+00> : vector<64x512xf32>
    %dot_general3A_131 = tpu.matmul %get3A_37, %concatenate3A_129, %dot_general3A_130 {dimension_numbers = #tpu.dot_dimension_numbers<[1], [0], [0], [1], [0, 0, 1, 1], [], []>, transpose_lhs_hint = false} : vector<64x6xf32>, vector<6x512xf32>, vector<64x512xf32> -> vector<64x512xf32>
    %add3A_132 = vector.broadcast %get3A_40 : vector<64x1xf32> to vector<64x512xf32>
    %add3A_133 = arith.addf %dot_general3A_131, %add3A_132 : vector<64x512xf32>
    %mul3A_134 = vector.broadcast %mul3A_20 : vector<64x1xf32> to vector<64x512xf32>
    %mul3A_135 = arith.mulf %mul3A_134, %add3A_133 : vector<64x512xf32>
    %add3A_136 = vector.broadcast %sub3A_25 : vector<64x1xf32> to vector<64x512xf32>
    %add3A_137 = arith.addf %mul3A_135, %add3A_136 : vector<64x512xf32>
    %max3A_138 = arith.constant 0.000000e+00 : f32
    %max3A_139 = vector.broadcast %max3A_138 : f32 to vector<64x512xf32>
    %max3A_140 = arith.maximumf %add3A_137, %max3A_139 : vector<64x512xf32>
    %max3A_141 = arith.maximumf %max3A_120, %max3A_140 : vector<64x512xf32>
    %add3A_142 = arith.addf %add3A_121, %max3A_140 : vector<64x512xf32>
    %get3A_143 = arith.constant 0 : index
    %get3A_144 = arith.constant 0 : index
    %get3A_145 = arith.constant 5 : index
    %get3A_146 = arith.constant 0 : index
    %get3A_147 = vector.load %arg3[%get3A_143, %get3A_144, %get3A_145, %get3A_146] : memref<1x3x20x512xf32, #tpu.memory_space<vmem>>, vector<1x3x1x512xf32>
    %get3A_148 = vector.shape_cast %get3A_147 : vector<1x3x1x512xf32> to vector<3x512xf32>
    %sub3A_149 = arith.subf %get3A_148, %get3A_34 : vector<3x512xf32>
    %concatenate3A_150 = tpu.concatenate %sub3A_149, %get3A_34 in 0 : vector<3x512xf32>, vector<3x512xf32> -> vector<6x512xf32>
    %dot_general3A_151 = arith.constant dense<0.000000e+00> : vector<64x512xf32>
    %dot_general3A_152 = tpu.matmul %get3A_37, %concatenate3A_150, %dot_general3A_151 {dimension_numbers = #tpu.dot_dimension_numbers<[1], [0], [0], [1], [0, 0, 1, 1], [], []>, transpose_lhs_hint = false} : vector<64x6xf32>, vector<6x512xf32>, vector<64x512xf32> -> vector<64x512xf32>
    %add3A_153 = vector.broadcast %get3A_40 : vector<64x1xf32> to vector<64x512xf32>
    %add3A_154 = arith.addf %dot_general3A_152, %add3A_153 : vector<64x512xf32>
    %mul3A_155 = vector.broadcast %mul3A_20 : vector<64x1xf32> to vector<64x512xf32>
    %mul3A_156 = arith.mulf %mul3A_155, %add3A_154 : vector<64x512xf32>
    %add3A_157 = vector.broadcast %sub3A_25 : vector<64x1xf32> to vector<64x512xf32>
    %add3A_158 = arith.addf %mul3A_156, %add3A_157 : vector<64x512xf32>
    %max3A_159 = arith.constant 0.000000e+00 : f32
    %max3A_160 = vector.broadcast %max3A_159 : f32 to vector<64x512xf32>
    %max3A_161 = arith.maximumf %add3A_158, %max3A_160 : vector<64x512xf32>
    %max3A_162 = arith.maximumf %max3A_141, %max3A_161 : vector<64x512xf32>
    %add3A_163 = arith.addf %add3A_142, %max3A_161 : vector<64x512xf32>
    %get3A_164 = arith.constant 0 : index
    %get3A_165 = arith.constant 0 : index
    %get3A_166 = arith.constant 6 : index
    %get3A_167 = arith.constant 0 : index
    %get3A_168 = vector.load %arg3[%get3A_164, %get3A_165, %get3A_166, %get3A_167] : memref<1x3x20x512xf32, #tpu.memory_space<vmem>>, vector<1x3x1x512xf32>
    %get3A_169 = vector.shape_cast %get3A_168 : vector<1x3x1x512xf32> to vector<3x512xf32>
    %sub3A_170 = arith.subf %get3A_169, %get3A_34 : vector<3x512xf32>
    %concatenate3A_171 = tpu.concatenate %sub3A_170, %get3A_34 in 0 : vector<3x512xf32>, vector<3x512xf32> -> vector<6x512xf32>
    %dot_general3A_172 = arith.constant dense<0.000000e+00> : vector<64x512xf32>
    %dot_general3A_173 = tpu.matmul %get3A_37, %concatenate3A_171, %dot_general3A_172 {dimension_numbers = #tpu.dot_dimension_numbers<[1], [0], [0], [1], [0, 0, 1, 1], [], []>, transpose_lhs_hint = false} : vector<64x6xf32>, vector<6x512xf32>, vector<64x512xf32> -> vector<64x512xf32>
    %add3A_174 = vector.broadcast %get3A_40 : vector<64x1xf32> to vector<64x512xf32>
    %add3A_175 = arith.addf %dot_general3A_173, %add3A_174 : vector<64x512xf32>
    %mul3A_176 = vector.broadcast %mul3A_20 : vector<64x1xf32> to vector<64x512xf32>
    %mul3A_177 = arith.mulf %mul3A_176, %add3A_175 : vector<64x512xf32>
    %add3A_178 = vector.broadcast %sub3A_25 : vector<64x1xf32> to vector<64x512xf32>
    %add3A_179 = arith.addf %mul3A_177, %add3A_178 : vector<64x512xf32>
    %max3A_180 = arith.constant 0.000000e+00 : f32
    %max3A_181 = vector.broadcast %max3A_180 : f32 to vector<64x512xf32>
    %max3A_182 = arith.maximumf %add3A_179, %max3A_181 : vector<64x512xf32>
    %max3A_183 = arith.maximumf %max3A_162, %max3A_182 : vector<64x512xf32>
    %add3A_184 = arith.addf %add3A_163, %max3A_182 : vector<64x512xf32>
    %get3A_185 = arith.constant 0 : index
    %get3A_186 = arith.constant 0 : index
    %get3A_187 = arith.constant 7 : index
    %get3A_188 = arith.constant 0 : index
    %get3A_189 = vector.load %arg3[%get3A_185, %get3A_186, %get3A_187, %get3A_188] : memref<1x3x20x512xf32, #tpu.memory_space<vmem>>, vector<1x3x1x512xf32>
    %get3A_190 = vector.shape_cast %get3A_189 : vector<1x3x1x512xf32> to vector<3x512xf32>
    %sub3A_191 = arith.subf %get3A_190, %get3A_34 : vector<3x512xf32>
    %concatenate3A_192 = tpu.concatenate %sub3A_191, %get3A_34 in 0 : vector<3x512xf32>, vector<3x512xf32> -> vector<6x512xf32>
    %dot_general3A_193 = arith.constant dense<0.000000e+00> : vector<64x512xf32>
    %dot_general3A_194 = tpu.matmul %get3A_37, %concatenate3A_192, %dot_general3A_193 {dimension_numbers = #tpu.dot_dimension_numbers<[1], [0], [0], [1], [0, 0, 1, 1], [], []>, transpose_lhs_hint = false} : vector<64x6xf32>, vector<6x512xf32>, vector<64x512xf32> -> vector<64x512xf32>
    %add3A_195 = vector.broadcast %get3A_40 : vector<64x1xf32> to vector<64x512xf32>
    %add3A_196 = arith.addf %dot_general3A_194, %add3A_195 : vector<64x512xf32>
    %mul3A_197 = vector.broadcast %mul3A_20 : vector<64x1xf32> to vector<64x512xf32>
    %mul3A_198 = arith.mulf %mul3A_197, %add3A_196 : vector<64x512xf32>
    %add3A_199 = vector.broadcast %sub3A_25 : vector<64x1xf32> to vector<64x512xf32>
    %add3A_200 = arith.addf %mul3A_198, %add3A_199 : vector<64x512xf32>
    %max3A_201 = arith.constant 0.000000e+00 : f32
    %max3A_202 = vector.broadcast %max3A_201 : f32 to vector<64x512xf32>
    %max3A_203 = arith.maximumf %add3A_200, %max3A_202 : vector<64x512xf32>
    %max3A_204 = arith.maximumf %max3A_183, %max3A_203 : vector<64x512xf32>
    %add3A_205 = arith.addf %add3A_184, %max3A_203 : vector<64x512xf32>
    %get3A_206 = arith.constant 0 : index
    %get3A_207 = arith.constant 0 : index
    %get3A_208 = arith.constant 8 : index
    %get3A_209 = arith.constant 0 : index
    %get3A_210 = vector.load %arg3[%get3A_206, %get3A_207, %get3A_208, %get3A_209] : memref<1x3x20x512xf32, #tpu.memory_space<vmem>>, vector<1x3x1x512xf32>
    %get3A_211 = vector.shape_cast %get3A_210 : vector<1x3x1x512xf32> to vector<3x512xf32>
    %sub3A_212 = arith.subf %get3A_211, %get3A_34 : vector<3x512xf32>
    %concatenate3A_213 = tpu.concatenate %sub3A_212, %get3A_34 in 0 : vector<3x512xf32>, vector<3x512xf32> -> vector<6x512xf32>
    %dot_general3A_214 = arith.constant dense<0.000000e+00> : vector<64x512xf32>
    %dot_general3A_215 = tpu.matmul %get3A_37, %concatenate3A_213, %dot_general3A_214 {dimension_numbers = #tpu.dot_dimension_numbers<[1], [0], [0], [1], [0, 0, 1, 1], [], []>, transpose_lhs_hint = false} : vector<64x6xf32>, vector<6x512xf32>, vector<64x512xf32> -> vector<64x512xf32>
    %add3A_216 = vector.broadcast %get3A_40 : vector<64x1xf32> to vector<64x512xf32>
    %add3A_217 = arith.addf %dot_general3A_215, %add3A_216 : vector<64x512xf32>
    %mul3A_218 = vector.broadcast %mul3A_20 : vector<64x1xf32> to vector<64x512xf32>
    %mul3A_219 = arith.mulf %mul3A_218, %add3A_217 : vector<64x512xf32>
    %add3A_220 = vector.broadcast %sub3A_25 : vector<64x1xf32> to vector<64x512xf32>
    %add3A_221 = arith.addf %mul3A_219, %add3A_220 : vector<64x512xf32>
    %max3A_222 = arith.constant 0.000000e+00 : f32
    %max3A_223 = vector.broadcast %max3A_222 : f32 to vector<64x512xf32>
    %max3A_224 = arith.maximumf %add3A_221, %max3A_223 : vector<64x512xf32>
    %max3A_225 = arith.maximumf %max3A_204, %max3A_224 : vector<64x512xf32>
    %add3A_226 = arith.addf %add3A_205, %max3A_224 : vector<64x512xf32>
    %get3A_227 = arith.constant 0 : index
    %get3A_228 = arith.constant 0 : index
    %get3A_229 = arith.constant 9 : index
    %get3A_230 = arith.constant 0 : index
    %get3A_231 = vector.load %arg3[%get3A_227, %get3A_228, %get3A_229, %get3A_230] : memref<1x3x20x512xf32, #tpu.memory_space<vmem>>, vector<1x3x1x512xf32>
    %get3A_232 = vector.shape_cast %get3A_231 : vector<1x3x1x512xf32> to vector<3x512xf32>
    %sub3A_233 = arith.subf %get3A_232, %get3A_34 : vector<3x512xf32>
    %concatenate3A_234 = tpu.concatenate %sub3A_233, %get3A_34 in 0 : vector<3x512xf32>, vector<3x512xf32> -> vector<6x512xf32>
    %dot_general3A_235 = arith.constant dense<0.000000e+00> : vector<64x512xf32>
    %dot_general3A_236 = tpu.matmul %get3A_37, %concatenate3A_234, %dot_general3A_235 {dimension_numbers = #tpu.dot_dimension_numbers<[1], [0], [0], [1], [0, 0, 1, 1], [], []>, transpose_lhs_hint = false} : vector<64x6xf32>, vector<6x512xf32>, vector<64x512xf32> -> vector<64x512xf32>
    %add3A_237 = vector.broadcast %get3A_40 : vector<64x1xf32> to vector<64x512xf32>
    %add3A_238 = arith.addf %dot_general3A_236, %add3A_237 : vector<64x512xf32>
    %mul3A_239 = vector.broadcast %mul3A_20 : vector<64x1xf32> to vector<64x512xf32>
    %mul3A_240 = arith.mulf %mul3A_239, %add3A_238 : vector<64x512xf32>
    %add3A_241 = vector.broadcast %sub3A_25 : vector<64x1xf32> to vector<64x512xf32>
    %add3A_242 = arith.addf %mul3A_240, %add3A_241 : vector<64x512xf32>
    %max3A_243 = arith.constant 0.000000e+00 : f32
    %max3A_244 = vector.broadcast %max3A_243 : f32 to vector<64x512xf32>
    %max3A_245 = arith.maximumf %add3A_242, %max3A_244 : vector<64x512xf32>
    %max3A_246 = arith.maximumf %max3A_225, %max3A_245 : vector<64x512xf32>
    %add3A_247 = arith.addf %add3A_226, %max3A_245 : vector<64x512xf32>
    %get3A_248 = arith.constant 0 : index
    %get3A_249 = arith.constant 0 : index
    %get3A_250 = arith.constant 10 : index
    %get3A_251 = arith.constant 0 : index
    %get3A_252 = vector.load %arg3[%get3A_248, %get3A_249, %get3A_250, %get3A_251] : memref<1x3x20x512xf32, #tpu.memory_space<vmem>>, vector<1x3x1x512xf32>
    %get3A_253 = vector.shape_cast %get3A_252 : vector<1x3x1x512xf32> to vector<3x512xf32>
    %sub3A_254 = arith.subf %get3A_253, %get3A_34 : vector<3x512xf32>
    %concatenate3A_255 = tpu.concatenate %sub3A_254, %get3A_34 in 0 : vector<3x512xf32>, vector<3x512xf32> -> vector<6x512xf32>
    %dot_general3A_256 = arith.constant dense<0.000000e+00> : vector<64x512xf32>
    %dot_general3A_257 = tpu.matmul %get3A_37, %concatenate3A_255, %dot_general3A_256 {dimension_numbers = #tpu.dot_dimension_numbers<[1], [0], [0], [1], [0, 0, 1, 1], [], []>, transpose_lhs_hint = false} : vector<64x6xf32>, vector<6x512xf32>, vector<64x512xf32> -> vector<64x512xf32>
    %add3A_258 = vector.broadcast %get3A_40 : vector<64x1xf32> to vector<64x512xf32>
    %add3A_259 = arith.addf %dot_general3A_257, %add3A_258 : vector<64x512xf32>
    %mul3A_260 = vector.broadcast %mul3A_20 : vector<64x1xf32> to vector<64x512xf32>
    %mul3A_261 = arith.mulf %mul3A_260, %add3A_259 : vector<64x512xf32>
    %add3A_262 = vector.broadcast %sub3A_25 : vector<64x1xf32> to vector<64x512xf32>
    %add3A_263 = arith.addf %mul3A_261, %add3A_262 : vector<64x512xf32>
    %max3A_264 = arith.constant 0.000000e+00 : f32
    %max3A_265 = vector.broadcast %max3A_264 : f32 to vector<64x512xf32>
    %max3A_266 = arith.maximumf %add3A_263, %max3A_265 : vector<64x512xf32>
    %max3A_267 = arith.maximumf %max3A_246, %max3A_266 : vector<64x512xf32>
    %add3A_268 = arith.addf %add3A_247, %max3A_266 : vector<64x512xf32>
    %get3A_269 = arith.constant 0 : index
    %get3A_270 = arith.constant 0 : index
    %get3A_271 = arith.constant 11 : index
    %get3A_272 = arith.constant 0 : index
    %get3A_273 = vector.load %arg3[%get3A_269, %get3A_270, %get3A_271, %get3A_272] : memref<1x3x20x512xf32, #tpu.memory_space<vmem>>, vector<1x3x1x512xf32>
    %get3A_274 = vector.shape_cast %get3A_273 : vector<1x3x1x512xf32> to vector<3x512xf32>
    %sub3A_275 = arith.subf %get3A_274, %get3A_34 : vector<3x512xf32>
    %concatenate3A_276 = tpu.concatenate %sub3A_275, %get3A_34 in 0 : vector<3x512xf32>, vector<3x512xf32> -> vector<6x512xf32>
    %dot_general3A_277 = arith.constant dense<0.000000e+00> : vector<64x512xf32>
    %dot_general3A_278 = tpu.matmul %get3A_37, %concatenate3A_276, %dot_general3A_277 {dimension_numbers = #tpu.dot_dimension_numbers<[1], [0], [0], [1], [0, 0, 1, 1], [], []>, transpose_lhs_hint = false} : vector<64x6xf32>, vector<6x512xf32>, vector<64x512xf32> -> vector<64x512xf32>
    %add3A_279 = vector.broadcast %get3A_40 : vector<64x1xf32> to vector<64x512xf32>
    %add3A_280 = arith.addf %dot_general3A_278, %add3A_279 : vector<64x512xf32>
    %mul3A_281 = vector.broadcast %mul3A_20 : vector<64x1xf32> to vector<64x512xf32>
    %mul3A_282 = arith.mulf %mul3A_281, %add3A_280 : vector<64x512xf32>
    %add3A_283 = vector.broadcast %sub3A_25 : vector<64x1xf32> to vector<64x512xf32>
    %add3A_284 = arith.addf %mul3A_282, %add3A_283 : vector<64x512xf32>
    %max3A_285 = arith.constant 0.000000e+00 : f32
    %max3A_286 = vector.broadcast %max3A_285 : f32 to vector<64x512xf32>
    %max3A_287 = arith.maximumf %add3A_284, %max3A_286 : vector<64x512xf32>
    %max3A_288 = arith.maximumf %max3A_267, %max3A_287 : vector<64x512xf32>
    %add3A_289 = arith.addf %add3A_268, %max3A_287 : vector<64x512xf32>
    %get3A_290 = arith.constant 0 : index
    %get3A_291 = arith.constant 0 : index
    %get3A_292 = arith.constant 12 : index
    %get3A_293 = arith.constant 0 : index
    %get3A_294 = vector.load %arg3[%get3A_290, %get3A_291, %get3A_292, %get3A_293] : memref<1x3x20x512xf32, #tpu.memory_space<vmem>>, vector<1x3x1x512xf32>
    %get3A_295 = vector.shape_cast %get3A_294 : vector<1x3x1x512xf32> to vector<3x512xf32>
    %sub3A_296 = arith.subf %get3A_295, %get3A_34 : vector<3x512xf32>
    %concatenate3A_297 = tpu.concatenate %sub3A_296, %get3A_34 in 0 : vector<3x512xf32>, vector<3x512xf32> -> vector<6x512xf32>
    %dot_general3A_298 = arith.constant dense<0.000000e+00> : vector<64x512xf32>
    %dot_general3A_299 = tpu.matmul %get3A_37, %concatenate3A_297, %dot_general3A_298 {dimension_numbers = #tpu.dot_dimension_numbers<[1], [0], [0], [1], [0, 0, 1, 1], [], []>, transpose_lhs_hint = false} : vector<64x6xf32>, vector<6x512xf32>, vector<64x512xf32> -> vector<64x512xf32>
    %add3A_300 = vector.broadcast %get3A_40 : vector<64x1xf32> to vector<64x512xf32>
    %add3A_301 = arith.addf %dot_general3A_299, %add3A_300 : vector<64x512xf32>
    %mul3A_302 = vector.broadcast %mul3A_20 : vector<64x1xf32> to vector<64x512xf32>
    %mul3A_303 = arith.mulf %mul3A_302, %add3A_301 : vector<64x512xf32>
    %add3A_304 = vector.broadcast %sub3A_25 : vector<64x1xf32> to vector<64x512xf32>
    %add3A_305 = arith.addf %mul3A_303, %add3A_304 : vector<64x512xf32>
    %max3A_306 = arith.constant 0.000000e+00 : f32
    %max3A_307 = vector.broadcast %max3A_306 : f32 to vector<64x512xf32>
    %max3A_308 = arith.maximumf %add3A_305, %max3A_307 : vector<64x512xf32>
    %max3A_309 = arith.maximumf %max3A_288, %max3A_308 : vector<64x512xf32>
    %add3A_310 = arith.addf %add3A_289, %max3A_308 : vector<64x512xf32>
    %get3A_311 = arith.constant 0 : index
    %get3A_312 = arith.constant 0 : index
    %get3A_313 = arith.constant 13 : index
    %get3A_314 = arith.constant 0 : index
    %get3A_315 = vector.load %arg3[%get3A_311, %get3A_312, %get3A_313, %get3A_314] : memref<1x3x20x512xf32, #tpu.memory_space<vmem>>, vector<1x3x1x512xf32>
    %get3A_316 = vector.shape_cast %get3A_315 : vector<1x3x1x512xf32> to vector<3x512xf32>
    %sub3A_317 = arith.subf %get3A_316, %get3A_34 : vector<3x512xf32>
    %concatenate3A_318 = tpu.concatenate %sub3A_317, %get3A_34 in 0 : vector<3x512xf32>, vector<3x512xf32> -> vector<6x512xf32>
    %dot_general3A_319 = arith.constant dense<0.000000e+00> : vector<64x512xf32>
    %dot_general3A_320 = tpu.matmul %get3A_37, %concatenate3A_318, %dot_general3A_319 {dimension_numbers = #tpu.dot_dimension_numbers<[1], [0], [0], [1], [0, 0, 1, 1], [], []>, transpose_lhs_hint = false} : vector<64x6xf32>, vector<6x512xf32>, vector<64x512xf32> -> vector<64x512xf32>
    %add3A_321 = vector.broadcast %get3A_40 : vector<64x1xf32> to vector<64x512xf32>
    %add3A_322 = arith.addf %dot_general3A_320, %add3A_321 : vector<64x512xf32>
    %mul3A_323 = vector.broadcast %mul3A_20 : vector<64x1xf32> to vector<64x512xf32>
    %mul3A_324 = arith.mulf %mul3A_323, %add3A_322 : vector<64x512xf32>
    %add3A_325 = vector.broadcast %sub3A_25 : vector<64x1xf32> to vector<64x512xf32>
    %add3A_326 = arith.addf %mul3A_324, %add3A_325 : vector<64x512xf32>
    %max3A_327 = arith.constant 0.000000e+00 : f32
    %max3A_328 = vector.broadcast %max3A_327 : f32 to vector<64x512xf32>
    %max3A_329 = arith.maximumf %add3A_326, %max3A_328 : vector<64x512xf32>
    %max3A_330 = arith.maximumf %max3A_309, %max3A_329 : vector<64x512xf32>
    %add3A_331 = arith.addf %add3A_310, %max3A_329 : vector<64x512xf32>
    %get3A_332 = arith.constant 0 : index
    %get3A_333 = arith.constant 0 : index
    %get3A_334 = arith.constant 14 : index
    %get3A_335 = arith.constant 0 : index
    %get3A_336 = vector.load %arg3[%get3A_332, %get3A_333, %get3A_334, %get3A_335] : memref<1x3x20x512xf32, #tpu.memory_space<vmem>>, vector<1x3x1x512xf32>
    %get3A_337 = vector.shape_cast %get3A_336 : vector<1x3x1x512xf32> to vector<3x512xf32>
    %sub3A_338 = arith.subf %get3A_337, %get3A_34 : vector<3x512xf32>
    %concatenate3A_339 = tpu.concatenate %sub3A_338, %get3A_34 in 0 : vector<3x512xf32>, vector<3x512xf32> -> vector<6x512xf32>
    %dot_general3A_340 = arith.constant dense<0.000000e+00> : vector<64x512xf32>
    %dot_general3A_341 = tpu.matmul %get3A_37, %concatenate3A_339, %dot_general3A_340 {dimension_numbers = #tpu.dot_dimension_numbers<[1], [0], [0], [1], [0, 0, 1, 1], [], []>, transpose_lhs_hint = false} : vector<64x6xf32>, vector<6x512xf32>, vector<64x512xf32> -> vector<64x512xf32>
    %add3A_342 = vector.broadcast %get3A_40 : vector<64x1xf32> to vector<64x512xf32>
    %add3A_343 = arith.addf %dot_general3A_341, %add3A_342 : vector<64x512xf32>
    %mul3A_344 = vector.broadcast %mul3A_20 : vector<64x1xf32> to vector<64x512xf32>
    %mul3A_345 = arith.mulf %mul3A_344, %add3A_343 : vector<64x512xf32>
    %add3A_346 = vector.broadcast %sub3A_25 : vector<64x1xf32> to vector<64x512xf32>
    %add3A_347 = arith.addf %mul3A_345, %add3A_346 : vector<64x512xf32>
    %max3A_348 = arith.constant 0.000000e+00 : f32
    %max3A_349 = vector.broadcast %max3A_348 : f32 to vector<64x512xf32>
    %max3A_350 = arith.maximumf %add3A_347, %max3A_349 : vector<64x512xf32>
    %max3A_351 = arith.maximumf %max3A_330, %max3A_350 : vector<64x512xf32>
    %add3A_352 = arith.addf %add3A_331, %max3A_350 : vector<64x512xf32>
    %get3A_353 = arith.constant 0 : index
    %get3A_354 = arith.constant 0 : index
    %get3A_355 = arith.constant 15 : index
    %get3A_356 = arith.constant 0 : index
    %get3A_357 = vector.load %arg3[%get3A_353, %get3A_354, %get3A_355, %get3A_356] : memref<1x3x20x512xf32, #tpu.memory_space<vmem>>, vector<1x3x1x512xf32>
    %get3A_358 = vector.shape_cast %get3A_357 : vector<1x3x1x512xf32> to vector<3x512xf32>
    %sub3A_359 = arith.subf %get3A_358, %get3A_34 : vector<3x512xf32>
    %concatenate3A_360 = tpu.concatenate %sub3A_359, %get3A_34 in 0 : vector<3x512xf32>, vector<3x512xf32> -> vector<6x512xf32>
    %dot_general3A_361 = arith.constant dense<0.000000e+00> : vector<64x512xf32>
    %dot_general3A_362 = tpu.matmul %get3A_37, %concatenate3A_360, %dot_general3A_361 {dimension_numbers = #tpu.dot_dimension_numbers<[1], [0], [0], [1], [0, 0, 1, 1], [], []>, transpose_lhs_hint = false} : vector<64x6xf32>, vector<6x512xf32>, vector<64x512xf32> -> vector<64x512xf32>
    %add3A_363 = vector.broadcast %get3A_40 : vector<64x1xf32> to vector<64x512xf32>
    %add3A_364 = arith.addf %dot_general3A_362, %add3A_363 : vector<64x512xf32>
    %mul3A_365 = vector.broadcast %mul3A_20 : vector<64x1xf32> to vector<64x512xf32>
    %mul3A_366 = arith.mulf %mul3A_365, %add3A_364 : vector<64x512xf32>
    %add3A_367 = vector.broadcast %sub3A_25 : vector<64x1xf32> to vector<64x512xf32>
    %add3A_368 = arith.addf %mul3A_366, %add3A_367 : vector<64x512xf32>
    %max3A_369 = arith.constant 0.000000e+00 : f32
    %max3A_370 = vector.broadcast %max3A_369 : f32 to vector<64x512xf32>
    %max3A_371 = arith.maximumf %add3A_368, %max3A_370 : vector<64x512xf32>
    %max3A_372 = arith.maximumf %max3A_351, %max3A_371 : vector<64x512xf32>
    %add3A_373 = arith.addf %add3A_352, %max3A_371 : vector<64x512xf32>
    %get3A_374 = arith.constant 0 : index
    %get3A_375 = arith.constant 0 : index
    %get3A_376 = arith.constant 16 : index
    %get3A_377 = arith.constant 0 : index
    %get3A_378 = vector.load %arg3[%get3A_374, %get3A_375, %get3A_376, %get3A_377] : memref<1x3x20x512xf32, #tpu.memory_space<vmem>>, vector<1x3x1x512xf32>
    %get3A_379 = vector.shape_cast %get3A_378 : vector<1x3x1x512xf32> to vector<3x512xf32>
    %sub3A_380 = arith.subf %get3A_379, %get3A_34 : vector<3x512xf32>
    %concatenate3A_381 = tpu.concatenate %sub3A_380, %get3A_34 in 0 : vector<3x512xf32>, vector<3x512xf32> -> vector<6x512xf32>
    %dot_general3A_382 = arith.constant dense<0.000000e+00> : vector<64x512xf32>
    %dot_general3A_383 = tpu.matmul %get3A_37, %concatenate3A_381, %dot_general3A_382 {dimension_numbers = #tpu.dot_dimension_numbers<[1], [0], [0], [1], [0, 0, 1, 1], [], []>, transpose_lhs_hint = false} : vector<64x6xf32>, vector<6x512xf32>, vector<64x512xf32> -> vector<64x512xf32>
    %add3A_384 = vector.broadcast %get3A_40 : vector<64x1xf32> to vector<64x512xf32>
    %add3A_385 = arith.addf %dot_general3A_383, %add3A_384 : vector<64x512xf32>
    %mul3A_386 = vector.broadcast %mul3A_20 : vector<64x1xf32> to vector<64x512xf32>
    %mul3A_387 = arith.mulf %mul3A_386, %add3A_385 : vector<64x512xf32>
    %add3A_388 = vector.broadcast %sub3A_25 : vector<64x1xf32> to vector<64x512xf32>
    %add3A_389 = arith.addf %mul3A_387, %add3A_388 : vector<64x512xf32>
    %max3A_390 = arith.constant 0.000000e+00 : f32
    %max3A_391 = vector.broadcast %max3A_390 : f32 to vector<64x512xf32>
    %max3A_392 = arith.maximumf %add3A_389, %max3A_391 : vector<64x512xf32>
    %max3A_393 = arith.maximumf %max3A_372, %max3A_392 : vector<64x512xf32>
    %add3A_394 = arith.addf %add3A_373, %max3A_392 : vector<64x512xf32>
    %get3A_395 = arith.constant 0 : index
    %get3A_396 = arith.constant 0 : index
    %get3A_397 = arith.constant 17 : index
    %get3A_398 = arith.constant 0 : index
    %get3A_399 = vector.load %arg3[%get3A_395, %get3A_396, %get3A_397, %get3A_398] : memref<1x3x20x512xf32, #tpu.memory_space<vmem>>, vector<1x3x1x512xf32>
    %get3A_400 = vector.shape_cast %get3A_399 : vector<1x3x1x512xf32> to vector<3x512xf32>
    %sub3A_401 = arith.subf %get3A_400, %get3A_34 : vector<3x512xf32>
    %concatenate3A_402 = tpu.concatenate %sub3A_401, %get3A_34 in 0 : vector<3x512xf32>, vector<3x512xf32> -> vector<6x512xf32>
    %dot_general3A_403 = arith.constant dense<0.000000e+00> : vector<64x512xf32>
    %dot_general3A_404 = tpu.matmul %get3A_37, %concatenate3A_402, %dot_general3A_403 {dimension_numbers = #tpu.dot_dimension_numbers<[1], [0], [0], [1], [0, 0, 1, 1], [], []>, transpose_lhs_hint = false} : vector<64x6xf32>, vector<6x512xf32>, vector<64x512xf32> -> vector<64x512xf32>
    %add3A_405 = vector.broadcast %get3A_40 : vector<64x1xf32> to vector<64x512xf32>
    %add3A_406 = arith.addf %dot_general3A_404, %add3A_405 : vector<64x512xf32>
    %mul3A_407 = vector.broadcast %mul3A_20 : vector<64x1xf32> to vector<64x512xf32>
    %mul3A_408 = arith.mulf %mul3A_407, %add3A_406 : vector<64x512xf32>
    %add3A_409 = vector.broadcast %sub3A_25 : vector<64x1xf32> to vector<64x512xf32>
    %add3A_410 = arith.addf %mul3A_408, %add3A_409 : vector<64x512xf32>
    %max3A_411 = arith.constant 0.000000e+00 : f32
    %max3A_412 = vector.broadcast %max3A_411 : f32 to vector<64x512xf32>
    %max3A_413 = arith.maximumf %add3A_410, %max3A_412 : vector<64x512xf32>
    %max3A_414 = arith.maximumf %max3A_393, %max3A_413 : vector<64x512xf32>
    %add3A_415 = arith.addf %add3A_394, %max3A_413 : vector<64x512xf32>
    %get3A_416 = arith.constant 0 : index
    %get3A_417 = arith.constant 0 : index
    %get3A_418 = arith.constant 18 : index
    %get3A_419 = arith.constant 0 : index
    %get3A_420 = vector.load %arg3[%get3A_416, %get3A_417, %get3A_418, %get3A_419] : memref<1x3x20x512xf32, #tpu.memory_space<vmem>>, vector<1x3x1x512xf32>
    %get3A_421 = vector.shape_cast %get3A_420 : vector<1x3x1x512xf32> to vector<3x512xf32>
    %sub3A_422 = arith.subf %get3A_421, %get3A_34 : vector<3x512xf32>
    %concatenate3A_423 = tpu.concatenate %sub3A_422, %get3A_34 in 0 : vector<3x512xf32>, vector<3x512xf32> -> vector<6x512xf32>
    %dot_general3A_424 = arith.constant dense<0.000000e+00> : vector<64x512xf32>
    %dot_general3A_425 = tpu.matmul %get3A_37, %concatenate3A_423, %dot_general3A_424 {dimension_numbers = #tpu.dot_dimension_numbers<[1], [0], [0], [1], [0, 0, 1, 1], [], []>, transpose_lhs_hint = false} : vector<64x6xf32>, vector<6x512xf32>, vector<64x512xf32> -> vector<64x512xf32>
    %add3A_426 = vector.broadcast %get3A_40 : vector<64x1xf32> to vector<64x512xf32>
    %add3A_427 = arith.addf %dot_general3A_425, %add3A_426 : vector<64x512xf32>
    %mul3A_428 = vector.broadcast %mul3A_20 : vector<64x1xf32> to vector<64x512xf32>
    %mul3A_429 = arith.mulf %mul3A_428, %add3A_427 : vector<64x512xf32>
    %add3A_430 = vector.broadcast %sub3A_25 : vector<64x1xf32> to vector<64x512xf32>
    %add3A_431 = arith.addf %mul3A_429, %add3A_430 : vector<64x512xf32>
    %max3A_432 = arith.constant 0.000000e+00 : f32
    %max3A_433 = vector.broadcast %max3A_432 : f32 to vector<64x512xf32>
    %max3A_434 = arith.maximumf %add3A_431, %max3A_433 : vector<64x512xf32>
    %max3A_435 = arith.maximumf %max3A_414, %max3A_434 : vector<64x512xf32>
    %add3A_436 = arith.addf %add3A_415, %max3A_434 : vector<64x512xf32>
    %get3A_437 = arith.constant 0 : index
    %get3A_438 = arith.constant 0 : index
    %get3A_439 = arith.constant 19 : index
    %get3A_440 = arith.constant 0 : index
    %get3A_441 = vector.load %arg3[%get3A_437, %get3A_438, %get3A_439, %get3A_440] : memref<1x3x20x512xf32, #tpu.memory_space<vmem>>, vector<1x3x1x512xf32>
    %get3A_442 = vector.shape_cast %get3A_441 : vector<1x3x1x512xf32> to vector<3x512xf32>
    %sub3A_443 = arith.subf %get3A_442, %get3A_34 : vector<3x512xf32>
    %concatenate3A_444 = tpu.concatenate %sub3A_443, %get3A_34 in 0 : vector<3x512xf32>, vector<3x512xf32> -> vector<6x512xf32>
    %dot_general3A_445 = arith.constant dense<0.000000e+00> : vector<64x512xf32>
    %dot_general3A_446 = tpu.matmul %get3A_37, %concatenate3A_444, %dot_general3A_445 {dimension_numbers = #tpu.dot_dimension_numbers<[1], [0], [0], [1], [0, 0, 1, 1], [], []>, transpose_lhs_hint = false} : vector<64x6xf32>, vector<6x512xf32>, vector<64x512xf32> -> vector<64x512xf32>
    %add3A_447 = vector.broadcast %get3A_40 : vector<64x1xf32> to vector<64x512xf32>
    %add3A_448 = arith.addf %dot_general3A_446, %add3A_447 : vector<64x512xf32>
    %mul3A_449 = vector.broadcast %mul3A_20 : vector<64x1xf32> to vector<64x512xf32>
    %mul3A_450 = arith.mulf %mul3A_449, %add3A_448 : vector<64x512xf32>
    %add3A_451 = vector.broadcast %sub3A_25 : vector<64x1xf32> to vector<64x512xf32>
    %add3A_452 = arith.addf %mul3A_450, %add3A_451 : vector<64x512xf32>
    %max3A_453 = arith.constant 0.000000e+00 : f32
    %max3A_454 = vector.broadcast %max3A_453 : f32 to vector<64x512xf32>
    %max3A_455 = arith.maximumf %add3A_452, %max3A_454 : vector<64x512xf32>
    %max3A_456 = arith.maximumf %max3A_435, %max3A_455 : vector<64x512xf32>
    %add3A_457 = arith.addf %add3A_436, %max3A_455 : vector<64x512xf32>
    %div3A = arith.constant 2.000000e+01 : f32
    %div3A_458 = vector.broadcast %div3A : f32 to vector<64x512xf32>
    %div3A_459 = arith.divf %add3A_457, %div3A_458 : vector<64x512xf32>
    %swap3A = arith.constant 0 : index
    %swap3A_460 = arith.constant 0 : index
    %swap3A_461 = arith.constant 0 : index
    %swap3A_462 = vector.load %arg12[%swap3A, %swap3A_460, %swap3A_461] : memref<1x64x512xf32, #tpu.memory_space<vmem>>, vector<1x64x512xf32>
    %swap3A_463 = vector.shape_cast %swap3A_462 : vector<1x64x512xf32> to vector<64x512xf32>
    %swap3A_464 = vector.shape_cast %max3A_456 : vector<64x512xf32> to vector<1x64x512xf32>
    tpu.vector_store %arg12[%swap3A, %swap3A_460, %swap3A_461], %swap3A_464 {strides = array<i32>} : memref<1x64x512xf32, #tpu.memory_space<vmem>>, vector<1x64x512xf32>,
    %swap3A_465 = arith.constant 0 : index
    %swap3A_466 = arith.constant 0 : index
    %swap3A_467 = arith.constant 0 : index
    %swap3A_468 = vector.load %arg13[%swap3A_465, %swap3A_466, %swap3A_467] : memref<1x64x512xf32, #tpu.memory_space<vmem>>, vector<1x64x512xf32>
    %swap3A_469 = vector.shape_cast %swap3A_468 : vector<1x64x512xf32> to vector<64x512xf32>
    %swap3A_470 = vector.shape_cast %div3A_459 : vector<64x512xf32> to vector<1x64x512xf32>
    tpu.vector_store %arg13[%swap3A_465, %swap3A_466, %swap3A_467], %swap3A_470 {strides = array<i32>} : memref<1x64x512xf32, #tpu.memory_space<vmem>>, vector<1x64x512xf32>,
    %concatenate3A_471 = tpu.concatenate %max3A_456, %div3A_459 in 0 : vector<64x512xf32>, vector<64x512xf32> -> vector<128x512xf32>
    %get3A_472 = arith.constant 0 : index
    %get3A_473 = arith.constant 0 : index
    %get3A_474 = vector.load %arg10[%get3A_472, %get3A_473] : memref<64x128xf32, #tpu.memory_space<vmem>>, vector<64x128xf32>
    %dot_general3A_475 = arith.constant dense<0.000000e+00> : vector<64x512xf32>
    %dot_general3A_476 = tpu.matmul %get3A_474, %concatenate3A_471, %dot_general3A_475 {dimension_numbers = #tpu.dot_dimension_numbers<[1], [0], [0], [1], [0, 0, 1, 1], [], []>, transpose_lhs_hint = false} : vector<64x128xf32>, vector<128x512xf32>, vector<64x512xf32> -> vector<64x512xf32>
    %get3A_477 = arith.constant 0 : index
    %get3A_478 = arith.constant 0 : index
    %get3A_479 = vector.load %arg11[%get3A_477, %get3A_478] : memref<64x1xf32, #tpu.memory_space<vmem>>, vector<64x1xf32>
    %add3A_480 = vector.broadcast %get3A_479 : vector<64x1xf32> to vector<64x512xf32>
    %add3A_481 = arith.addf %dot_general3A_476, %add3A_480 : vector<64x512xf32>
    %swap3A_482 = arith.constant 0 : index
    %swap3A_483 = arith.constant 0 : index
    %swap3A_484 = arith.constant 0 : index
    %swap3A_485 = vector.load %arg14[%swap3A_482, %swap3A_483, %swap3A_484] : memref<1x64x512xf32, #tpu.memory_space<vmem>>, vector<1x64x512xf32>
    %swap3A_486 = vector.shape_cast %swap3A_485 : vector<1x64x512xf32> to vector<64x512xf32>
    %swap3A_487 = vector.shape_cast %add3A_481 : vector<64x512xf32> to vector<1x64x512xf32>
    tpu.vector_store %arg14[%swap3A_482, %swap3A_483, %swap3A_484], %swap3A_487 {strides = array<i32>} : memref<1x64x512xf32, #tpu.memory_space<vmem>>, vector<1x64x512xf32>,
    %eq3A = arith.constant 0 : i32
    %eq3A_488 = arith.cmpi eq, %arg0, %eq3A : i32
    %eq3A_489 = arith.constant 0 : i32
    %eq3A_490 = arith.cmpi eq, %arg1, %eq3A_489 : i32
    %and3A = arith.andi %eq3A_488, %eq3A_490 : i1
    %convert_element_type3A = arith.extui %and3A : i1 to i32
    %cond3A = arith.constant 0 : i32
    %cond3A_491 = arith.cmpi ne, %convert_element_type3A, %cond3A : i32
    scf.if %cond3A_491 {
      %broadcast_in_dim3A_507 = arith.constant 0.000000e+00 : f32
      %broadcast_in_dim3A_508 = vector.broadcast %broadcast_in_dim3A_507 : f32 to vector<64x512xf32>
      %swap3A_509 = arith.constant 0 : index
      %swap3A_510 = arith.constant 0 : index
      %swap3A_511 = vector.load %arg15[%swap3A_509, %swap3A_510] : memref<64x512xf32, #tpu.memory_space<vmem>>, vector<64x512xf32>
      tpu.vector_store %arg15[%swap3A_509, %swap3A_510], %broadcast_in_dim3A_508 {strides = array<i32>} : memref<64x512xf32, #tpu.memory_space<vmem>>, vector<64x512xf32>,
      %broadcast_in_dim3A_512 = arith.constant 0.000000e+00 : f32
      %broadcast_in_dim3A_513 = vector.broadcast %broadcast_in_dim3A_512 : f32 to vector<64x512xf32>
      %swap3A_514 = arith.constant 0 : index
      %swap3A_515 = arith.constant 0 : index
      %swap3A_516 = vector.load %arg16[%swap3A_514, %swap3A_515] : memref<64x512xf32, #tpu.memory_space<vmem>>, vector<64x512xf32>
      tpu.vector_store %arg16[%swap3A_514, %swap3A_515], %broadcast_in_dim3A_513 {strides = array<i32>} : memref<64x512xf32, #tpu.memory_space<vmem>>, vector<64x512xf32>,
    } else {
    }
    %get3A_492 = arith.constant 0 : index
    %get3A_493 = arith.constant 0 : index
    %get3A_494 = vector.load %arg15[%get3A_492, %get3A_493] : memref<64x512xf32, #tpu.memory_space<vmem>>, vector<64x512xf32>
    %add3A_495 = arith.addf %get3A_494, %add3A_481 : vector<64x512xf32>
    %swap3A_496 = arith.constant 0 : index
    %swap3A_497 = arith.constant 0 : index
    %swap3A_498 = vector.load %arg15[%swap3A_496, %swap3A_497] : memref<64x512xf32, #tpu.memory_space<vmem>>, vector<64x512xf32>
    tpu.vector_store %arg15[%swap3A_496, %swap3A_497], %add3A_495 {strides = array<i32>} : memref<64x512xf32, #tpu.memory_space<vmem>>, vector<64x512xf32>,
    %get3A_499 = arith.constant 0 : index
    %get3A_500 = arith.constant 0 : index
    %get3A_501 = vector.load %arg16[%get3A_499, %get3A_500] : memref<64x512xf32, #tpu.memory_space<vmem>>, vector<64x512xf32>
    %mul3A_502 = arith.mulf %add3A_481, %add3A_481 : vector<64x512xf32>
    %add3A_503 = arith.addf %get3A_501, %mul3A_502 : vector<64x512xf32>
    %swap3A_504 = arith.constant 0 : index
    %swap3A_505 = arith.constant 0 : index
    %swap3A_506 = vector.load %arg16[%swap3A_504, %swap3A_505] : memref<64x512xf32, #tpu.memory_space<vmem>>, vector<64x512xf32>
    tpu.vector_store %arg16[%swap3A_504, %swap3A_505], %add3A_503 {strides = array<i32>} : memref<64x512xf32, #tpu.memory_space<vmem>>, vector<64x512xf32>,
    return
  }
  func.func @transform_0(%arg0: i32, %arg1: i32) -> (i32, i32, i32) {
    %c0_i32 = arith.constant 0 : i32
    %c0_i32_0 = arith.constant 0 : i32
    return %arg0, %c0_i32, %arg1 : i32, i32, i32
  }
  func.func @transform_1(%arg0: i32, %arg1: i32) -> (i32, i32, i32, i32) {
    %c0_i32 = arith.constant 0 : i32
    %c0_i32_0 = arith.constant 0 : i32
    %c0_i32_1 = arith.constant 0 : i32
    return %arg0, %c0_i32, %c0_i32_0, %arg1 : i32, i32, i32, i32
  }
  func.func @transform_2(%arg0: i32, %arg1: i32) -> (i32, i32) {
    %c0_i32 = arith.constant 0 : i32
    %c0_i32_0 = arith.constant 0 : i32
    %c0_i32_1 = arith.constant 0 : i32
    return %c0_i32, %c0_i32_0 : i32, i32
  }
  func.func @transform_3(%arg0: i32, %arg1: i32) -> (i32, i32) {
    %c0_i32 = arith.constant 0 : i32
    %c0_i32_0 = arith.constant 0 : i32
    %c0_i32_1 = arith.constant 0 : i32
    return %c0_i32, %c0_i32_0 : i32, i32
  }
  func.func @transform_4(%arg0: i32, %arg1: i32) -> (i32, i32) {
    %c0_i32 = arith.constant 0 : i32
    %c0_i32_0 = arith.constant 0 : i32
    %c0_i32_1 = arith.constant 0 : i32
    return %c0_i32, %c0_i32_0 : i32, i32
  }
  func.func @transform_5(%arg0: i32, %arg1: i32) -> (i32, i32) {
    %c0_i32 = arith.constant 0 : i32
    %c0_i32_0 = arith.constant 0 : i32
    %c0_i32_1 = arith.constant 0 : i32
    return %c0_i32, %c0_i32_0 : i32, i32
  }
  func.func @transform_6(%arg0: i32, %arg1: i32) -> (i32, i32) {
    %c0_i32 = arith.constant 0 : i32
    %c0_i32_0 = arith.constant 0 : i32
    %c0_i32_1 = arith.constant 0 : i32
    return %c0_i32, %c0_i32_0 : i32, i32
  }
  func.func @transform_7(%arg0: i32, %arg1: i32) -> (i32, i32) {
    %c0_i32 = arith.constant 0 : i32
    %c0_i32_0 = arith.constant 0 : i32
    %c0_i32_1 = arith.constant 0 : i32
    return %c0_i32, %c0_i32_0 : i32, i32
  }
  func.func @transform_8(%arg0: i32, %arg1: i32) -> (i32, i32) {
    %c0_i32 = arith.constant 0 : i32
    %c0_i32_0 = arith.constant 0 : i32
    %c0_i32_1 = arith.constant 0 : i32
    return %c0_i32, %c0_i32_0 : i32, i32
  }
  func.func @transform_9(%arg0: i32, %arg1: i32) -> (i32, i32) {
    %c0_i32 = arith.constant 0 : i32
    %c0_i32_0 = arith.constant 0 : i32
    %c0_i32_1 = arith.constant 0 : i32
    return %c0_i32, %c0_i32_0 : i32, i32
  }
  func.func @transform_10(%arg0: i32, %arg1: i32) -> (i32, i32, i32) {
    %c0_i32 = arith.constant 0 : i32
    %c0_i32_0 = arith.constant 0 : i32
    return %arg0, %c0_i32, %arg1 : i32, i32, i32
  }
  func.func @transform_11(%arg0: i32, %arg1: i32) -> (i32, i32, i32) {
    %c0_i32 = arith.constant 0 : i32
    %c0_i32_0 = arith.constant 0 : i32
    return %arg0, %c0_i32, %arg1 : i32, i32, i32
  }
  func.func @transform_12(%arg0: i32, %arg1: i32) -> (i32, i32, i32) {
    %c0_i32 = arith.constant 0 : i32
    %c0_i32_0 = arith.constant 0 : i32
    return %arg0, %c0_i32, %arg1 : i32, i32, i32
  }
  func.func @transform_13(%arg0: i32, %arg1: i32) -> (i32, i32) {
    %c0_i32 = arith.constant 0 : i32
    %c0_i32_0 = arith.constant 0 : i32
    %c0_i32_1 = arith.constant 0 : i32
    return %c0_i32, %c0_i32_0 : i32, i32
  }
  func.func @transform_14(%arg0: i32, %arg1: i32) -> (i32, i32) {
    %c0_i32 = arith.constant 0 : i32
    %c0_i32_0 = arith.constant 0 : i32
    %c0_i32_1 = arith.constant 0 : i32
    return %c0_i32, %c0_i32_0 : i32, i32
  }
}

module attributes {stable_mosaic.version = 14 : i64} {
  func.func @_out_body(%arg0: i32, %arg1: i32, %arg2: memref<1x64x512xf32, #tpu.memory_space<vmem>>, %arg3: memref<64x512xf32, #tpu.memory_space<vmem>>, %arg4: memref<64x512xf32, #tpu.memory_space<vmem>>, %arg5: memref<64x1xf32, #tpu.memory_space<vmem>>, %arg6: memref<64x1xf32, #tpu.memory_space<vmem>>, %arg7: memref<1x64x512xf32, #tpu.memory_space<vmem>>) attributes {dimension_semantics = [#tpu.dimension_semantics<arbitrary>, #tpu.dimension_semantics<arbitrary>], iteration_bounds = array<i64: 4, 8>, scalar_prefetch = 0 : i64, scratch_operands = 0 : i64, tpu.core_type = #tpu.core_type<tc>, window_params = [{transform_indices = @transform_0, window_bounds = array<i64: 1, 64, 512>}, {pipeline_mode = #tpu.pipeline_mode<synchronous>, transform_indices = @transform_1, window_bounds = array<i64: 64, 512>}, {pipeline_mode = #tpu.pipeline_mode<synchronous>, transform_indices = @transform_2, window_bounds = array<i64: 64, 512>}, {pipeline_mode = #tpu.pipeline_mode<synchronous>, transform_indices = @transform_3, window_bounds = array<i64: 64, 1>}, {pipeline_mode = #tpu.pipeline_mode<synchronous>, transform_indices = @transform_4, window_bounds = array<i64: 64, 1>}, {transform_indices = @transform_5, window_bounds = array<i64: 1, 64, 512>}]} {
    %get3A = arith.constant 0 : index
    %get3A_0 = arith.constant 0 : index
    %get3A_1 = vector.load %arg3[%get3A, %get3A_0] : memref<64x512xf32, #tpu.memory_space<vmem>>, vector<64x512xf32>
    %reduce_sum3A = arith.constant dense<0.000000e+00> : vector<64xf32>
    %reduce_sum3A_2 = vector.multi_reduction <add>, %get3A_1, %reduce_sum3A [1] : vector<64x512xf32> to vector<64xf32>
    %broadcast_in_dim3A = vector.shape_cast %reduce_sum3A_2 : vector<64xf32> to vector<64x1xf32>
    %mul3A = arith.constant 6.10351563E-5 : f32
    %mul3A_3 = vector.broadcast %mul3A : f32 to vector<64x1xf32>
    %mul3A_4 = arith.mulf %broadcast_in_dim3A, %mul3A_3 : vector<64x1xf32>
    %get3A_5 = arith.constant 0 : index
    %get3A_6 = arith.constant 0 : index
    %get3A_7 = vector.load %arg4[%get3A_5, %get3A_6] : memref<64x512xf32, #tpu.memory_space<vmem>>, vector<64x512xf32>
    %reduce_sum3A_8 = arith.constant dense<0.000000e+00> : vector<64xf32>
    %reduce_sum3A_9 = vector.multi_reduction <add>, %get3A_7, %reduce_sum3A_8 [1] : vector<64x512xf32> to vector<64xf32>
    %broadcast_in_dim3A_10 = vector.shape_cast %reduce_sum3A_9 : vector<64xf32> to vector<64x1xf32>
    %mul3A_11 = arith.constant 6.10351563E-5 : f32
    %mul3A_12 = vector.broadcast %mul3A_11 : f32 to vector<64x1xf32>
    %mul3A_13 = arith.mulf %broadcast_in_dim3A_10, %mul3A_12 : vector<64x1xf32>
    %mul3A_14 = arith.mulf %mul3A_4, %mul3A_4 : vector<64x1xf32>
    %sub3A = arith.subf %mul3A_13, %mul3A_14 : vector<64x1xf32>
    %add3A = arith.constant 9.99999974E-6 : f32
    %add3A_15 = vector.broadcast %add3A : f32 to vector<64x1xf32>
    %add3A_16 = arith.addf %sub3A, %add3A_15 : vector<64x1xf32>
    %rsqrt3A = math.rsqrt %add3A_16 : vector<64x1xf32>
    %get3A_17 = arith.constant 0 : index
    %get3A_18 = arith.constant 0 : index
    %get3A_19 = vector.load %arg5[%get3A_17, %get3A_18] : memref<64x1xf32, #tpu.memory_space<vmem>>, vector<64x1xf32>
    %mul3A_20 = arith.mulf %get3A_19, %rsqrt3A : vector<64x1xf32>
    %get3A_21 = arith.constant 0 : index
    %get3A_22 = arith.constant 0 : index
    %get3A_23 = vector.load %arg6[%get3A_21, %get3A_22] : memref<64x1xf32, #tpu.memory_space<vmem>>, vector<64x1xf32>
    %mul3A_24 = arith.mulf %mul3A_4, %mul3A_20 : vector<64x1xf32>
    %sub3A_25 = arith.subf %get3A_23, %mul3A_24 : vector<64x1xf32>
    %get3A_26 = arith.constant 0 : index
    %get3A_27 = arith.constant 0 : index
    %get3A_28 = arith.constant 0 : index
    %get3A_29 = vector.load %arg2[%get3A_26, %get3A_27, %get3A_28] : memref<1x64x512xf32, #tpu.memory_space<vmem>>, vector<1x64x512xf32>
    %get3A_30 = vector.shape_cast %get3A_29 : vector<1x64x512xf32> to vector<64x512xf32>
    %mul3A_31 = vector.broadcast %mul3A_20 : vector<64x1xf32> to vector<64x512xf32>
    %mul3A_32 = arith.mulf %mul3A_31, %get3A_30 : vector<64x512xf32>
    %add3A_33 = vector.broadcast %sub3A_25 : vector<64x1xf32> to vector<64x512xf32>
    %add3A_34 = arith.addf %mul3A_32, %add3A_33 : vector<64x512xf32>
    %max3A = arith.constant 0.000000e+00 : f32
    %max3A_35 = vector.broadcast %max3A : f32 to vector<64x512xf32>
    %max3A_36 = arith.maximumf %add3A_34, %max3A_35 : vector<64x512xf32>
    %swap3A = arith.constant 0 : index
    %swap3A_37 = arith.constant 0 : index
    %swap3A_38 = arith.constant 0 : index
    %swap3A_39 = vector.load %arg7[%swap3A, %swap3A_37, %swap3A_38] : memref<1x64x512xf32, #tpu.memory_space<vmem>>, vector<1x64x512xf32>
    %swap3A_40 = vector.shape_cast %swap3A_39 : vector<1x64x512xf32> to vector<64x512xf32>
    %swap3A_41 = vector.shape_cast %max3A_36 : vector<64x512xf32> to vector<1x64x512xf32>
    tpu.vector_store %arg7[%swap3A, %swap3A_37, %swap3A_38], %swap3A_41 {strides = array<i32>} : memref<1x64x512xf32, #tpu.memory_space<vmem>>, vector<1x64x512xf32>,
    return
  }
  func.func @transform_0(%arg0: i32, %arg1: i32) -> (i32, i32, i32) {
    %c0_i32 = arith.constant 0 : i32
    %c0_i32_0 = arith.constant 0 : i32
    return %arg0, %c0_i32, %arg1 : i32, i32, i32
  }
  func.func @transform_1(%arg0: i32, %arg1: i32) -> (i32, i32) {
    %c0_i32 = arith.constant 0 : i32
    %c0_i32_0 = arith.constant 0 : i32
    %c0_i32_1 = arith.constant 0 : i32
    return %c0_i32, %c0_i32_0 : i32, i32
  }
  func.func @transform_2(%arg0: i32, %arg1: i32) -> (i32, i32) {
    %c0_i32 = arith.constant 0 : i32
    %c0_i32_0 = arith.constant 0 : i32
    %c0_i32_1 = arith.constant 0 : i32
    return %c0_i32, %c0_i32_0 : i32, i32
  }
  func.func @transform_3(%arg0: i32, %arg1: i32) -> (i32, i32) {
    %c0_i32 = arith.constant 0 : i32
    %c0_i32_0 = arith.constant 0 : i32
    %c0_i32_1 = arith.constant 0 : i32
    return %c0_i32, %c0_i32_0 : i32, i32
  }
  func.func @transform_4(%arg0: i32, %arg1: i32) -> (i32, i32) {
    %c0_i32 = arith.constant 0 : i32
    %c0_i32_0 = arith.constant 0 : i32
    %c0_i32_1 = arith.constant 0 : i32
    return %c0_i32, %c0_i32_0 : i32, i32
  }
  func.func @transform_5(%arg0: i32, %arg1: i32) -> (i32, i32, i32) {
    %c0_i32 = arith.constant 0 : i32
    %c0_i32_0 = arith.constant 0 : i32
    return %arg0, %c0_i32, %arg1 : i32, i32, i32
  }
}

</mosaic_0001>

<sc_bundles>
// kernel: kernel.7.cloned.1.call-start
scs
__scs_entry_jumppad:
0x0: {  	(pc) =	sbr.rel $0x88, $3  }
0x1: {  	(tag) =	ssettag $0x0;
	lr =	simm.s32 $0x1  }
0x2: {  	[smem:$0x3F98] =	sst lr;
	_ =	strace $0xD0000000  }
0x3: {  	_ = 	snop  }
0x4: {  	_ = 	snop  }
0x5: {  	_ = 	snop  }
0x6: {  	_ = 	snop  }
0x7: {  	_ = 	snop  }
__scs_overlays_trampoline_lowered:
0x8: {  	[smem:$0x3FA7] =	sst s0  }
0x9: {  	[smem:$0x3FA8] =	sst s1  }
0xa: {  	[smem:$0x3FA9] =	sst s2  }
0xb: {  	[smem:$0x3FAA] =	sst s3  }
0xc: {  	[smem:$0x3FAB] =	sst s4  }
0xd: {  	[smem:$0x3FAC] =	sst s5  }
0xe: {  	[smem:$0x3FAD] =	sst s6  }
0xf: {  	[smem:$0x3FAE] =	sst s7  }
0x10: {  	[smem:$0x3FAF] =	sst s8  }
0x11: {  	[smem:$0x3FB0] =	sst s9;
	s0 =	simm.s32 @!p0 $0x0  }
0x12: {  	s1 =	sld [smem:$0x3F96];
	s0 =	simm.s32 @p0 $0x1  }
0x13: {  	[smem:$0x3FB1] =	sst s0;
	s0 =	simm.s32 @!p1 $0x0  }
0x14: {  	s2 =	sld [smem:$0x3F95];
	s0 =	simm.s32 @p1 $0x1  }
0x15: {  	[smem:$0x3FB2] =	sst s0;
	s0 =	simm.s32 @!p2 $0x0  }
0x16: {  	s3 =	sld [smem:$0x3FDB];
	s0 =	simm.s32 @p2 $0x1  }
0x17: {  	s4 =	simm.s32 $0x1BF5;
	[smem:$0x3FB4] =	sst s0  }
0x18: {  	s0 =	sld [smem:$0x3F97];
	_ =	swait.ge [sflag:s4], $0x0  }
0x19: {  	s7 =	sld [smem:$0x3F98]  }
0x1a: {  	s8 =	sadd.s32 $0xFFFFE003, lr  }
0x1b: {  	s9 =	sadd.s32 $0xFFFFFEF7, lr;
	s5 =	simm.s32 $0xFFFFFFFF;
	p2 =	slt.u32 s8, $0xFFFFF086  }
0x1c: {  	p1 =	slt.u32 s9, $0xF7A;
	s5 =	simm.s32 @!p2 $0x0  }
0x1d: {  	s5 =	simm.s32 @p1 $0x1;
	p0 =	seq.s32 s7, s2  }
0x1e: {  	s7 =	smul.u32 @!p0 $0xF7A, s2;
	p2 =	seq.s32 @!p0 s5, $0x0  }
0x1f: {  	s9 =	smul.u32 $0xF7A, s1;
	s8 =	simm.s32 @!p0 $0x1BF5;
	p2 =	por !p2, p0  }
0x20: {  	[sflag:s8] =	ssyncset.s32 @!p0 $0xFFFFF086;
	s6 =	sadd.s32 @!p0 s3, s7;
	s7 =	simm.s32 @!p0 $0x108  }
0x21: {  	s3 =	sadd.s32 s3, s9;
	s6 =	sadd.s32 @!p0 $0x88, s6;
	s7 =	simm.s32 @p2 $0x1082  }
0x22: {  	[simem:s7], [sflag:s8] =	dma.local @!p0 [hbm:s6], $0xF7A  }
0x23: {  	s9 =	sor.u32 $0xD0000000, s2;
	s6 =	simm.s32 $0x108;
	_ =	swait.ge @!p0 [sflag:s8], $0x0  }
0x24: {  	s3 =	sadd.s32 $0x88, s3;
	s6 =	simm.s32 @!p1 $0x1082;
	[sflag:s4] =	ssyncset.s32 $0xFFFFF086  }
0x25: {  	[simem:s6], [sflag:s4] =	dma.local [hbm:s3], $0xF7A  }
0x26: {  	[smem:$0x3F98] =	sst s1;
	(tag) =	ssettag s2;
	_ =	strace s9  }
0x27: {  	s1 =	sld [smem:$0x3FA8]  }
0x28: {  	s2 =	sld [smem:$0x3FA9]  }
0x29: {  	s4 =	sld [smem:$0x3FAB]  }
0x2a: {  	p0 =	seq.s32 s5, $0x0;
	s5 =	sld [smem:$0x3FAC]  }
0x2b: {  	s6 =	sld [smem:$0x3FAD]  }
0x2c: {  	s7 =	sld [smem:$0x3FAE]  }
0x2d: {  	s3 =	simm.s32 $0x108;
	s8 =	sld [smem:$0x3FAF]  }
0x2e: {  	s3 =	simm.s32 @!p0 $0x1082;
	s9 =	sld [smem:$0x3FB0]  }
0x2f: {  	lr =	sadd.s32 s0, s3;
	s0 =	sld [smem:$0x3FA7]  }
0x30: {  	s3 =	sld [smem:$0x3FAA]  }
0x31: {  	[smem:$0x3FB3] =	sst s10  }
0x32: {  	s10 =	sld [smem:$0x3FB1];
	_ =	sdelay $0x3  }
0x33: {  	p0 =	seq.s32 s10, $0x1;
	s10 =	sld [smem:$0x3FB3];
	_ =	sdelay $0x3  }
0x34: {  	[smem:$0x3FB3] =	sst s10  }
0x35: {  	s10 =	sld [smem:$0x3FB2];
	_ =	sdelay $0x3  }
0x36: {  	p1 =	seq.s32 s10, $0x1;
	s10 =	sld [smem:$0x3FB3];
	_ =	sdelay $0x3  }
0x37: {  	[smem:$0x3FB3] =	sst s10  }
0x38: {  	s10 =	sld [smem:$0x3FB4]  }
0x39: {  	_ = 	snop;
	(pc) =	sbr.ind lr, $3  }
0x3a: {  	_ = 	snop  }
0x3b: {  	_ = 	snop  }
0x3c: {  	p2 =	seq.s32 s10, $0x1;
	s10 =	sld [smem:$0x3FB3]  }
0x3d: {  	_ =	shalt  }
0x3e: {  	_ =	shalt  }
0x3f: {  	_ =	shalt  }
0x40: {  	_ =	shalt  }
0x41: {  	_ =	shalt  }
0x42: {  	_ =	shalt  }
0x43: {  	_ =	shalt  }
0x44: {  	_ =	shalt  }
0x45: {  	_ =	shalt  }
0x46: {  	_ =	shalt  }
0x47: {  	_ =	shalt  }
0x48: {  	_ =	shalt  }
0x49: {  	_ =	shalt  }
0x4a: {  	_ =	shalt  }
0x4b: {  	_ =	shalt  }
0x4c: {  	_ =	shalt  }
0x4d: {  	_ =	shalt  }
0x4e: {  	_ =	shalt  }
0x4f: {  	_ =	shalt  }
0x50: {  	_ =	shalt  }
0x51: {  	_ =	shalt  }
0x52: {  	_ =	shalt  }
0x53: {  	_ =	shalt  }
0x54: {  	_ =	shalt  }
0x55: {  	_ =	shalt  }
0x56: {  	_ =	shalt  }
0x57: {  	_ =	shalt  }
0x58: {  	_ =	shalt  }
0x59: {  	_ =	shalt  }
0x5a: {  	_ =	shalt  }
0x5b: {  	_ =	shalt  }
0x5c: {  	_ =	shalt  }
0x5d: {  	_ =	shalt  }
0x5e: {  	_ =	shalt  }
0x5f: {  	_ =	shalt  }
0x60: {  	_ =	shalt  }
0x61: {  	_ =	shalt  }
0x62: {  	_ =	shalt  }
0x63: {  	_ =	shalt  }
0x64: {  	_ =	shalt  }
0x65: {  	_ =	shalt  }
0x66: {  	_ =	shalt  }
0x67: {  	_ =	shalt  }
0x68: {  	_ =	shalt  }
0x69: {  	_ =	shalt  }
0x6a: {  	_ =	shalt  }
0x6b: {  	_ =	shalt  }
0x6c: {  	_ =	shalt  }
0x6d: {  	_ =	shalt  }
0x6e: {  	_ =	shalt  }
0x6f: {  	_ =	shalt  }
0x70: {  	_ =	shalt  }
0x71: {  	_ =	shalt  }
0x72: {  	_ =	shalt  }
0x73: {  	_ =	shalt  }
0x74: {  	_ =	shalt  }
0x75: {  	_ =	shalt  }
0x76: {  	_ =	shalt  }
0x77: {  	_ =	shalt  }
0x78: {  	_ =	shalt  }
0x79: {  	_ =	shalt  }
0x7a: {  	_ =	shalt  }
0x7b: {  	_ =	shalt  }
0x7c: {  	_ =	shalt  }
0x7d: {  	_ =	shalt  }
0x7e: {  	_ =	shalt  }
0x7f: {  	_ =	shalt  }
0x80: {  	_ =	shalt  }
0x81: {  	_ =	shalt  }
0x82: {  	_ =	shalt  }
0x83: {  	_ =	shalt  }
0x84: {  	_ =	shalt  }
0x85: {  	_ =	shalt  }
0x86: {  	_ =	shalt  }
0x87: {  	_ =	shalt  }
.Lfunc_end0:
.L_simem_size_0:
called_computation_lowered:
.L_overlay_start_0:
0x88: {  	s2 =	sld [smem:$0x3FD9]  }
0x89: {  	s3 =	sld [smem:$0x3FFE];
	_ =	sdelay $0x1  }
0x8a: {  	s1 =	srdreg.scid  }
0x8b: {  	s0 =	sand.u32 $0x1, s1  }
0x8c: {  	s14 =	sshll.u32 s0, $0xA;
	s2 =	sadd.s32 s3, s2  }
0x8d: {  	s2 =	sadd.s32 s2, s14  }
0x8e: {  	[smem:$0x3FBF] =	sst s2  }
0x8f: {  	_ = 	snop  }
0x90: {  	s2 =	sld [smem:$0x3FD0];
	_ =	sdelay $0x2  }
0x91: {  	s4 =	simm.s32 $0xA;
	s5 =	simm.s32 $0x10;
	s15 =	sld [smem:$0x3FC9]  }
0x92: {  	[smem:s5], [sflag:s4] =	dma.local [hbm:s2], $0x1  }
0x93: {  	_ =	swait.eq [sflag:s4], $0x1  }
0x94: {  	[sflag:s4] =	ssyncset.done $0x0  }
0x95: {  	[sflag:s4] =	ssyncadd.s32 $0xFFFFFFFF  }
0x96: {  	s16 =	sld [smem:$0x12];
	(tm) =	ssettm $0x1  }
0x97: {  	s17 =	sld [smem:$0x3FFB];
	_ =	sdelay $0x3  }
0x98: {  	_ =	strace s17  }
0x99: {  	s4 =	sld [smem:$0x3FFC];
	_ =	sdelay $0x3  }
0x9a: {  	_ =	strace s4  }
0x9b: {  	s4 =	sld [smem:$0x3FFD];
	_ =	sdelay $0x3  }
0x9c: {  	_ =	strace s4  }
0x9d: {  	_ =	strace $0x8FFFFFFF  }
0x9e: {  	s18 =	sld [smem:$0x3FDB];
	_ =	sdelay $0x1  }
0x9f: {  	s19 =	simm.s32 $_scs_section_size  }
0xa0: {  	s6 =	simm.s32 $_size__tile_overlayer_lowered;
	s7 =	simm.s32 $_tile_overlayer_lowered  }
0xa1: {  	s22 =	simm.s32 $0x1BFF;
	s21 =	sshll.u32 s7, $0x1;
	s4 =	sadd.s32 s19, s18  }
0xa2: {  	s8 =	simm.s32 $0x0;
	s20 =	sshll.u32 s6, $0x1;
	s6 =	sadd.s32 s21, s4  }
0xa3: {  	[timem:s8], [sflag:s22] =	dma.local [hbm:s6], s20  }
0xa4: {  	_ =	swait.ge [sflag:s22], s20  }
0xa5: {  	s5 =	ssub.s32 $0x0, s20;
	[sflag:s22] =	ssyncset.done $0x0  }
0xa6: {  	[sflag:s22] =	ssyncadd.s32 s5;
	_ =	sdelay $0x1  }
0xa7: {  	s23 =	simm.s32 $0x1B8B  }
0xa8: {  	_ =	swait.ge [sflag:s23], $0x1  }
0xa9: {  	[sflag:s23] =	ssyncset.done $0x0  }
0xaa: {  	s25 =	simm.s32 $0x1B8E;
	s24 =	sld [smem:$0x3FFE];
	[sflag:s23] =	ssyncadd.s32 $0xFFFFFFFF  }
0xab: {  	s26 =	simm.s32 $execute0_lowered;
	[smem:$0x3FD2] =	sst s25  }
0xac: {  	s6 =	sshll.u32 s26, $0x1;
	_ =	strace $0x80000046;
	[dreg:$0x1] =	wrdreg $0xFFFFFFFF  }
0xad: {  	s28 =	simm.s32 $_size_execute0_lowered;
	s4 =	sadd.s32 s4, s6;
	[dreg:$0x0] =	wrdreg $0x0  }
0xae: {  	s6 =	sshll.u32 s28, $0x1;
	[dreg:$0x2] =	wrdreg s4  }
0xaf: {  	[dreg:$0x3] =	wrdreg s6  }
0xb0: {  	[dreg:$0x4] =	wrdreg $0xC0  }
0xb1: {  	_ =	task [dreg:s8], $0x5FFFF  }
0xb2: {  	[dreg:$0x1] =	wrdreg $0xFFFFFFFF  }
0xb3: {  	[dreg:$0x0] =	wrdreg $0x60  }
0xb4: {  	[dreg:$0x2] =	wrdreg s15  }
0xb5: {  	[dreg:$0x3] =	wrdreg s16  }
0xb6: {  	[dreg:$0x4] =	wrdreg s24  }
0xb7: {  	[dreg:$0x5] =	wrdreg $0x9  }
0xb8: {  	_ =	task.clear_ibuf [dreg:s8], $0x6FFFF;
	_ =	strace $0x90000046  }
0xb9: {  	s29 =	simm.s32 $0x9;
	_ =	strace $0x80000048  }
0xba: {  	_ =	swait.ge [sflag:s29], $0x1  }
0xbb: {  	[sflag:s29] =	ssyncadd.s32 $0xFFFFFFFF  }
0xbc: {  	_ =	strace $0x90000048  }
0xbd: {  	_ =	sfence  }
0xbe: {  	s30 =	sld [smem:$0x0];
	_ =	sdelay $0x2  }
0xbf: {  	s31 =	sshll.u32 s1, $0xD;
	s1 =	sshrl.u32 s1, $0x2  }
0xc0: {  	s3 =	sand.u32 $0x4000, s31;
	s1 =	sadd.s32 s1, s30  }
0xc1: {  	s0 =	sor.u32 s3, s0;
	s1 =	sshll.u32 s1, $0x11  }
0xc2: {  	s0 =	sor.u32 s1, s0  }
0xc3: {  	s0 =	sadd.s32 $0x8F2B, s0  }
0xc4: {  	[sflag:s0] =	ssyncadd.remote.s32 $0x1  }
0xc5: {  	_ =	sfence.sel $0xFFFF  }
0xc6: {  	[dreg:$0x0] =	wrdreg $0xFFFFFFFF;
	(pc) =	sbr.abs _section_cstart, $3  }
0xc7: {  	[dreg:$0x1] =	wrdreg $0xFFFFFFFF  }
0xc8: {  	_ =	task.clear_ibuf [dreg:s8], $0x2FFFF;
	_ =	strace $0x9FFFFFFF  }
0xc9: {  	(tm) =	ssettm $0x7FFFFFFF  }
tec
execute0_lowered:
.L_overlay_start_1:
0x0: {  	(tag) =	ssettag $0x1  }
0x1: {  	s3 =	rddreg [dreg:$0x0]  }
0x2: {  	s4 =	rddreg [dreg:$0x1]  }
0x3: {  	s5 =	rddreg [dreg:$0x2];
	s1 =	stileid.u32  }
0x4: {  	s0 =	rddreg [dreg:$0x3];
	s2 =	srdreg.scid  }
0x5: {  	s11 =	simm.s32 $0x1000;
	s12 =	simm.s32 $0x8000;
	s13 =	simm.s32 $0x5800  }
0x6: {  	v0 =	vlaneseq.u32;
	s14 =	simm.s32 $0x0;
	s6 =	sshll.u32 s1, $0x1;
	s7 =	sand.u32 $0x1, s2  }
0x7: {  	s8 =	sshrl.u32 s1, $0x2;
	s2 =	simm.s32 $0x0;
	v0 =	vmul.u32 $0x14, v0;
	s6 =	sand.u32 $0x6, s6  }
0x8: {  	s9 =	smul.u32 $0x48000, s8;
	[smem:$0x7FF] =	sst s2;
	s30 =	sshll.u32 s8, $0x7  }
0x9: {  	s8 =	sshll.u32 s8, $0x4;
	s6 =	sor.u32 s7, s6;
	_ =	strace $0x80000047;
	v1 =	vor.u32 $0x1, v0  }
0xa: {  	s7 =	ssub.s32 $0x2, s7;
	v2 =	vor.u32 $0x2, v0;
	v3 =	vor.u32 $0x3, v0;
	v4 =	vadd.s32 $0x4, v0;
	s10 =	sshll.u32 s6, $0xC;
	s6 =	smul.u32 $0xA000, s6  }
0xb: {  	v5 =	vadd.s32 $0x5, v0;
	v6 =	vadd.s32 $0x6, v0;
	v7 =	vadd.s32 $0x7, v0;
	s3 =	sadd.s32 s3, s8;
	s8 =	simm.s32 $0x200;
	s31 =	sshrl.u32 s7, $0x1  }
0xc: {  	v8 =	vadd.s32 $0x8, v0;
	v9 =	vadd.s32 $0x9, v0;
	v10 =	vadd.s32 $0xA, v0;
	s9 =	sor.u32 s9, s10;
	s7 =	ssub.s32 s7, s31;
	s6 =	sor.u32 s30, s6  }
0xd: {  	v11 =	vadd.s32 $0xB, v0;
	v12 =	vadd.s32 $0xC, v0;
	v13 =	vadd.s32 $0xD, v0;
	s10 =	simm.s32 $0x3000;
	s9 =	sshrl.u32 s9, $0x3;
	s6 =	sshrl.u32 s6, $0x3  }
0xe: {  	v14 =	vadd.s32 $0xE, v0;
	v15 =	vadd.s32 $0xF, v0;
	v16 =	vadd.s32 $0x10, v0;
	s5 =	sadd.s32 s9, s5;
	s9 =	simm.s32 $0x1;
	s4 =	sadd.s32 s4, s6  }
0xf: {  	v17 =	vadd.s32 $0x11, v0;
	v18 =	vadd.s32 $0x12, v0;
	v19 =	vadd.s32 $0x13, v0;
	s5 =	sadd.s32 $0x1A00, s5;
	s6 =	smax.u32 s7, $0x1;
	s7 =	simm.s32 $0x80  }
.LBB2_1:
0x10: {  	[tilespmem:s2], [sflag:$0x1] =	stream.strided.gather [hbm4b:s3+s7], $0x3000, s8, s7, $0x38;
	[tilespmem:$0xE800] =	vst v63  }
0x11: {  	_ =	swait.ge [sflag:s9], $0x3000  }
0x12: {  	[sflag:s9] =	ssyncset.done $0x0  }
0x13: {  	[sflag:s9] =	ssyncadd.s32 $0xFFFFD000  }
0x14: {  	[tilespmem:s10], [sflag:$0x1] =	stream.strided.gather [hbm4b:s4+s7], $0x2800, s8, s7, $0x38;
	[tilespmem:$0xE800] =	vst v63  }
0x15: {  	_ =	swait.ge [sflag:s9], $0x2800  }
0x16: {  	[sflag:s9] =	ssyncset.done $0x0  }
0x17: {  	s15 =	simm.s32 $0x0;
	s16 =	simm.s32 $0x0;
	[sflag:s9] =	ssyncadd.s32 $0xFFFFD800  }
.LBB2_2:
0x18: {  	v20 =	vmov s16  }
0x19: {  	v20 =	vmul.u32 $0x14, v20;
	_ =	sdelay $0x1  }
0x1a: {  	v20 =	vbroadcast v20, $0x0;
	_ =	sdelay $0x1  }
0x1b: {  	v21 =	vadd.s32 v0, v20;
	_ =	sdelay $0x4  }
0x1c: {  	v21 =	vld.idx.msk [tilespmem:v21+s10+$0x0], $0xffff;
	_ =	sdelay $0x7  }
0x1d: {  	v22 =	vld.idx.msk [tilespmem:v21+s2+$0x0], $0xffff  }
0x1e: {  	v23 =	vadd.s32 $0x1000, v21;
	_ =	sdelay $0x1  }
0x1f: {  	s17 =	sand.u32 $0x70, s16;
	s18 =	sand.u32 $0xC00, s15  }
0x20: {  	s17 =	sor.u32 s17, s18  }
0x21: {  	[tilespmem:s17+$0x5800] =	vst v22  }
0x22: {  	v22 =	vld.idx.msk [tilespmem:v23+s2+$0x0], $0xffff  }
0x23: {  	v21 =	vadd.s32 $0x2000, v21;
	_ =	sdelay $0x3  }
0x24: {  	[tilespmem:s17+$0x8800] =	vst v22  }
0x25: {  	v21 =	vld.idx.msk [tilespmem:v21+s2+$0x0], $0xffff  }
0x26: {  	v27 =	vadd.s32 v1, v20;
	_ =	sdelay $0x3  }
0x27: {  	[tilespmem:s17+$0xB800] =	vst v21  }
0x28: {  	v21 =	vld.idx.msk [tilespmem:v27+s10+$0x0], $0xffff;
	_ =	sdelay $0x7  }
0x29: {  	v22 =	vld.idx.msk [tilespmem:v21+s2+$0x0], $0xffff  }
0x2a: {  	v28 =	vadd.s32 $0x1000, v21;
	_ =	sdelay $0x3  }
0x2b: {  	[tilespmem:s17+$0x5880] =	vst v22  }
0x2c: {  	v22 =	vld.idx.msk [tilespmem:v28+s2+$0x0], $0xffff  }
0x2d: {  	v21 =	vadd.s32 $0x2000, v21;
	_ =	sdelay $0x3  }
0x2e: {  	[tilespmem:s17+$0x8880] =	vst v22  }
0x2f: {  	v21 =	vld.idx.msk [tilespmem:v21+s2+$0x0], $0xffff  }
0x30: {  	v29 =	vadd.s32 v2, v20;
	_ =	sdelay $0x3  }
0x31: {  	[tilespmem:s17+$0xB880] =	vst v21  }
0x32: {  	v21 =	vld.idx.msk [tilespmem:v29+s10+$0x0], $0xffff;
	_ =	sdelay $0x7  }
0x33: {  	v22 =	vld.idx.msk [tilespmem:v21+s2+$0x0], $0xffff  }
0x34: {  	v30 =	vadd.s32 $0x1000, v21;
	_ =	sdelay $0x3  }
0x35: {  	[tilespmem:s17+$0x5900] =	vst v22  }
0x36: {  	v22 =	vld.idx.msk [tilespmem:v30+s2+$0x0], $0xffff  }
0x37: {  	v21 =	vadd.s32 $0x2000, v21;
	_ =	sdelay $0x3  }
0x38: {  	[tilespmem:s17+$0x8900] =	vst v22  }
0x39: {  	v21 =	vld.idx.msk [tilespmem:v21+s2+$0x0], $0xffff  }
0x3a: {  	v31 =	vadd.s32 v3, v20;
	_ =	sdelay $0x3  }
0x3b: {  	[tilespmem:s17+$0xB900] =	vst v21  }
0x3c: {  	v21 =	vld.idx.msk [tilespmem:v31+s10+$0x0], $0xffff;
	_ =	sdelay $0x7  }
0x3d: {  	v22 =	vld.idx.msk [tilespmem:v21+s2+$0x0], $0xffff  }
0x3e: {  	v32 =	vadd.s32 $0x1000, v21;
	_ =	sdelay $0x3  }
0x3f: {  	[tilespmem:s17+$0x5980] =	vst v22  }
0x40: {  	v22 =	vld.idx.msk [tilespmem:v32+s2+$0x0], $0xffff  }
0x41: {  	v21 =	vadd.s32 $0x2000, v21;
	_ =	sdelay $0x3  }
0x42: {  	[tilespmem:s17+$0x8980] =	vst v22  }
0x43: {  	v21 =	vld.idx.msk [tilespmem:v21+s2+$0x0], $0xffff  }
0x44: {  	v33 =	vadd.s32 v4, v20;
	_ =	sdelay $0x3  }
0x45: {  	[tilespmem:s17+$0xB980] =	vst v21  }
0x46: {  	v21 =	vld.idx.msk [tilespmem:v33+s10+$0x0], $0xffff;
	_ =	sdelay $0x7  }
0x47: {  	v22 =	vld.idx.msk [tilespmem:v21+s2+$0x0], $0xffff  }
0x48: {  	v34 =	vadd.s32 $0x1000, v21;
	_ =	sdelay $0x3  }
0x49: {  	[tilespmem:s17+$0x5A00] =	vst v22  }
0x4a: {  	v22 =	vld.idx.msk [tilespmem:v34+s2+$0x0], $0xffff  }
0x4b: {  	v21 =	vadd.s32 $0x2000, v21;
	_ =	sdelay $0x3  }
0x4c: {  	[tilespmem:s17+$0x8A00] =	vst v22  }
0x4d: {  	v21 =	vld.idx.msk [tilespmem:v21+s2+$0x0], $0xffff  }
0x4e: {  	v35 =	vadd.s32 v5, v20;
	_ =	sdelay $0x3  }
0x4f: {  	[tilespmem:s17+$0xBA00] =	vst v21  }
0x50: {  	v21 =	vld.idx.msk [tilespmem:v35+s10+$0x0], $0xffff;
	_ =	sdelay $0x7  }
0x51: {  	v22 =	vld.idx.msk [tilespmem:v21+s2+$0x0], $0xffff  }
0x52: {  	v36 =	vadd.s32 $0x1000, v21;
	_ =	sdelay $0x3  }
0x53: {  	[tilespmem:s17+$0x5A80] =	vst v22  }
0x54: {  	v22 =	vld.idx.msk [tilespmem:v36+s2+$0x0], $0xffff  }
0x55: {  	v21 =	vadd.s32 $0x2000, v21;
	_ =	sdelay $0x3  }
0x56: {  	[tilespmem:s17+$0x8A80] =	vst v22  }
0x57: {  	v21 =	vld.idx.msk [tilespmem:v21+s2+$0x0], $0xffff  }
0x58: {  	v37 =	vadd.s32 v6, v20;
	_ =	sdelay $0x3  }
0x59: {  	[tilespmem:s17+$0xBA80] =	vst v21  }
0x5a: {  	v21 =	vld.idx.msk [tilespmem:v37+s10+$0x0], $0xffff;
	_ =	sdelay $0x7  }
0x5b: {  	v22 =	vld.idx.msk [tilespmem:v21+s2+$0x0], $0xffff  }
0x5c: {  	v38 =	vadd.s32 $0x1000, v21;
	_ =	sdelay $0x3  }
0x5d: {  	[tilespmem:s17+$0x5B00] =	vst v22  }
0x5e: {  	v22 =	vld.idx.msk [tilespmem:v38+s2+$0x0], $0xffff  }
0x5f: {  	v21 =	vadd.s32 $0x2000, v21;
	_ =	sdelay $0x3  }
0x60: {  	[tilespmem:s17+$0x8B00] =	vst v22  }
0x61: {  	v21 =	vld.idx.msk [tilespmem:v21+s2+$0x0], $0xffff  }
0x62: {  	v39 =	vadd.s32 v7, v20;
	_ =	sdelay $0x3  }
0x63: {  	[tilespmem:s17+$0xBB00] =	vst v21  }
0x64: {  	v21 =	vld.idx.msk [tilespmem:v39+s10+$0x0], $0xffff;
	_ =	sdelay $0x7  }
0x65: {  	v22 =	vld.idx.msk [tilespmem:v21+s2+$0x0], $0xffff  }
0x66: {  	v40 =	vadd.s32 $0x1000, v21;
	_ =	sdelay $0x1  }
0x67: {  	s31 =	sor.u32 s15, s16  }
0x68: {  	s18 =	sor.u32 $0x380, s31  }
0x69: {  	[tilespmem:s18+$0x5800] =	vst v22  }
0x6a: {  	v22 =	vld.idx.msk [tilespmem:v40+s2+$0x0], $0xffff  }
0x6b: {  	v21 =	vadd.s32 $0x2000, v21;
	_ =	sdelay $0x3  }
0x6c: {  	[tilespmem:s17+$0x8B80] =	vst v22  }
0x6d: {  	v21 =	vld.idx.msk [tilespmem:v21+s2+$0x0], $0xffff  }
0x6e: {  	v41 =	vadd.s32 v8, v20;
	_ =	sdelay $0x3  }
0x6f: {  	[tilespmem:s17+$0xBB80] =	vst v21  }
0x70: {  	v21 =	vld.idx.msk [tilespmem:v41+s10+$0x0], $0xffff;
	_ =	sdelay $0x7  }
0x71: {  	v22 =	vld.idx.msk [tilespmem:v21+s2+$0x0], $0xffff  }
0x72: {  	v42 =	vadd.s32 $0x1000, v21;
	_ =	sdelay $0x3  }
0x73: {  	[tilespmem:s17+$0x6800] =	vst v22  }
0x74: {  	v22 =	vld.idx.msk [tilespmem:v42+s2+$0x0], $0xffff  }
0x75: {  	v21 =	vadd.s32 $0x2000, v21;
	_ =	sdelay $0x3  }
0x76: {  	[tilespmem:s17+$0x9800] =	vst v22  }
0x77: {  	v21 =	vld.idx.msk [tilespmem:v21+s2+$0x0], $0xffff  }
0x78: {  	v43 =	vadd.s32 v9, v20;
	_ =	sdelay $0x3  }
0x79: {  	[tilespmem:s17+$0xC800] =	vst v21  }
0x7a: {  	v21 =	vld.idx.msk [tilespmem:v43+s10+$0x0], $0xffff;
	_ =	sdelay $0x7  }
0x7b: {  	v22 =	vld.idx.msk [tilespmem:v21+s2+$0x0], $0xffff  }
0x7c: {  	v44 =	vadd.s32 $0x1000, v21;
	_ =	sdelay $0x3  }
0x7d: {  	[tilespmem:s17+$0x6880] =	vst v22  }
0x7e: {  	v22 =	vld.idx.msk [tilespmem:v44+s2+$0x0], $0xffff  }
0x7f: {  	v21 =	vadd.s32 $0x2000, v21;
	_ =	sdelay $0x3  }
0x80: {  	[tilespmem:s17+$0x9880] =	vst v22  }
0x81: {  	v21 =	vld.idx.msk [tilespmem:v21+s2+$0x0], $0xffff  }
0x82: {  	v45 =	vadd.s32 v10, v20;
	_ =	sdelay $0x3  }
0x83: {  	[tilespmem:s17+$0xC880] =	vst v21  }
0x84: {  	v21 =	vld.idx.msk [tilespmem:v45+s10+$0x0], $0xffff;
	_ =	sdelay $0x7  }
0x85: {  	v22 =	vld.idx.msk [tilespmem:v21+s2+$0x0], $0xffff  }
0x86: {  	v46 =	vadd.s32 $0x1000, v21;
	_ =	sdelay $0x3  }
0x87: {  	[tilespmem:s17+$0x6900] =	vst v22  }
0x88: {  	v22 =	vld.idx.msk [tilespmem:v46+s2+$0x0], $0xffff  }
0x89: {  	v21 =	vadd.s32 $0x2000, v21;
	_ =	sdelay $0x3  }
0x8a: {  	[tilespmem:s17+$0x9900] =	vst v22  }
0x8b: {  	v21 =	vld.idx.msk [tilespmem:v21+s2+$0x0], $0xffff  }
0x8c: {  	v47 =	vadd.s32 v11, v20;
	_ =	sdelay $0x3  }
0x8d: {  	[tilespmem:s17+$0xC900] =	vst v21  }
0x8e: {  	v21 =	vld.idx.msk [tilespmem:v47+s10+$0x0], $0xffff;
	_ =	sdelay $0x7  }
0x8f: {  	v22 =	vld.idx.msk [tilespmem:v21+s2+$0x0], $0xffff  }
0x90: {  	v48 =	vadd.s32 $0x1000, v21;
	_ =	sdelay $0x3  }
0x91: {  	[tilespmem:s17+$0x6980] =	vst v22  }
0x92: {  	v22 =	vld.idx.msk [tilespmem:v48+s2+$0x0], $0xffff  }
0x93: {  	v21 =	vadd.s32 $0x2000, v21;
	_ =	sdelay $0x3  }
0x94: {  	[tilespmem:s17+$0x9980] =	vst v22  }
0x95: {  	v21 =	vld.idx.msk [tilespmem:v21+s2+$0x0], $0xffff  }
0x96: {  	v49 =	vadd.s32 v12, v20;
	_ =	sdelay $0x3  }
0x97: {  	[tilespmem:s17+$0xC980] =	vst v21  }
0x98: {  	v21 =	vld.idx.msk [tilespmem:v49+s10+$0x0], $0xffff;
	_ =	sdelay $0x7  }
0x99: {  	v22 =	vld.idx.msk [tilespmem:v21+s2+$0x0], $0xffff  }
0x9a: {  	v50 =	vadd.s32 $0x1000, v21;
	_ =	sdelay $0x3  }
0x9b: {  	[tilespmem:s17+$0x6A00] =	vst v22  }
0x9c: {  	v22 =	vld.idx.msk [tilespmem:v50+s2+$0x0], $0xffff  }
0x9d: {  	v21 =	vadd.s32 $0x2000, v21;
	_ =	sdelay $0x3  }
0x9e: {  	[tilespmem:s17+$0x9A00] =	vst v22  }
0x9f: {  	v21 =	vld.idx.msk [tilespmem:v21+s2+$0x0], $0xffff  }
0xa0: {  	v51 =	vadd.s32 v13, v20;
	_ =	sdelay $0x3  }
0xa1: {  	[tilespmem:s17+$0xCA00] =	vst v21  }
0xa2: {  	v21 =	vld.idx.msk [tilespmem:v51+s10+$0x0], $0xffff;
	_ =	sdelay $0x7  }
0xa3: {  	v22 =	vld.idx.msk [tilespmem:v21+s2+$0x0], $0xffff  }
0xa4: {  	v52 =	vadd.s32 $0x1000, v21;
	_ =	sdelay $0x3  }
0xa5: {  	[tilespmem:s17+$0x6A80] =	vst v22  }
0xa6: {  	v22 =	vld.idx.msk [tilespmem:v52+s2+$0x0], $0xffff  }
0xa7: {  	v21 =	vadd.s32 $0x2000, v21;
	_ =	sdelay $0x3  }
0xa8: {  	[tilespmem:s17+$0x9A80] =	vst v22  }
0xa9: {  	v21 =	vld.idx.msk [tilespmem:v21+s2+$0x0], $0xffff  }
0xaa: {  	v53 =	vadd.s32 v14, v20;
	_ =	sdelay $0x3  }
0xab: {  	[tilespmem:s17+$0xCA80] =	vst v21  }
0xac: {  	v21 =	vld.idx.msk [tilespmem:v53+s10+$0x0], $0xffff;
	_ =	sdelay $0x7  }
0xad: {  	v22 =	vld.idx.msk [tilespmem:v21+s2+$0x0], $0xffff  }
0xae: {  	v54 =	vadd.s32 $0x1000, v21;
	_ =	sdelay $0x3  }
0xaf: {  	[tilespmem:s17+$0x6B00] =	vst v22  }
0xb0: {  	v22 =	vld.idx.msk [tilespmem:v54+s2+$0x0], $0xffff  }
0xb1: {  	v21 =	vadd.s32 $0x2000, v21;
	_ =	sdelay $0x3  }
0xb2: {  	[tilespmem:s17+$0x9B00] =	vst v22  }
0xb3: {  	v21 =	vld.idx.msk [tilespmem:v21+s2+$0x0], $0xffff  }
0xb4: {  	v55 =	vadd.s32 v15, v20;
	_ =	sdelay $0x3  }
0xb5: {  	[tilespmem:s17+$0xCB00] =	vst v21  }
0xb6: {  	v21 =	vld.idx.msk [tilespmem:v55+s10+$0x0], $0xffff;
	_ =	sdelay $0x7  }
0xb7: {  	v22 =	vld.idx.msk [tilespmem:v21+s2+$0x0], $0xffff  }
0xb8: {  	v56 =	vadd.s32 $0x1000, v21;
	_ =	sdelay $0x3  }
0xb9: {  	[tilespmem:s17+$0x6B80] =	vst v22  }
0xba: {  	v22 =	vld.idx.msk [tilespmem:v56+s2+$0x0], $0xffff  }
0xbb: {  	v21 =	vadd.s32 $0x2000, v21;
	_ =	sdelay $0x3  }
0xbc: {  	[tilespmem:s17+$0x9B80] =	vst v22  }
0xbd: {  	v21 =	vld.idx.msk [tilespmem:v21+s2+$0x0], $0xffff  }
0xbe: {  	v57 =	vadd.s32 v16, v20;
	_ =	sdelay $0x3  }
0xbf: {  	[tilespmem:s17+$0xCB80] =	vst v21  }
0xc0: {  	v21 =	vld.idx.msk [tilespmem:v57+s10+$0x0], $0xffff;
	_ =	sdelay $0x7  }
0xc1: {  	v22 =	vld.idx.msk [tilespmem:v21+s2+$0x0], $0xffff  }
0xc2: {  	v58 =	vadd.s32 $0x1000, v21;
	_ =	sdelay $0x3  }
0xc3: {  	[tilespmem:s17+$0x7800] =	vst v22  }
0xc4: {  	v22 =	vld.idx.msk [tilespmem:v58+s2+$0x0], $0xffff  }
0xc5: {  	v21 =	vadd.s32 $0x2000, v21;
	_ =	sdelay $0x3  }
0xc6: {  	[tilespmem:s17+$0xA800] =	vst v22  }
0xc7: {  	v21 =	vld.idx.msk [tilespmem:v21+s2+$0x0], $0xffff  }
0xc8: {  	v59 =	vadd.s32 v17, v20;
	_ =	sdelay $0x3  }
0xc9: {  	[tilespmem:s17+$0xD800] =	vst v21  }
0xca: {  	v21 =	vld.idx.msk [tilespmem:v59+s10+$0x0], $0xffff;
	_ =	sdelay $0x7  }
0xcb: {  	v22 =	vld.idx.msk [tilespmem:v21+s2+$0x0], $0xffff  }
0xcc: {  	v60 =	vadd.s32 $0x1000, v21;
	_ =	sdelay $0x3  }
0xcd: {  	[tilespmem:s17+$0x7880] =	vst v22  }
0xce: {  	v22 =	vld.idx.msk [tilespmem:v60+s2+$0x0], $0xffff  }
0xcf: {  	v21 =	vadd.s32 $0x2000, v21;
	_ =	sdelay $0x3  }
0xd0: {  	[tilespmem:s17+$0xA880] =	vst v22  }
0xd1: {  	v21 =	vld.idx.msk [tilespmem:v21+s2+$0x0], $0xffff  }
0xd2: {  	v61 =	vadd.s32 v18, v20;
	_ =	sdelay $0x3  }
0xd3: {  	[tilespmem:s17+$0xD880] =	vst v21  }
0xd4: {  	v21 =	vld.idx.msk [tilespmem:v61+s10+$0x0], $0xffff;
	_ =	sdelay $0x7  }
0xd5: {  	v22 =	vld.idx.msk [tilespmem:v21+s2+$0x0], $0xffff  }
0xd6: {  	v62 =	vadd.s32 $0x1000, v21;
	_ =	sdelay $0x3  }
0xd7: {  	[tilespmem:s17+$0x7900] =	vst v22  }
0xd8: {  	v22 =	vld.idx.msk [tilespmem:v62+s2+$0x0], $0xffff  }
0xd9: {  	v21 =	vadd.s32 $0x2000, v21;
	_ =	sdelay $0x3  }
0xda: {  	[tilespmem:s17+$0xA900] =	vst v22  }
0xdb: {  	v21 =	vld.idx.msk [tilespmem:v21+s2+$0x0], $0xffff  }
0xdc: {  	v20 =	vadd.s32 v19, v20;
	_ =	sdelay $0x3  }
0xdd: {  	[tilespmem:s17+$0xD900] =	vst v21  }
0xde: {  	v20 =	vld.idx.msk [tilespmem:v20+s10+$0x0], $0xffff;
	_ =	sdelay $0x7  }
0xdf: {  	v21 =	vld.idx.msk [tilespmem:v20+s2+$0x0], $0xffff  }
0xe0: {  	v63 =	vadd.s32 $0x1000, v20;
	_ =	sdelay $0x3  }
0xe1: {  	[tilespmem:s17+$0x7980] =	vst v21  }
0xe2: {  	v21 =	vld.idx.msk [tilespmem:v63+s2+$0x0], $0xffff  }
0xe3: {  	v20 =	vadd.s32 $0x2000, v20;
	_ =	sdelay $0x3  }
0xe4: {  	[tilespmem:s17+$0xA980] =	vst v21  }
0xe5: {  	p0 =	sne.s32 s16, $0x1F0;
	v20 =	vld.idx.msk [tilespmem:v20+s2+$0x0], $0xffff  }
.Ltmp0:
0xe6: {  	_ = 	snop;
	(pc) =	sbr.rel @p0 .LBB2_2-.Ltmp0, $2  }
0xe7: {  	_ =	sdelay $0x2  }
0xe8: {  	s15 =	sadd.s32 $0x80, s15;
	s16 =	sadd.s32 $0x10, s16;
	[tilespmem:s17+$0xD980] =	vst v20  }
0xe9: {  	s14 =	sadd.s32 $0x1, s14  }
0xea: {  	p0 =	sne.s32 s14, s6  }
.Ltmp1:
0xeb: {  	_ = 	snop;
	(pc) =	sbr.rel @p0 .LBB2_1-.Ltmp1, $4  }
0xec: {  	[hbm4b:s5+s11] =	stream.strided.scatter [tilespmem:s13], [sflag:$0x1], $0x9000, s12, s11, $0x38;
	[tilespmem:$0xE800] =	vst v63  }
0xed: {  	_ =	swait.ge [sflag:s9], $0x9000  }
0xee: {  	[sflag:s9] =	ssyncset.done $0x0  }
0xef: {  	[sflag:s9] =	ssyncadd.s32 $0xFFFF7000  }
0xf0: {  	_ =	sfence.sel $0x180000  }
0xf1: {  	[bflag:$0x0] =	sbarrier.arrive $0xFFFF  }
0xf2: {  	p0 =	sne.s32 s1, $0x0;
	_ =	strace $0x90000047  }
0xf3: {  	s0 =	sadd.s32 @!p0 $0x100000, s0;
	[bflag:$0x2] =	sbarrier.arrive $0xFFFF  }
0xf4: {  	[sflag:s0] =	ssyncadd.tile.s32 @!p0 $0x1;
	_ =	shalt  }
.Lfunc_end2:
_tile_overlayer_lowered:
.L_overlay_start_2:
0xf5: {  	(tag) =	ssettag $0x2  }
0xf6: {  	s0 =	rddreg [dreg:$0x0];
	s2 =	stileid.u32  }
0xf7: {  	s1 =	rddreg [dreg:$0x1];
	p0 =	sne.s32 s2, $0x0  }
0xf8: {  	s3 =	rddreg [dreg:$0x2];
	[bflag:$0x3] =	sbarrier.arrive $0xFFFF;
	s2 =	simm.s32 @!p0 $0x1C01  }
0xf9: {  	[timem:s3], [sflag:s2] =	dma.local @!p0 [hbm:s0], s1  }
0xfa: {  	s0 =	simm.s32 @!p0 $0x1  }
0xfb: {  	_ =	swait.ge @!p0 [sflag:s0], s1  }
0xfc: {  	s1 =	ssub.s32 @!p0 $0x0, s1;
	[sflag:s0] =	ssyncset.done @!p0 $0x0  }
0xfd: {  	[sflag:s0] =	ssyncadd.s32 @!p0 s1  }
0xfe: {  	[bflag:$0x3] =	sbarrier.arrive $0xFFFF  }
0xff: {  	_ =	shalt  }

</sc_bundles>
